<compile_context>
chip_gen: v7x
topology: tpu7x:2x2x1
jax: 0.10.2.dev20260603
libtpu: 0.0.44.dev20260713+nightly
codegen_flags: <defaults>
</compile_context>

<pallas_src>
import functools

import jax
import jax.numpy as jnp
from jax import lax
from jax.experimental import pallas as pl
from jax.experimental.pallas import tpu as pltpu
from jax.experimental.pallas import tpu_sc as plsc

_MAX_LEN = 512
_LANES = 16
_NBUF = 4


def _positional_encodings(max_len, embed_dim):
    pos = jnp.arange(0, max_len, dtype=jnp.float32).reshape(-1, 1)
    skip = jnp.arange(0, embed_dim, 2, dtype=jnp.float32)
    denom = 10000.0 ** (skip / embed_dim)
    enc = jnp.zeros((max_len, embed_dim), dtype=jnp.float32)
    enc = enc.at[:, 0::2].set(jnp.sin(pos / denom))
    enc = enc.at[:, 1::2].set(jnp.cos(pos / denom))
    return enc


def kernel(input_ids, src_table):
    B, L = input_ids.shape
    V, D = src_table.shape
    ids = input_ids.astype(jnp.int32)
    enc = _positional_encodings(_MAX_LEN, D)[:L].astype(jnp.float32)

    info = plsc.get_sparse_core_info()
    NC, NS = info.num_cores, info.num_subcores
    NW = NC * NS
    assert B % NW == 0, (B, NW)
    rows_per_w = B // NW
    assert rows_per_w % _NBUF == 0
    assert D % _LANES == 0
    splits = [(o, min(128, L - o)) for o in range(0, L, 128)]

    mesh = plsc.VectorSubcoreMesh(core_axis_name="c", subcore_axis_name="s")

    @functools.partial(
        pl.kernel,
        mesh=mesh,
        compiler_params=pltpu.CompilerParams(use_tc_tiling_on_sc=False),
        out_type=jax.ShapeDtypeStruct((B, L, D), jnp.float32),
        scratch_types=[
            pltpu.VMEM((rows_per_w, L), jnp.int32),
            pltpu.VMEM((_NBUF, L, D), jnp.float32),
            pltpu.VMEM((L, D), jnp.float32),
            [pltpu.SemaphoreType.DMA] * _NBUF,
            [pltpu.SemaphoreType.DMA] * _NBUF,
        ],
    )
    def run(ids_hbm, table_hbm, enc_hbm, out_hbm, idx_all, rows_v, enc_v,
            gsems, osems):
        wid = lax.axis_index("s") * NC + lax.axis_index("c")
        row0 = wid * rows_per_w

        pltpu.sync_copy(enc_hbm, enc_v)
        pltpu.sync_copy(ids_hbm.at[pl.ds(row0, rows_per_w)], idx_all)

        def start_gather(g, b):
            for (o, n) in splits:
                pltpu.async_copy(
                    table_hbm.at[idx_all.at[g, pl.ds(o, n)]],
                    rows_v.at[b, pl.ds(o, n)],
                    gsems[b],
                )

        def wait_gather(b):
            pltpu.make_async_copy(
                table_hbm.at[pl.ds(0, L)], rows_v.at[b], gsems[b]).wait()

        def wait_out(b):
            pltpu.make_async_copy(
                rows_v.at[b], out_hbm.at[row0], osems[b]).wait()

        def add_enc(b):
            def add_body(i, carry):
                i0 = i * 4
                for dr in range(4):
                    for k in range(D // _LANES):
                        sl = pl.ds(k * _LANES, _LANES)
                        rows_v[b, i0 + dr, sl] = (
                            rows_v[b, i0 + dr, sl] + enc_v[i0 + dr, sl])
                return carry

            lax.fori_loop(0, L // 4, add_body, 0)
            rem = L % 4
            for dr in range(rem):
                for k in range(D // _LANES):
                    sl = pl.ds(k * _LANES, _LANES)
                    rows_v[b, L - rem + dr, sl] = (
                        rows_v[b, L - rem + dr, sl] + enc_v[L - rem + dr, sl])

        for b in range(_NBUF):
            start_gather(b, b)

        def outer(t, carry):
            for b in range(_NBUF):
                g = t * _NBUF + b
                bp = (b - 1) % _NBUF
                g_next = g + _NBUF - 1
                wait_gather(b)
                add_enc(b)

                @pl.when(jnp.logical_and(g_next >= _NBUF,
                                         g_next < rows_per_w))
                def _():
                    wait_out(bp)
                    start_gather(g_next, bp)

                pltpu.async_copy(rows_v.at[b], out_hbm.at[row0 + g], osems[b])
            return carry

        lax.fori_loop(0, rows_per_w // _NBUF, outer, 0)

        for b in range(_NBUF):
            wait_out(b)

    return run(ids, src_table, enc)

# --- scband reference (transcript-rebuilt; emitter-appended) ---
"""Pipeline reference for scband-embeddings-6098853560717 (READ-ONLY COPY).

The authoritative reference and input builder live on the scoring server;
editing this copy changes nothing except your own understanding.
"""

import jax, jax.numpy as jnp
import numpy as np

MAX_LEN = 512
EMBED_DIM = 64
VOCAB = 1000000


def build_positional_encodings(max_len, embed_dim):
    pos = jnp.arange(0, max_len, dtype=jnp.float32).reshape(-1, 1)
    skip = jnp.arange(0, embed_dim, 2, dtype=jnp.float32)
    denom = 10000.0 ** (skip / embed_dim)
    enc = jnp.zeros((max_len, embed_dim), dtype=jnp.float32)
    enc = enc.at[:, 0::2].set(jnp.sin(pos / denom))
    enc = enc.at[:, 1::2].set(jnp.cos(pos / denom))
    return enc


def setup_inputs(seed: int = 0) -> dict:
    key = jax.random.key(seed)
    k1, k2 = jax.random.split(key)
    input_ids = jax.random.randint(k1, (4096, 200), 0, VOCAB, dtype=jnp.int64 if jax.config.jax_enable_x64 else jnp.int32)
    src_table = jax.random.normal(k2, (VOCAB, EMBED_DIM), dtype=jnp.float32)
    return {"input_ids": input_ids, "src_table": src_table}


def reference(input_ids, src_table):
    # Token embedding lookup (gather)
    emb = jnp.take(src_table, input_ids, axis=0)  # [B, L, D]
    # Sin/cos positional encodings (non-learnable buffer)
    enc = build_positional_encodings(MAX_LEN, EMBED_DIM)
    seq_len = emb.shape[1]
    emb = emb + enc[:seq_len]
    return emb

if __name__ == "__main__":
    import jax
    _d = setup_inputs()
    print(jax.jit(kernel)(*tuple(_d.values())))

</pallas_src>

<mosaic_0001>
#map = affine_map<(d0, d1) -> (0, 0)>
#map1 = affine_map<(d0, d1) -> (0, 0, 0)>
module attributes {stable_mosaic.version = 14 : i64} {
  func.func @run(%arg0: i32, %arg1: i32, %arg2: memref<4096x200xi32, #tpu.memory_space<hbm>>, %arg3: memref<1000000x64xf32, #tpu.memory_space<hbm>>, %arg4: memref<200x64xf32, #tpu.memory_space<hbm>>, %arg5: memref<4096x200x64xf32, #tpu.memory_space<hbm>>, %arg6: memref<128x200xi32, #tpu.memory_space<vmem>>, %arg7: memref<4x200x64xf32, #tpu.memory_space<vmem>>, %arg8: memref<200x64xf32, #tpu.memory_space<vmem>>, %arg9: memref<!tpu.dma_semaphore, #tpu.memory_space<semaphore_mem>>, %arg10: memref<!tpu.dma_semaphore, #tpu.memory_space<semaphore_mem>>, %arg11: memref<!tpu.dma_semaphore, #tpu.memory_space<semaphore_mem>>, %arg12: memref<!tpu.dma_semaphore, #tpu.memory_space<semaphore_mem>>, %arg13: memref<!tpu.dma_semaphore, #tpu.memory_space<semaphore_mem>>, %arg14: memref<!tpu.dma_semaphore, #tpu.memory_space<semaphore_mem>>, %arg15: memref<!tpu.dma_semaphore, #tpu.memory_space<semaphore_mem>>, %arg16: memref<!tpu.dma_semaphore, #tpu.memory_space<semaphore_mem>>) attributes {dimension_semantics = [#tpu.dimension_semantics<core_parallel>, #tpu.dimension_semantics<subcore_parallel>], iteration_bounds = array<i64: 2, 16>, scalar_prefetch = 0 : i64, scratch_operands = 11 : i64, tpu.core_type = #tpu.core_type<sc_vector_subcore>, window_params = [{transform_indices = #map}, {transform_indices = #map}, {transform_indices = #map}, {transform_indices = #map1}]} {
    %mul3A = arith.constant 2 : i32
    %mul3A_0 = arith.muli %arg1, %mul3A : i32
    %add3A = arith.addi %mul3A_0, %arg0 : i32
    %mul3A_1 = arith.constant 128 : i32
    %mul3A_2 = arith.muli %add3A, %mul3A_1 : i32
    "tpu.region"() ({
      %run_scoped3A = tpu.sem_alloc : memref<!tpu.dma_semaphore, #tpu.memory_space<semaphore_mem>>
      tpu.enqueue_dma source(%arg4 : memref<200x64xf32, #tpu.memory_space<hbm>>) target(%arg8 : memref<200x64xf32, #tpu.memory_space<vmem>>) target_semaphore(%run_scoped3A : memref<!tpu.dma_semaphore, #tpu.memory_space<semaphore_mem>>)
      tpu.wait_dma2 semaphore(%run_scoped3A : memref<!tpu.dma_semaphore, #tpu.memory_space<semaphore_mem>>) src(%arg4 : memref<200x64xf32, #tpu.memory_space<hbm>>) dst(%arg8 : memref<200x64xf32, #tpu.memory_space<vmem>>)
      tpu.yield
    }) : () -> ()
    "tpu.region"() ({
      %run_scoped3A = tpu.sem_alloc : memref<!tpu.dma_semaphore, #tpu.memory_space<semaphore_mem>>
      %dma_start3A_170 = arith.constant 0 : i32
      %dma_start3A_171 = tpu.memref_slice %arg2[%mul3A_2, %dma_start3A_170] : memref<4096x200xi32, #tpu.memory_space<hbm>> -> memref<128x200xi32, #tpu.memory_space<hbm>>
      %dma_start3A_172 = arith.constant 0 : i32
      %dma_start3A_173 = tpu.memref_slice %arg2[%mul3A_2, %dma_start3A_172] : memref<4096x200xi32, #tpu.memory_space<hbm>> -> memref<128x200xi32, #tpu.memory_space<hbm>>
      tpu.enqueue_dma source(%dma_start3A_173 : memref<128x200xi32, #tpu.memory_space<hbm>>) target(%arg6 : memref<128x200xi32, #tpu.memory_space<vmem>>) target_semaphore(%run_scoped3A : memref<!tpu.dma_semaphore, #tpu.memory_space<semaphore_mem>>)
      %dma_wait3A_174 = arith.constant 0 : i32
      %dma_wait3A_175 = tpu.memref_slice %arg2[%mul3A_2, %dma_wait3A_174] : memref<4096x200xi32, #tpu.memory_space<hbm>> -> memref<128x200xi32, #tpu.memory_space<hbm>>
      %dma_wait3A_176 = arith.constant 0 : i32
      %dma_wait3A_177 = tpu.memref_slice %arg2[%mul3A_2, %dma_wait3A_176] : memref<4096x200xi32, #tpu.memory_space<hbm>> -> memref<128x200xi32, #tpu.memory_space<hbm>>
      tpu.wait_dma2 semaphore(%run_scoped3A : memref<!tpu.dma_semaphore, #tpu.memory_space<semaphore_mem>>) src(%dma_wait3A_177 : memref<128x200xi32, #tpu.memory_space<hbm>>) dst(%arg6 : memref<128x200xi32, #tpu.memory_space<vmem>>)
      tpu.yield
    }) : () -> ()
    %dma_start3A = arith.constant 0 : i32
    %dma_start3A_3 = arith.constant 0 : i32
    %dma_start3A_4 = arith.constant 0 : i32
    %dma_start3A_5 = arith.constant 0 : i32
    %dma_start3A_6 = tpu.memref_slice %arg7[%dma_start3A_3, %dma_start3A_4, %dma_start3A_5] : memref<4x200x64xf32, #tpu.memory_space<vmem>> -> memref<1x128x64xf32, #tpu.memory_space<vmem>>
    %dma_start3A_7 = tpu.memref_squeeze %dma_start3A_6 : memref<1x128x64xf32, #tpu.memory_space<vmem>> -> memref<128x64xf32, #tpu.memory_space<vmem>>
    %dma_start3A_8 = arith.constant 0 : i32
    %dma_start3A_9 = tpu.memref_slice %arg6[%dma_start3A, %dma_start3A_8] : memref<128x200xi32, #tpu.memory_space<vmem>> -> memref<1x128xi32, #tpu.memory_space<vmem>>
    %dma_start3A_10 = tpu.memref_squeeze %dma_start3A_9 : memref<1x128xi32, #tpu.memory_space<vmem>> -> memref<128xi32, #tpu.memory_space<vmem>>
    %dma_start3A_11 = arith.constant 0 : i32
    %dma_start3A_12 = arith.constant 0 : i32
    %dma_start3A_13 = tpu.memref_slice %arg3[%dma_start3A_11, %dma_start3A_12] : memref<1000000x64xf32, #tpu.memory_space<hbm>> -> memref<1000000x64xf32, #tpu.memory_space<hbm>>
    tpu.enqueue_indirect_dma source(%dma_start3A_13 : memref<1000000x64xf32, #tpu.memory_space<hbm>>) target(%dma_start3A_7 : memref<128x64xf32, #tpu.memory_space<vmem>>) offsets(%dma_start3A_10 : memref<128xi32, #tpu.memory_space<vmem>>) semaphore(%arg9 : memref<!tpu.dma_semaphore, #tpu.memory_space<semaphore_mem>>)
    %dma_start3A_14 = arith.constant 0 : i32
    %dma_start3A_15 = arith.constant 0 : i32
    %dma_start3A_16 = arith.constant 128 : i32
    %dma_start3A_17 = arith.constant 0 : i32
    %dma_start3A_18 = tpu.memref_slice %arg7[%dma_start3A_15, %dma_start3A_16, %dma_start3A_17] : memref<4x200x64xf32, #tpu.memory_space<vmem>> -> memref<1x72x64xf32, #tpu.memory_space<vmem>>
    %dma_start3A_19 = tpu.memref_squeeze %dma_start3A_18 : memref<1x72x64xf32, #tpu.memory_space<vmem>> -> memref<72x64xf32, #tpu.memory_space<vmem>>
    %dma_start3A_20 = arith.constant 128 : i32
    %dma_start3A_21 = tpu.memref_slice %arg6[%dma_start3A_14, %dma_start3A_20] : memref<128x200xi32, #tpu.memory_space<vmem>> -> memref<1x72xi32, #tpu.memory_space<vmem>>
    %dma_start3A_22 = tpu.memref_squeeze %dma_start3A_21 : memref<1x72xi32, #tpu.memory_space<vmem>> -> memref<72xi32, #tpu.memory_space<vmem>>
    %dma_start3A_23 = arith.constant 0 : i32
    %dma_start3A_24 = arith.constant 0 : i32
    %dma_start3A_25 = tpu.memref_slice %arg3[%dma_start3A_23, %dma_start3A_24] : memref<1000000x64xf32, #tpu.memory_space<hbm>> -> memref<1000000x64xf32, #tpu.memory_space<hbm>>
    tpu.enqueue_indirect_dma source(%dma_start3A_25 : memref<1000000x64xf32, #tpu.memory_space<hbm>>) target(%dma_start3A_19 : memref<72x64xf32, #tpu.memory_space<vmem>>) offsets(%dma_start3A_22 : memref<72xi32, #tpu.memory_space<vmem>>) semaphore(%arg9 : memref<!tpu.dma_semaphore, #tpu.memory_space<semaphore_mem>>)
    %dma_start3A_26 = arith.constant 1 : i32
    %dma_start3A_27 = arith.constant 1 : i32
    %dma_start3A_28 = arith.constant 0 : i32
    %dma_start3A_29 = arith.constant 0 : i32
    %dma_start3A_30 = tpu.memref_slice %arg7[%dma_start3A_27, %dma_start3A_28, %dma_start3A_29] : memref<4x200x64xf32, #tpu.memory_space<vmem>> -> memref<1x128x64xf32, #tpu.memory_space<vmem>>
    %dma_start3A_31 = tpu.memref_squeeze %dma_start3A_30 : memref<1x128x64xf32, #tpu.memory_space<vmem>> -> memref<128x64xf32, #tpu.memory_space<vmem>>
    %dma_start3A_32 = arith.constant 0 : i32
    %dma_start3A_33 = tpu.memref_slice %arg6[%dma_start3A_26, %dma_start3A_32] : memref<128x200xi32, #tpu.memory_space<vmem>> -> memref<1x128xi32, #tpu.memory_space<vmem>>
    %dma_start3A_34 = tpu.memref_squeeze %dma_start3A_33 : memref<1x128xi32, #tpu.memory_space<vmem>> -> memref<128xi32, #tpu.memory_space<vmem>>
    %dma_start3A_35 = arith.constant 0 : i32
    %dma_start3A_36 = arith.constant 0 : i32
    %dma_start3A_37 = tpu.memref_slice %arg3[%dma_start3A_35, %dma_start3A_36] : memref<1000000x64xf32, #tpu.memory_space<hbm>> -> memref<1000000x64xf32, #tpu.memory_space<hbm>>
    tpu.enqueue_indirect_dma source(%dma_start3A_37 : memref<1000000x64xf32, #tpu.memory_space<hbm>>) target(%dma_start3A_31 : memref<128x64xf32, #tpu.memory_space<vmem>>) offsets(%dma_start3A_34 : memref<128xi32, #tpu.memory_space<vmem>>) semaphore(%arg10 : memref<!tpu.dma_semaphore, #tpu.memory_space<semaphore_mem>>)
    %dma_start3A_38 = arith.constant 1 : i32
    %dma_start3A_39 = arith.constant 1 : i32
    %dma_start3A_40 = arith.constant 128 : i32
    %dma_start3A_41 = arith.constant 0 : i32
    %dma_start3A_42 = tpu.memref_slice %arg7[%dma_start3A_39, %dma_start3A_40, %dma_start3A_41] : memref<4x200x64xf32, #tpu.memory_space<vmem>> -> memref<1x72x64xf32, #tpu.memory_space<vmem>>
    %dma_start3A_43 = tpu.memref_squeeze %dma_start3A_42 : memref<1x72x64xf32, #tpu.memory_space<vmem>> -> memref<72x64xf32, #tpu.memory_space<vmem>>
    %dma_start3A_44 = arith.constant 128 : i32
    %dma_start3A_45 = tpu.memref_slice %arg6[%dma_start3A_38, %dma_start3A_44] : memref<128x200xi32, #tpu.memory_space<vmem>> -> memref<1x72xi32, #tpu.memory_space<vmem>>
    %dma_start3A_46 = tpu.memref_squeeze %dma_start3A_45 : memref<1x72xi32, #tpu.memory_space<vmem>> -> memref<72xi32, #tpu.memory_space<vmem>>
    %dma_start3A_47 = arith.constant 0 : i32
    %dma_start3A_48 = arith.constant 0 : i32
    %dma_start3A_49 = tpu.memref_slice %arg3[%dma_start3A_47, %dma_start3A_48] : memref<1000000x64xf32, #tpu.memory_space<hbm>> -> memref<1000000x64xf32, #tpu.memory_space<hbm>>
    tpu.enqueue_indirect_dma source(%dma_start3A_49 : memref<1000000x64xf32, #tpu.memory_space<hbm>>) target(%dma_start3A_43 : memref<72x64xf32, #tpu.memory_space<vmem>>) offsets(%dma_start3A_46 : memref<72xi32, #tpu.memory_space<vmem>>) semaphore(%arg10 : memref<!tpu.dma_semaphore, #tpu.memory_space<semaphore_mem>>)
    %dma_start3A_50 = arith.constant 2 : i32
    %dma_start3A_51 = arith.constant 2 : i32
    %dma_start3A_52 = arith.constant 0 : i32
    %dma_start3A_53 = arith.constant 0 : i32
    %dma_start3A_54 = tpu.memref_slice %arg7[%dma_start3A_51, %dma_start3A_52, %dma_start3A_53] : memref<4x200x64xf32, #tpu.memory_space<vmem>> -> memref<1x128x64xf32, #tpu.memory_space<vmem>>
    %dma_start3A_55 = tpu.memref_squeeze %dma_start3A_54 : memref<1x128x64xf32, #tpu.memory_space<vmem>> -> memref<128x64xf32, #tpu.memory_space<vmem>>
    %dma_start3A_56 = arith.constant 0 : i32
    %dma_start3A_57 = tpu.memref_slice %arg6[%dma_start3A_50, %dma_start3A_56] : memref<128x200xi32, #tpu.memory_space<vmem>> -> memref<1x128xi32, #tpu.memory_space<vmem>>
    %dma_start3A_58 = tpu.memref_squeeze %dma_start3A_57 : memref<1x128xi32, #tpu.memory_space<vmem>> -> memref<128xi32, #tpu.memory_space<vmem>>
    %dma_start3A_59 = arith.constant 0 : i32
    %dma_start3A_60 = arith.constant 0 : i32
    %dma_start3A_61 = tpu.memref_slice %arg3[%dma_start3A_59, %dma_start3A_60] : memref<1000000x64xf32, #tpu.memory_space<hbm>> -> memref<1000000x64xf32, #tpu.memory_space<hbm>>
    tpu.enqueue_indirect_dma source(%dma_start3A_61 : memref<1000000x64xf32, #tpu.memory_space<hbm>>) target(%dma_start3A_55 : memref<128x64xf32, #tpu.memory_space<vmem>>) offsets(%dma_start3A_58 : memref<128xi32, #tpu.memory_space<vmem>>) semaphore(%arg11 : memref<!tpu.dma_semaphore, #tpu.memory_space<semaphore_mem>>)
    %dma_start3A_62 = arith.constant 2 : i32
    %dma_start3A_63 = arith.constant 2 : i32
    %dma_start3A_64 = arith.constant 128 : i32
    %dma_start3A_65 = arith.constant 0 : i32
    %dma_start3A_66 = tpu.memref_slice %arg7[%dma_start3A_63, %dma_start3A_64, %dma_start3A_65] : memref<4x200x64xf32, #tpu.memory_space<vmem>> -> memref<1x72x64xf32, #tpu.memory_space<vmem>>
    %dma_start3A_67 = tpu.memref_squeeze %dma_start3A_66 : memref<1x72x64xf32, #tpu.memory_space<vmem>> -> memref<72x64xf32, #tpu.memory_space<vmem>>
    %dma_start3A_68 = arith.constant 128 : i32
    %dma_start3A_69 = tpu.memref_slice %arg6[%dma_start3A_62, %dma_start3A_68] : memref<128x200xi32, #tpu.memory_space<vmem>> -> memref<1x72xi32, #tpu.memory_space<vmem>>
    %dma_start3A_70 = tpu.memref_squeeze %dma_start3A_69 : memref<1x72xi32, #tpu.memory_space<vmem>> -> memref<72xi32, #tpu.memory_space<vmem>>
    %dma_start3A_71 = arith.constant 0 : i32
    %dma_start3A_72 = arith.constant 0 : i32
    %dma_start3A_73 = tpu.memref_slice %arg3[%dma_start3A_71, %dma_start3A_72] : memref<1000000x64xf32, #tpu.memory_space<hbm>> -> memref<1000000x64xf32, #tpu.memory_space<hbm>>
    tpu.enqueue_indirect_dma source(%dma_start3A_73 : memref<1000000x64xf32, #tpu.memory_space<hbm>>) target(%dma_start3A_67 : memref<72x64xf32, #tpu.memory_space<vmem>>) offsets(%dma_start3A_70 : memref<72xi32, #tpu.memory_space<vmem>>) semaphore(%arg11 : memref<!tpu.dma_semaphore, #tpu.memory_space<semaphore_mem>>)
    %dma_start3A_74 = arith.constant 3 : i32
    %dma_start3A_75 = arith.constant 3 : i32
    %dma_start3A_76 = arith.constant 0 : i32
    %dma_start3A_77 = arith.constant 0 : i32
    %dma_start3A_78 = tpu.memref_slice %arg7[%dma_start3A_75, %dma_start3A_76, %dma_start3A_77] : memref<4x200x64xf32, #tpu.memory_space<vmem>> -> memref<1x128x64xf32, #tpu.memory_space<vmem>>
    %dma_start3A_79 = tpu.memref_squeeze %dma_start3A_78 : memref<1x128x64xf32, #tpu.memory_space<vmem>> -> memref<128x64xf32, #tpu.memory_space<vmem>>
    %dma_start3A_80 = arith.constant 0 : i32
    %dma_start3A_81 = tpu.memref_slice %arg6[%dma_start3A_74, %dma_start3A_80] : memref<128x200xi32, #tpu.memory_space<vmem>> -> memref<1x128xi32, #tpu.memory_space<vmem>>
    %dma_start3A_82 = tpu.memref_squeeze %dma_start3A_81 : memref<1x128xi32, #tpu.memory_space<vmem>> -> memref<128xi32, #tpu.memory_space<vmem>>
    %dma_start3A_83 = arith.constant 0 : i32
    %dma_start3A_84 = arith.constant 0 : i32
    %dma_start3A_85 = tpu.memref_slice %arg3[%dma_start3A_83, %dma_start3A_84] : memref<1000000x64xf32, #tpu.memory_space<hbm>> -> memref<1000000x64xf32, #tpu.memory_space<hbm>>
    tpu.enqueue_indirect_dma source(%dma_start3A_85 : memref<1000000x64xf32, #tpu.memory_space<hbm>>) target(%dma_start3A_79 : memref<128x64xf32, #tpu.memory_space<vmem>>) offsets(%dma_start3A_82 : memref<128xi32, #tpu.memory_space<vmem>>) semaphore(%arg12 : memref<!tpu.dma_semaphore, #tpu.memory_space<semaphore_mem>>)
    %dma_start3A_86 = arith.constant 3 : i32
    %dma_start3A_87 = arith.constant 3 : i32
    %dma_start3A_88 = arith.constant 128 : i32
    %dma_start3A_89 = arith.constant 0 : i32
    %dma_start3A_90 = tpu.memref_slice %arg7[%dma_start3A_87, %dma_start3A_88, %dma_start3A_89] : memref<4x200x64xf32, #tpu.memory_space<vmem>> -> memref<1x72x64xf32, #tpu.memory_space<vmem>>
    %dma_start3A_91 = tpu.memref_squeeze %dma_start3A_90 : memref<1x72x64xf32, #tpu.memory_space<vmem>> -> memref<72x64xf32, #tpu.memory_space<vmem>>
    %dma_start3A_92 = arith.constant 128 : i32
    %dma_start3A_93 = tpu.memref_slice %arg6[%dma_start3A_86, %dma_start3A_92] : memref<128x200xi32, #tpu.memory_space<vmem>> -> memref<1x72xi32, #tpu.memory_space<vmem>>
    %dma_start3A_94 = tpu.memref_squeeze %dma_start3A_93 : memref<1x72xi32, #tpu.memory_space<vmem>> -> memref<72xi32, #tpu.memory_space<vmem>>
    %dma_start3A_95 = arith.constant 0 : i32
    %dma_start3A_96 = arith.constant 0 : i32
    %dma_start3A_97 = tpu.memref_slice %arg3[%dma_start3A_95, %dma_start3A_96] : memref<1000000x64xf32, #tpu.memory_space<hbm>> -> memref<1000000x64xf32, #tpu.memory_space<hbm>>
    tpu.enqueue_indirect_dma source(%dma_start3A_97 : memref<1000000x64xf32, #tpu.memory_space<hbm>>) target(%dma_start3A_91 : memref<72x64xf32, #tpu.memory_space<vmem>>) offsets(%dma_start3A_94 : memref<72xi32, #tpu.memory_space<vmem>>) semaphore(%arg12 : memref<!tpu.dma_semaphore, #tpu.memory_space<semaphore_mem>>)
    %scan3A = arith.constant 0 : i32
    %scan3A_98 = arith.constant 0 : i32
    %scan3A_99 = arith.constant 32 : i32
    %scan3A_100 = arith.addi %scan3A_98, %scan3A_99 : i32
    %scan3A_101 = arith.constant 1 : i32
    scf.for %scan3A_170 = %scan3A_98 to %scan3A_100 step %scan3A_101  : i32 {
      %mul3A_171 = arith.constant 4 : i32
      %mul3A_172 = arith.muli %scan3A_170, %mul3A_171 : i32
      %add3A_173 = arith.constant 0 : i32
      %add3A_174 = arith.addi %mul3A_172, %add3A_173 : i32
      %add3A_175 = arith.constant 4 : i32
      %add3A_176 = arith.addi %add3A_174, %add3A_175 : i32
      %sub3A = arith.constant 1 : i32
      %sub3A_177 = arith.subi %add3A_176, %sub3A : i32
      %dma_wait3A_178 = arith.constant 0 : i32
      %dma_wait3A_179 = arith.constant 0 : i32
      %dma_wait3A_180 = arith.constant 0 : i32
      %dma_wait3A_181 = tpu.memref_slice %arg7[%dma_wait3A_178, %dma_wait3A_179, %dma_wait3A_180] : memref<4x200x64xf32, #tpu.memory_space<vmem>> -> memref<1x200x64xf32, #tpu.memory_space<vmem>>
      %dma_wait3A_182 = tpu.memref_squeeze %dma_wait3A_181 : memref<1x200x64xf32, #tpu.memory_space<vmem>> -> memref<200x64xf32, #tpu.memory_space<vmem>>
      %dma_wait3A_183 = arith.constant 0 : i32
      %dma_wait3A_184 = arith.constant 0 : i32
      %dma_wait3A_185 = tpu.memref_slice %arg3[%dma_wait3A_183, %dma_wait3A_184] : memref<1000000x64xf32, #tpu.memory_space<hbm>> -> memref<200x64xf32, #tpu.memory_space<hbm>>
      %dma_wait3A_186 = arith.constant 0 : i32
      %dma_wait3A_187 = arith.constant 0 : i32
      %dma_wait3A_188 = tpu.memref_slice %arg7[%dma_wait3A_178, %dma_wait3A_186, %dma_wait3A_187] : memref<4x200x64xf32, #tpu.memory_space<vmem>> -> memref<1x200x64xf32, #tpu.memory_space<vmem>>
      %dma_wait3A_189 = tpu.memref_squeeze %dma_wait3A_188 : memref<1x200x64xf32, #tpu.memory_space<vmem>> -> memref<200x64xf32, #tpu.memory_space<vmem>>
      %dma_wait3A_190 = arith.constant 0 : i32
      %dma_wait3A_191 = arith.constant 0 : i32
      %dma_wait3A_192 = tpu.memref_slice %arg3[%dma_wait3A_190, %dma_wait3A_191] : memref<1000000x64xf32, #tpu.memory_space<hbm>> -> memref<200x64xf32, #tpu.memory_space<hbm>>
      tpu.wait_dma2 semaphore(%arg9 : memref<!tpu.dma_semaphore, #tpu.memory_space<semaphore_mem>>) src(%dma_wait3A_192 : memref<200x64xf32, #tpu.memory_space<hbm>>) dst(%dma_wait3A_189 : memref<200x64xf32, #tpu.memory_space<vmem>>)
      %scan3A_193 = arith.constant 0 : i32
      %scan3A_194 = arith.constant 0 : i32
      %scan3A_195 = arith.constant 50 : i32
      %scan3A_196 = arith.addi %scan3A_194, %scan3A_195 : i32
      %scan3A_197 = arith.constant 1 : i32
      scf.for %scan3A_385 = %scan3A_194 to %scan3A_196 step %scan3A_197  : i32 {
        %mul3A_386 = arith.constant 4 : i32
        %mul3A_387 = arith.muli %scan3A_385, %mul3A_386 : i32
        %add3A_388 = arith.constant 0 : i32
        %add3A_389 = arith.addi %mul3A_387, %add3A_388 : i32
        %get3A = arith.constant 0 : i32
        %get3A_390 = arith.index_cast %get3A : i32 to index
        %get3A_391 = arith.index_cast %add3A_389 : i32 to index
        %get3A_392 = arith.constant 0 : index
        %get3A_393 = tpu.vector_load %arg7[%get3A_390, %get3A_391, %get3A_392] {strides = array<i32>} : memref<4x200x64xf32, #tpu.memory_space<vmem>>, vector<1x1x16xf32>,
        %get3A_394 = vector.shape_cast %get3A_393 : vector<1x1x16xf32> to vector<16xf32>
        %add3A_395 = arith.constant 0 : i32
        %add3A_396 = arith.addi %mul3A_387, %add3A_395 : i32
        %get3A_397 = arith.index_cast %add3A_396 : i32 to index
        %get3A_398 = arith.constant 0 : index
        %get3A_399 = tpu.vector_load %arg8[%get3A_397, %get3A_398] {strides = array<i32>} : memref<200x64xf32, #tpu.memory_space<vmem>>, vector<1x16xf32>,
        %get3A_400 = vector.shape_cast %get3A_399 : vector<1x16xf32> to vector<16xf32>
        %add3A_401 = arith.addf %get3A_394, %get3A_400 : vector<16xf32>
        %add3A_402 = arith.constant 0 : i32
        %add3A_403 = arith.addi %mul3A_387, %add3A_402 : i32
        %swap3A = arith.constant 0 : i32
        %swap3A_404 = arith.index_cast %swap3A : i32 to index
        %swap3A_405 = arith.index_cast %add3A_403 : i32 to index
        %swap3A_406 = arith.constant 0 : index
        %swap3A_407 = tpu.vector_load %arg7[%swap3A_404, %swap3A_405, %swap3A_406] {strides = array<i32>} : memref<4x200x64xf32, #tpu.memory_space<vmem>>, vector<1x1x16xf32>,
        %swap3A_408 = vector.shape_cast %swap3A_407 : vector<1x1x16xf32> to vector<16xf32>
        %swap3A_409 = vector.shape_cast %add3A_401 : vector<16xf32> to vector<1x1x16xf32>
        tpu.vector_store %arg7[%swap3A_404, %swap3A_405, %swap3A_406], %swap3A_409 {strides = array<i32>} : memref<4x200x64xf32, #tpu.memory_space<vmem>>, vector<1x1x16xf32>,
        %add3A_410 = arith.constant 0 : i32
        %add3A_411 = arith.addi %mul3A_387, %add3A_410 : i32
        %get3A_412 = arith.constant 0 : i32
        %get3A_413 = arith.index_cast %get3A_412 : i32 to index
        %get3A_414 = arith.index_cast %add3A_411 : i32 to index
        %get3A_415 = arith.constant 16 : index
        %get3A_416 = tpu.vector_load %arg7[%get3A_413, %get3A_414, %get3A_415] {strides = array<i32>} : memref<4x200x64xf32, #tpu.memory_space<vmem>>, vector<1x1x16xf32>,
        %get3A_417 = vector.shape_cast %get3A_416 : vector<1x1x16xf32> to vector<16xf32>
        %add3A_418 = arith.constant 0 : i32
        %add3A_419 = arith.addi %mul3A_387, %add3A_418 : i32
        %get3A_420 = arith.index_cast %add3A_419 : i32 to index
        %get3A_421 = arith.constant 16 : index
        %get3A_422 = tpu.vector_load %arg8[%get3A_420, %get3A_421] {strides = array<i32>} : memref<200x64xf32, #tpu.memory_space<vmem>>, vector<1x16xf32>,
        %get3A_423 = vector.shape_cast %get3A_422 : vector<1x16xf32> to vector<16xf32>
        %add3A_424 = arith.addf %get3A_417, %get3A_423 : vector<16xf32>
        %add3A_425 = arith.constant 0 : i32
        %add3A_426 = arith.addi %mul3A_387, %add3A_425 : i32
        %swap3A_427 = arith.constant 0 : i32
        %swap3A_428 = arith.index_cast %swap3A_427 : i32 to index
        %swap3A_429 = arith.index_cast %add3A_426 : i32 to index
        %swap3A_430 = arith.constant 16 : index
        %swap3A_431 = tpu.vector_load %arg7[%swap3A_428, %swap3A_429, %swap3A_430] {strides = array<i32>} : memref<4x200x64xf32, #tpu.memory_space<vmem>>, vector<1x1x16xf32>,
        %swap3A_432 = vector.shape_cast %swap3A_431 : vector<1x1x16xf32> to vector<16xf32>
        %swap3A_433 = vector.shape_cast %add3A_424 : vector<16xf32> to vector<1x1x16xf32>
        tpu.vector_store %arg7[%swap3A_428, %swap3A_429, %swap3A_430], %swap3A_433 {strides = array<i32>} : memref<4x200x64xf32, #tpu.memory_space<vmem>>, vector<1x1x16xf32>,
        %add3A_434 = arith.constant 0 : i32
        %add3A_435 = arith.addi %mul3A_387, %add3A_434 : i32
        %get3A_436 = arith.constant 0 : i32
        %get3A_437 = arith.index_cast %get3A_436 : i32 to index
        %get3A_438 = arith.index_cast %add3A_435 : i32 to index
        %get3A_439 = arith.constant 32 : index
        %get3A_440 = tpu.vector_load %arg7[%get3A_437, %get3A_438, %get3A_439] {strides = array<i32>} : memref<4x200x64xf32, #tpu.memory_space<vmem>>, vector<1x1x16xf32>,
        %get3A_441 = vector.shape_cast %get3A_440 : vector<1x1x16xf32> to vector<16xf32>
        %add3A_442 = arith.constant 0 : i32
        %add3A_443 = arith.addi %mul3A_387, %add3A_442 : i32
        %get3A_444 = arith.index_cast %add3A_443 : i32 to index
        %get3A_445 = arith.constant 32 : index
        %get3A_446 = tpu.vector_load %arg8[%get3A_444, %get3A_445] {strides = array<i32>} : memref<200x64xf32, #tpu.memory_space<vmem>>, vector<1x16xf32>,
        %get3A_447 = vector.shape_cast %get3A_446 : vector<1x16xf32> to vector<16xf32>
        %add3A_448 = arith.addf %get3A_441, %get3A_447 : vector<16xf32>
        %add3A_449 = arith.constant 0 : i32
        %add3A_450 = arith.addi %mul3A_387, %add3A_449 : i32
        %swap3A_451 = arith.constant 0 : i32
        %swap3A_452 = arith.index_cast %swap3A_451 : i32 to index
        %swap3A_453 = arith.index_cast %add3A_450 : i32 to index
        %swap3A_454 = arith.constant 32 : index
        %swap3A_455 = tpu.vector_load %arg7[%swap3A_452, %swap3A_453, %swap3A_454] {strides = array<i32>} : memref<4x200x64xf32, #tpu.memory_space<vmem>>, vector<1x1x16xf32>,
        %swap3A_456 = vector.shape_cast %swap3A_455 : vector<1x1x16xf32> to vector<16xf32>
        %swap3A_457 = vector.shape_cast %add3A_448 : vector<16xf32> to vector<1x1x16xf32>
        tpu.vector_store %arg7[%swap3A_452, %swap3A_453, %swap3A_454], %swap3A_457 {strides = array<i32>} : memref<4x200x64xf32, #tpu.memory_space<vmem>>, vector<1x1x16xf32>,
        %add3A_458 = arith.constant 0 : i32
        %add3A_459 = arith.addi %mul3A_387, %add3A_458 : i32
        %get3A_460 = arith.constant 0 : i32
        %get3A_461 = arith.index_cast %get3A_460 : i32 to index
        %get3A_462 = arith.index_cast %add3A_459 : i32 to index
        %get3A_463 = arith.constant 48 : index
        %get3A_464 = tpu.vector_load %arg7[%get3A_461, %get3A_462, %get3A_463] {strides = array<i32>} : memref<4x200x64xf32, #tpu.memory_space<vmem>>, vector<1x1x16xf32>,
        %get3A_465 = vector.shape_cast %get3A_464 : vector<1x1x16xf32> to vector<16xf32>
        %add3A_466 = arith.constant 0 : i32
        %add3A_467 = arith.addi %mul3A_387, %add3A_466 : i32
        %get3A_468 = arith.index_cast %add3A_467 : i32 to index
        %get3A_469 = arith.constant 48 : index
        %get3A_470 = tpu.vector_load %arg8[%get3A_468, %get3A_469] {strides = array<i32>} : memref<200x64xf32, #tpu.memory_space<vmem>>, vector<1x16xf32>,
        %get3A_471 = vector.shape_cast %get3A_470 : vector<1x16xf32> to vector<16xf32>
        %add3A_472 = arith.addf %get3A_465, %get3A_471 : vector<16xf32>
        %add3A_473 = arith.constant 0 : i32
        %add3A_474 = arith.addi %mul3A_387, %add3A_473 : i32
        %swap3A_475 = arith.constant 0 : i32
        %swap3A_476 = arith.index_cast %swap3A_475 : i32 to index
        %swap3A_477 = arith.index_cast %add3A_474 : i32 to index
        %swap3A_478 = arith.constant 48 : index
        %swap3A_479 = tpu.vector_load %arg7[%swap3A_476, %swap3A_477, %swap3A_478] {strides = array<i32>} : memref<4x200x64xf32, #tpu.memory_space<vmem>>, vector<1x1x16xf32>,
        %swap3A_480 = vector.shape_cast %swap3A_479 : vector<1x1x16xf32> to vector<16xf32>
        %swap3A_481 = vector.shape_cast %add3A_472 : vector<16xf32> to vector<1x1x16xf32>
        tpu.vector_store %arg7[%swap3A_476, %swap3A_477, %swap3A_478], %swap3A_481 {strides = array<i32>} : memref<4x200x64xf32, #tpu.memory_space<vmem>>, vector<1x1x16xf32>,
        %add3A_482 = arith.constant 1 : i32
        %add3A_483 = arith.addi %mul3A_387, %add3A_482 : i32
        %get3A_484 = arith.constant 0 : i32
        %get3A_485 = arith.index_cast %get3A_484 : i32 to index
        %get3A_486 = arith.index_cast %add3A_483 : i32 to index
        %get3A_487 = arith.constant 0 : index
        %get3A_488 = tpu.vector_load %arg7[%get3A_485, %get3A_486, %get3A_487] {strides = array<i32>} : memref<4x200x64xf32, #tpu.memory_space<vmem>>, vector<1x1x16xf32>,
        %get3A_489 = vector.shape_cast %get3A_488 : vector<1x1x16xf32> to vector<16xf32>
        %add3A_490 = arith.constant 1 : i32
        %add3A_491 = arith.addi %mul3A_387, %add3A_490 : i32
        %get3A_492 = arith.index_cast %add3A_491 : i32 to index
        %get3A_493 = arith.constant 0 : index
        %get3A_494 = tpu.vector_load %arg8[%get3A_492, %get3A_493] {strides = array<i32>} : memref<200x64xf32, #tpu.memory_space<vmem>>, vector<1x16xf32>,
        %get3A_495 = vector.shape_cast %get3A_494 : vector<1x16xf32> to vector<16xf32>
        %add3A_496 = arith.addf %get3A_489, %get3A_495 : vector<16xf32>
        %add3A_497 = arith.constant 1 : i32
        %add3A_498 = arith.addi %mul3A_387, %add3A_497 : i32
        %swap3A_499 = arith.constant 0 : i32
        %swap3A_500 = arith.index_cast %swap3A_499 : i32 to index
        %swap3A_501 = arith.index_cast %add3A_498 : i32 to index
        %swap3A_502 = arith.constant 0 : index
        %swap3A_503 = tpu.vector_load %arg7[%swap3A_500, %swap3A_501, %swap3A_502] {strides = array<i32>} : memref<4x200x64xf32, #tpu.memory_space<vmem>>, vector<1x1x16xf32>,
        %swap3A_504 = vector.shape_cast %swap3A_503 : vector<1x1x16xf32> to vector<16xf32>
        %swap3A_505 = vector.shape_cast %add3A_496 : vector<16xf32> to vector<1x1x16xf32>
        tpu.vector_store %arg7[%swap3A_500, %swap3A_501, %swap3A_502], %swap3A_505 {strides = array<i32>} : memref<4x200x64xf32, #tpu.memory_space<vmem>>, vector<1x1x16xf32>,
        %add3A_506 = arith.constant 1 : i32
        %add3A_507 = arith.addi %mul3A_387, %add3A_506 : i32
        %get3A_508 = arith.constant 0 : i32
        %get3A_509 = arith.index_cast %get3A_508 : i32 to index
        %get3A_510 = arith.index_cast %add3A_507 : i32 to index
        %get3A_511 = arith.constant 16 : index
        %get3A_512 = tpu.vector_load %arg7[%get3A_509, %get3A_510, %get3A_511] {strides = array<i32>} : memref<4x200x64xf32, #tpu.memory_space<vmem>>, vector<1x1x16xf32>,
        %get3A_513 = vector.shape_cast %get3A_512 : vector<1x1x16xf32> to vector<16xf32>
        %add3A_514 = arith.constant 1 : i32
        %add3A_515 = arith.addi %mul3A_387, %add3A_514 : i32
        %get3A_516 = arith.index_cast %add3A_515 : i32 to index
        %get3A_517 = arith.constant 16 : index
        %get3A_518 = tpu.vector_load %arg8[%get3A_516, %get3A_517] {strides = array<i32>} : memref<200x64xf32, #tpu.memory_space<vmem>>, vector<1x16xf32>,
        %get3A_519 = vector.shape_cast %get3A_518 : vector<1x16xf32> to vector<16xf32>
        %add3A_520 = arith.addf %get3A_513, %get3A_519 : vector<16xf32>
        %add3A_521 = arith.constant 1 : i32
        %add3A_522 = arith.addi %mul3A_387, %add3A_521 : i32
        %swap3A_523 = arith.constant 0 : i32
        %swap3A_524 = arith.index_cast %swap3A_523 : i32 to index
        %swap3A_525 = arith.index_cast %add3A_522 : i32 to index
        %swap3A_526 = arith.constant 16 : index
        %swap3A_527 = tpu.vector_load %arg7[%swap3A_524, %swap3A_525, %swap3A_526] {strides = array<i32>} : memref<4x200x64xf32, #tpu.memory_space<vmem>>, vector<1x1x16xf32>,
        %swap3A_528 = vector.shape_cast %swap3A_527 : vector<1x1x16xf32> to vector<16xf32>
        %swap3A_529 = vector.shape_cast %add3A_520 : vector<16xf32> to vector<1x1x16xf32>
        tpu.vector_store %arg7[%swap3A_524, %swap3A_525, %swap3A_526], %swap3A_529 {strides = array<i32>} : memref<4x200x64xf32, #tpu.memory_space<vmem>>, vector<1x1x16xf32>,
        %add3A_530 = arith.constant 1 : i32
        %add3A_531 = arith.addi %mul3A_387, %add3A_530 : i32
        %get3A_532 = arith.constant 0 : i32
        %get3A_533 = arith.index_cast %get3A_532 : i32 to index
        %get3A_534 = arith.index_cast %add3A_531 : i32 to index
        %get3A_535 = arith.constant 32 : index
        %get3A_536 = tpu.vector_load %arg7[%get3A_533, %get3A_534, %get3A_535] {strides = array<i32>} : memref<4x200x64xf32, #tpu.memory_space<vmem>>, vector<1x1x16xf32>,
        %get3A_537 = vector.shape_cast %get3A_536 : vector<1x1x16xf32> to vector<16xf32>
        %add3A_538 = arith.constant 1 : i32
        %add3A_539 = arith.addi %mul3A_387, %add3A_538 : i32
        %get3A_540 = arith.index_cast %add3A_539 : i32 to index
        %get3A_541 = arith.constant 32 : index
        %get3A_542 = tpu.vector_load %arg8[%get3A_540, %get3A_541] {strides = array<i32>} : memref<200x64xf32, #tpu.memory_space<vmem>>, vector<1x16xf32>,
        %get3A_543 = vector.shape_cast %get3A_542 : vector<1x16xf32> to vector<16xf32>
        %add3A_544 = arith.addf %get3A_537, %get3A_543 : vector<16xf32>
        %add3A_545 = arith.constant 1 : i32
        %add3A_546 = arith.addi %mul3A_387, %add3A_545 : i32
        %swap3A_547 = arith.constant 0 : i32
        %swap3A_548 = arith.index_cast %swap3A_547 : i32 to index
        %swap3A_549 = arith.index_cast %add3A_546 : i32 to index
        %swap3A_550 = arith.constant 32 : index
        %swap3A_551 = tpu.vector_load %arg7[%swap3A_548, %swap3A_549, %swap3A_550] {strides = array<i32>} : memref<4x200x64xf32, #tpu.memory_space<vmem>>, vector<1x1x16xf32>,
        %swap3A_552 = vector.shape_cast %swap3A_551 : vector<1x1x16xf32> to vector<16xf32>
        %swap3A_553 = vector.shape_cast %add3A_544 : vector<16xf32> to vector<1x1x16xf32>
        tpu.vector_store %arg7[%swap3A_548, %swap3A_549, %swap3A_550], %swap3A_553 {strides = array<i32>} : memref<4x200x64xf32, #tpu.memory_space<vmem>>, vector<1x1x16xf32>,
        %add3A_554 = arith.constant 1 : i32
        %add3A_555 = arith.addi %mul3A_387, %add3A_554 : i32
        %get3A_556 = arith.constant 0 : i32
        %get3A_557 = arith.index_cast %get3A_556 : i32 to index
        %get3A_558 = arith.index_cast %add3A_555 : i32 to index
        %get3A_559 = arith.constant 48 : index
        %get3A_560 = tpu.vector_load %arg7[%get3A_557, %get3A_558, %get3A_559] {strides = array<i32>} : memref<4x200x64xf32, #tpu.memory_space<vmem>>, vector<1x1x16xf32>,
        %get3A_561 = vector.shape_cast %get3A_560 : vector<1x1x16xf32> to vector<16xf32>
        %add3A_562 = arith.constant 1 : i32
        %add3A_563 = arith.addi %mul3A_387, %add3A_562 : i32
        %get3A_564 = arith.index_cast %add3A_563 : i32 to index
        %get3A_565 = arith.constant 48 : index
        %get3A_566 = tpu.vector_load %arg8[%get3A_564, %get3A_565] {strides = array<i32>} : memref<200x64xf32, #tpu.memory_space<vmem>>, vector<1x16xf32>,
        %get3A_567 = vector.shape_cast %get3A_566 : vector<1x16xf32> to vector<16xf32>
        %add3A_568 = arith.addf %get3A_561, %get3A_567 : vector<16xf32>
        %add3A_569 = arith.constant 1 : i32
        %add3A_570 = arith.addi %mul3A_387, %add3A_569 : i32
        %swap3A_571 = arith.constant 0 : i32
        %swap3A_572 = arith.index_cast %swap3A_571 : i32 to index
        %swap3A_573 = arith.index_cast %add3A_570 : i32 to index
        %swap3A_574 = arith.constant 48 : index
        %swap3A_575 = tpu.vector_load %arg7[%swap3A_572, %swap3A_573, %swap3A_574] {strides = array<i32>} : memref<4x200x64xf32, #tpu.memory_space<vmem>>, vector<1x1x16xf32>,
        %swap3A_576 = vector.shape_cast %swap3A_575 : vector<1x1x16xf32> to vector<16xf32>
        %swap3A_577 = vector.shape_cast %add3A_568 : vector<16xf32> to vector<1x1x16xf32>
        tpu.vector_store %arg7[%swap3A_572, %swap3A_573, %swap3A_574], %swap3A_577 {strides = array<i32>} : memref<4x200x64xf32, #tpu.memory_space<vmem>>, vector<1x1x16xf32>,
        %add3A_578 = arith.constant 2 : i32
        %add3A_579 = arith.addi %mul3A_387, %add3A_578 : i32
        %get3A_580 = arith.constant 0 : i32
        %get3A_581 = arith.index_cast %get3A_580 : i32 to index
        %get3A_582 = arith.index_cast %add3A_579 : i32 to index
        %get3A_583 = arith.constant 0 : index
        %get3A_584 = tpu.vector_load %arg7[%get3A_581, %get3A_582, %get3A_583] {strides = array<i32>} : memref<4x200x64xf32, #tpu.memory_space<vmem>>, vector<1x1x16xf32>,
        %get3A_585 = vector.shape_cast %get3A_584 : vector<1x1x16xf32> to vector<16xf32>
        %add3A_586 = arith.constant 2 : i32
        %add3A_587 = arith.addi %mul3A_387, %add3A_586 : i32
        %get3A_588 = arith.index_cast %add3A_587 : i32 to index
        %get3A_589 = arith.constant 0 : index
        %get3A_590 = tpu.vector_load %arg8[%get3A_588, %get3A_589] {strides = array<i32>} : memref<200x64xf32, #tpu.memory_space<vmem>>, vector<1x16xf32>,
        %get3A_591 = vector.shape_cast %get3A_590 : vector<1x16xf32> to vector<16xf32>
        %add3A_592 = arith.addf %get3A_585, %get3A_591 : vector<16xf32>
        %add3A_593 = arith.constant 2 : i32
        %add3A_594 = arith.addi %mul3A_387, %add3A_593 : i32
        %swap3A_595 = arith.constant 0 : i32
        %swap3A_596 = arith.index_cast %swap3A_595 : i32 to index
        %swap3A_597 = arith.index_cast %add3A_594 : i32 to index
        %swap3A_598 = arith.constant 0 : index
        %swap3A_599 = tpu.vector_load %arg7[%swap3A_596, %swap3A_597, %swap3A_598] {strides = array<i32>} : memref<4x200x64xf32, #tpu.memory_space<vmem>>, vector<1x1x16xf32>,
        %swap3A_600 = vector.shape_cast %swap3A_599 : vector<1x1x16xf32> to vector<16xf32>
        %swap3A_601 = vector.shape_cast %add3A_592 : vector<16xf32> to vector<1x1x16xf32>
        tpu.vector_store %arg7[%swap3A_596, %swap3A_597, %swap3A_598], %swap3A_601 {strides = array<i32>} : memref<4x200x64xf32, #tpu.memory_space<vmem>>, vector<1x1x16xf32>,
        %add3A_602 = arith.constant 2 : i32
        %add3A_603 = arith.addi %mul3A_387, %add3A_602 : i32
        %get3A_604 = arith.constant 0 : i32
        %get3A_605 = arith.index_cast %get3A_604 : i32 to index
        %get3A_606 = arith.index_cast %add3A_603 : i32 to index
        %get3A_607 = arith.constant 16 : index
        %get3A_608 = tpu.vector_load %arg7[%get3A_605, %get3A_606, %get3A_607] {strides = array<i32>} : memref<4x200x64xf32, #tpu.memory_space<vmem>>, vector<1x1x16xf32>,
        %get3A_609 = vector.shape_cast %get3A_608 : vector<1x1x16xf32> to vector<16xf32>
        %add3A_610 = arith.constant 2 : i32
        %add3A_611 = arith.addi %mul3A_387, %add3A_610 : i32
        %get3A_612 = arith.index_cast %add3A_611 : i32 to index
        %get3A_613 = arith.constant 16 : index
        %get3A_614 = tpu.vector_load %arg8[%get3A_612, %get3A_613] {strides = array<i32>} : memref<200x64xf32, #tpu.memory_space<vmem>>, vector<1x16xf32>,
        %get3A_615 = vector.shape_cast %get3A_614 : vector<1x16xf32> to vector<16xf32>
        %add3A_616 = arith.addf %get3A_609, %get3A_615 : vector<16xf32>
        %add3A_617 = arith.constant 2 : i32
        %add3A_618 = arith.addi %mul3A_387, %add3A_617 : i32
        %swap3A_619 = arith.constant 0 : i32
        %swap3A_620 = arith.index_cast %swap3A_619 : i32 to index
        %swap3A_621 = arith.index_cast %add3A_618 : i32 to index
        %swap3A_622 = arith.constant 16 : index
        %swap3A_623 = tpu.vector_load %arg7[%swap3A_620, %swap3A_621, %swap3A_622] {strides = array<i32>} : memref<4x200x64xf32, #tpu.memory_space<vmem>>, vector<1x1x16xf32>,
        %swap3A_624 = vector.shape_cast %swap3A_623 : vector<1x1x16xf32> to vector<16xf32>
        %swap3A_625 = vector.shape_cast %add3A_616 : vector<16xf32> to vector<1x1x16xf32>
        tpu.vector_store %arg7[%swap3A_620, %swap3A_621, %swap3A_622], %swap3A_625 {strides = array<i32>} : memref<4x200x64xf32, #tpu.memory_space<vmem>>, vector<1x1x16xf32>,
        %add3A_626 = arith.constant 2 : i32
        %add3A_627 = arith.addi %mul3A_387, %add3A_626 : i32
        %get3A_628 = arith.constant 0 : i32
        %get3A_629 = arith.index_cast %get3A_628 : i32 to index
        %get3A_630 = arith.index_cast %add3A_627 : i32 to index
        %get3A_631 = arith.constant 32 : index
        %get3A_632 = tpu.vector_load %arg7[%get3A_629, %get3A_630, %get3A_631] {strides = array<i32>} : memref<4x200x64xf32, #tpu.memory_space<vmem>>, vector<1x1x16xf32>,
        %get3A_633 = vector.shape_cast %get3A_632 : vector<1x1x16xf32> to vector<16xf32>
        %add3A_634 = arith.constant 2 : i32
        %add3A_635 = arith.addi %mul3A_387, %add3A_634 : i32
        %get3A_636 = arith.index_cast %add3A_635 : i32 to index
        %get3A_637 = arith.constant 32 : index
        %get3A_638 = tpu.vector_load %arg8[%get3A_636, %get3A_637] {strides = array<i32>} : memref<200x64xf32, #tpu.memory_space<vmem>>, vector<1x16xf32>,
        %get3A_639 = vector.shape_cast %get3A_638 : vector<1x16xf32> to vector<16xf32>
        %add3A_640 = arith.addf %get3A_633, %get3A_639 : vector<16xf32>
        %add3A_641 = arith.constant 2 : i32
        %add3A_642 = arith.addi %mul3A_387, %add3A_641 : i32
        %swap3A_643 = arith.constant 0 : i32
        %swap3A_644 = arith.index_cast %swap3A_643 : i32 to index
        %swap3A_645 = arith.index_cast %add3A_642 : i32 to index
        %swap3A_646 = arith.constant 32 : index
        %swap3A_647 = tpu.vector_load %arg7[%swap3A_644, %swap3A_645, %swap3A_646] {strides = array<i32>} : memref<4x200x64xf32, #tpu.memory_space<vmem>>, vector<1x1x16xf32>,
        %swap3A_648 = vector.shape_cast %swap3A_647 : vector<1x1x16xf32> to vector<16xf32>
        %swap3A_649 = vector.shape_cast %add3A_640 : vector<16xf32> to vector<1x1x16xf32>
        tpu.vector_store %arg7[%swap3A_644, %swap3A_645, %swap3A_646], %swap3A_649 {strides = array<i32>} : memref<4x200x64xf32, #tpu.memory_space<vmem>>, vector<1x1x16xf32>,
        %add3A_650 = arith.constant 2 : i32
        %add3A_651 = arith.addi %mul3A_387, %add3A_650 : i32
        %get3A_652 = arith.constant 0 : i32
        %get3A_653 = arith.index_cast %get3A_652 : i32 to index
        %get3A_654 = arith.index_cast %add3A_651 : i32 to index
        %get3A_655 = arith.constant 48 : index
        %get3A_656 = tpu.vector_load %arg7[%get3A_653, %get3A_654, %get3A_655] {strides = array<i32>} : memref<4x200x64xf32, #tpu.memory_space<vmem>>, vector<1x1x16xf32>,
        %get3A_657 = vector.shape_cast %get3A_656 : vector<1x1x16xf32> to vector<16xf32>
        %add3A_658 = arith.constant 2 : i32
        %add3A_659 = arith.addi %mul3A_387, %add3A_658 : i32
        %get3A_660 = arith.index_cast %add3A_659 : i32 to index
        %get3A_661 = arith.constant 48 : index
        %get3A_662 = tpu.vector_load %arg8[%get3A_660, %get3A_661] {strides = array<i32>} : memref<200x64xf32, #tpu.memory_space<vmem>>, vector<1x16xf32>,
        %get3A_663 = vector.shape_cast %get3A_662 : vector<1x16xf32> to vector<16xf32>
        %add3A_664 = arith.addf %get3A_657, %get3A_663 : vector<16xf32>
        %add3A_665 = arith.constant 2 : i32
        %add3A_666 = arith.addi %mul3A_387, %add3A_665 : i32
        %swap3A_667 = arith.constant 0 : i32
        %swap3A_668 = arith.index_cast %swap3A_667 : i32 to index
        %swap3A_669 = arith.index_cast %add3A_666 : i32 to index
        %swap3A_670 = arith.constant 48 : index
        %swap3A_671 = tpu.vector_load %arg7[%swap3A_668, %swap3A_669, %swap3A_670] {strides = array<i32>} : memref<4x200x64xf32, #tpu.memory_space<vmem>>, vector<1x1x16xf32>,
        %swap3A_672 = vector.shape_cast %swap3A_671 : vector<1x1x16xf32> to vector<16xf32>
        %swap3A_673 = vector.shape_cast %add3A_664 : vector<16xf32> to vector<1x1x16xf32>
        tpu.vector_store %arg7[%swap3A_668, %swap3A_669, %swap3A_670], %swap3A_673 {strides = array<i32>} : memref<4x200x64xf32, #tpu.memory_space<vmem>>, vector<1x1x16xf32>,
        %add3A_674 = arith.constant 3 : i32
        %add3A_675 = arith.addi %mul3A_387, %add3A_674 : i32
        %get3A_676 = arith.constant 0 : i32
        %get3A_677 = arith.index_cast %get3A_676 : i32 to index
        %get3A_678 = arith.index_cast %add3A_675 : i32 to index
        %get3A_679 = arith.constant 0 : index
        %get3A_680 = tpu.vector_load %arg7[%get3A_677, %get3A_678, %get3A_679] {strides = array<i32>} : memref<4x200x64xf32, #tpu.memory_space<vmem>>, vector<1x1x16xf32>,
        %get3A_681 = vector.shape_cast %get3A_680 : vector<1x1x16xf32> to vector<16xf32>
        %add3A_682 = arith.constant 3 : i32
        %add3A_683 = arith.addi %mul3A_387, %add3A_682 : i32
        %get3A_684 = arith.index_cast %add3A_683 : i32 to index
        %get3A_685 = arith.constant 0 : index
        %get3A_686 = tpu.vector_load %arg8[%get3A_684, %get3A_685] {strides = array<i32>} : memref<200x64xf32, #tpu.memory_space<vmem>>, vector<1x16xf32>,
        %get3A_687 = vector.shape_cast %get3A_686 : vector<1x16xf32> to vector<16xf32>
        %add3A_688 = arith.addf %get3A_681, %get3A_687 : vector<16xf32>
        %add3A_689 = arith.constant 3 : i32
        %add3A_690 = arith.addi %mul3A_387, %add3A_689 : i32
        %swap3A_691 = arith.constant 0 : i32
        %swap3A_692 = arith.index_cast %swap3A_691 : i32 to index
        %swap3A_693 = arith.index_cast %add3A_690 : i32 to index
        %swap3A_694 = arith.constant 0 : index
        %swap3A_695 = tpu.vector_load %arg7[%swap3A_692, %swap3A_693, %swap3A_694] {strides = array<i32>} : memref<4x200x64xf32, #tpu.memory_space<vmem>>, vector<1x1x16xf32>,
        %swap3A_696 = vector.shape_cast %swap3A_695 : vector<1x1x16xf32> to vector<16xf32>
        %swap3A_697 = vector.shape_cast %add3A_688 : vector<16xf32> to vector<1x1x16xf32>
        tpu.vector_store %arg7[%swap3A_692, %swap3A_693, %swap3A_694], %swap3A_697 {strides = array<i32>} : memref<4x200x64xf32, #tpu.memory_space<vmem>>, vector<1x1x16xf32>,
        %add3A_698 = arith.constant 3 : i32
        %add3A_699 = arith.addi %mul3A_387, %add3A_698 : i32
        %get3A_700 = arith.constant 0 : i32
        %get3A_701 = arith.index_cast %get3A_700 : i32 to index
        %get3A_702 = arith.index_cast %add3A_699 : i32 to index
        %get3A_703 = arith.constant 16 : index
        %get3A_704 = tpu.vector_load %arg7[%get3A_701, %get3A_702, %get3A_703] {strides = array<i32>} : memref<4x200x64xf32, #tpu.memory_space<vmem>>, vector<1x1x16xf32>,
        %get3A_705 = vector.shape_cast %get3A_704 : vector<1x1x16xf32> to vector<16xf32>
        %add3A_706 = arith.constant 3 : i32
        %add3A_707 = arith.addi %mul3A_387, %add3A_706 : i32
        %get3A_708 = arith.index_cast %add3A_707 : i32 to index
        %get3A_709 = arith.constant 16 : index
        %get3A_710 = tpu.vector_load %arg8[%get3A_708, %get3A_709] {strides = array<i32>} : memref<200x64xf32, #tpu.memory_space<vmem>>, vector<1x16xf32>,
        %get3A_711 = vector.shape_cast %get3A_710 : vector<1x16xf32> to vector<16xf32>
        %add3A_712 = arith.addf %get3A_705, %get3A_711 : vector<16xf32>
        %add3A_713 = arith.constant 3 : i32
        %add3A_714 = arith.addi %mul3A_387, %add3A_713 : i32
        %swap3A_715 = arith.constant 0 : i32
        %swap3A_716 = arith.index_cast %swap3A_715 : i32 to index
        %swap3A_717 = arith.index_cast %add3A_714 : i32 to index
        %swap3A_718 = arith.constant 16 : index
        %swap3A_719 = tpu.vector_load %arg7[%swap3A_716, %swap3A_717, %swap3A_718] {strides = array<i32>} : memref<4x200x64xf32, #tpu.memory_space<vmem>>, vector<1x1x16xf32>,
        %swap3A_720 = vector.shape_cast %swap3A_719 : vector<1x1x16xf32> to vector<16xf32>
        %swap3A_721 = vector.shape_cast %add3A_712 : vector<16xf32> to vector<1x1x16xf32>
        tpu.vector_store %arg7[%swap3A_716, %swap3A_717, %swap3A_718], %swap3A_721 {strides = array<i32>} : memref<4x200x64xf32, #tpu.memory_space<vmem>>, vector<1x1x16xf32>,
        %add3A_722 = arith.constant 3 : i32
        %add3A_723 = arith.addi %mul3A_387, %add3A_722 : i32
        %get3A_724 = arith.constant 0 : i32
        %get3A_725 = arith.index_cast %get3A_724 : i32 to index
        %get3A_726 = arith.index_cast %add3A_723 : i32 to index
        %get3A_727 = arith.constant 32 : index
        %get3A_728 = tpu.vector_load %arg7[%get3A_725, %get3A_726, %get3A_727] {strides = array<i32>} : memref<4x200x64xf32, #tpu.memory_space<vmem>>, vector<1x1x16xf32>,
        %get3A_729 = vector.shape_cast %get3A_728 : vector<1x1x16xf32> to vector<16xf32>
        %add3A_730 = arith.constant 3 : i32
        %add3A_731 = arith.addi %mul3A_387, %add3A_730 : i32
        %get3A_732 = arith.index_cast %add3A_731 : i32 to index
        %get3A_733 = arith.constant 32 : index
        %get3A_734 = tpu.vector_load %arg8[%get3A_732, %get3A_733] {strides = array<i32>} : memref<200x64xf32, #tpu.memory_space<vmem>>, vector<1x16xf32>,
        %get3A_735 = vector.shape_cast %get3A_734 : vector<1x16xf32> to vector<16xf32>
        %add3A_736 = arith.addf %get3A_729, %get3A_735 : vector<16xf32>
        %add3A_737 = arith.constant 3 : i32
        %add3A_738 = arith.addi %mul3A_387, %add3A_737 : i32
        %swap3A_739 = arith.constant 0 : i32
        %swap3A_740 = arith.index_cast %swap3A_739 : i32 to index
        %swap3A_741 = arith.index_cast %add3A_738 : i32 to index
        %swap3A_742 = arith.constant 32 : index
        %swap3A_743 = tpu.vector_load %arg7[%swap3A_740, %swap3A_741, %swap3A_742] {strides = array<i32>} : memref<4x200x64xf32, #tpu.memory_space<vmem>>, vector<1x1x16xf32>,
        %swap3A_744 = vector.shape_cast %swap3A_743 : vector<1x1x16xf32> to vector<16xf32>
        %swap3A_745 = vector.shape_cast %add3A_736 : vector<16xf32> to vector<1x1x16xf32>
        tpu.vector_store %arg7[%swap3A_740, %swap3A_741, %swap3A_742], %swap3A_745 {strides = array<i32>} : memref<4x200x64xf32, #tpu.memory_space<vmem>>, vector<1x1x16xf32>,
        %add3A_746 = arith.constant 3 : i32
        %add3A_747 = arith.addi %mul3A_387, %add3A_746 : i32
        %get3A_748 = arith.constant 0 : i32
        %get3A_749 = arith.index_cast %get3A_748 : i32 to index
        %get3A_750 = arith.index_cast %add3A_747 : i32 to index
        %get3A_751 = arith.constant 48 : index
        %get3A_752 = tpu.vector_load %arg7[%get3A_749, %get3A_750, %get3A_751] {strides = array<i32>} : memref<4x200x64xf32, #tpu.memory_space<vmem>>, vector<1x1x16xf32>,
        %get3A_753 = vector.shape_cast %get3A_752 : vector<1x1x16xf32> to vector<16xf32>
        %add3A_754 = arith.constant 3 : i32
        %add3A_755 = arith.addi %mul3A_387, %add3A_754 : i32
        %get3A_756 = arith.index_cast %add3A_755 : i32 to index
        %get3A_757 = arith.constant 48 : index
        %get3A_758 = tpu.vector_load %arg8[%get3A_756, %get3A_757] {strides = array<i32>} : memref<200x64xf32, #tpu.memory_space<vmem>>, vector<1x16xf32>,
        %get3A_759 = vector.shape_cast %get3A_758 : vector<1x16xf32> to vector<16xf32>
        %add3A_760 = arith.addf %get3A_753, %get3A_759 : vector<16xf32>
        %add3A_761 = arith.constant 3 : i32
        %add3A_762 = arith.addi %mul3A_387, %add3A_761 : i32
        %swap3A_763 = arith.constant 0 : i32
        %swap3A_764 = arith.index_cast %swap3A_763 : i32 to index
        %swap3A_765 = arith.index_cast %add3A_762 : i32 to index
        %swap3A_766 = arith.constant 48 : index
        %swap3A_767 = tpu.vector_load %arg7[%swap3A_764, %swap3A_765, %swap3A_766] {strides = array<i32>} : memref<4x200x64xf32, #tpu.memory_space<vmem>>, vector<1x1x16xf32>,
        %swap3A_768 = vector.shape_cast %swap3A_767 : vector<1x1x16xf32> to vector<16xf32>
        %swap3A_769 = vector.shape_cast %add3A_760 : vector<16xf32> to vector<1x1x16xf32>
        tpu.vector_store %arg7[%swap3A_764, %swap3A_765, %swap3A_766], %swap3A_769 {strides = array<i32>} : memref<4x200x64xf32, #tpu.memory_space<vmem>>, vector<1x1x16xf32>,
      }
      %scan3A_198 = arith.constant 50 : i32
      %ge3A = arith.constant 4 : i32
      %ge3A_199 = arith.cmpi sge, %sub3A_177, %ge3A : i32
      %lt3A = arith.constant 128 : i32
      %lt3A_200 = arith.cmpi slt, %sub3A_177, %lt3A : i32
      %and3A = arith.andi %ge3A_199, %lt3A_200 : i1
      %convert_element_type3A = arith.extui %and3A : i1 to i32
      %cond3A = arith.constant 0 : i32
      %cond3A_201 = arith.cmpi ne, %convert_element_type3A, %cond3A : i32
      scf.if %cond3A_201 {
        %dma_wait3A_385 = arith.constant 3 : i32
        %dma_wait3A_386 = arith.constant 0 : i32
        %dma_wait3A_387 = arith.constant 0 : i32
        %dma_wait3A_388 = tpu.memref_slice %arg7[%dma_wait3A_385, %dma_wait3A_386, %dma_wait3A_387] : memref<4x200x64xf32, #tpu.memory_space<vmem>> -> memref<1x200x64xf32, #tpu.memory_space<vmem>>
        %dma_wait3A_389 = tpu.memref_squeeze %dma_wait3A_388 : memref<1x200x64xf32, #tpu.memory_space<vmem>> -> memref<200x64xf32, #tpu.memory_space<vmem>>
        %dma_wait3A_390 = arith.constant 0 : i32
        %dma_wait3A_391 = arith.constant 0 : i32
        %dma_wait3A_392 = tpu.memref_slice %arg5[%mul3A_2, %dma_wait3A_390, %dma_wait3A_391] : memref<4096x200x64xf32, #tpu.memory_space<hbm>> -> memref<1x200x64xf32, #tpu.memory_space<hbm>>
        %dma_wait3A_393 = tpu.memref_squeeze %dma_wait3A_392 : memref<1x200x64xf32, #tpu.memory_space<hbm>> -> memref<200x64xf32, #tpu.memory_space<hbm>>
        %dma_wait3A_394 = arith.constant 0 : i32
        %dma_wait3A_395 = arith.constant 0 : i32
        %dma_wait3A_396 = tpu.memref_slice %arg5[%mul3A_2, %dma_wait3A_394, %dma_wait3A_395] : memref<4096x200x64xf32, #tpu.memory_space<hbm>> -> memref<1x200x64xf32, #tpu.memory_space<hbm>>
        %dma_wait3A_397 = tpu.memref_squeeze %dma_wait3A_396 : memref<1x200x64xf32, #tpu.memory_space<hbm>> -> memref<200x64xf32, #tpu.memory_space<hbm>>
        %dma_wait3A_398 = arith.constant 0 : i32
        %dma_wait3A_399 = arith.constant 0 : i32
        %dma_wait3A_400 = tpu.memref_slice %arg7[%dma_wait3A_385, %dma_wait3A_398, %dma_wait3A_399] : memref<4x200x64xf32, #tpu.memory_space<vmem>> -> memref<1x200x64xf32, #tpu.memory_space<vmem>>
        %dma_wait3A_401 = tpu.memref_squeeze %dma_wait3A_400 : memref<1x200x64xf32, #tpu.memory_space<vmem>> -> memref<200x64xf32, #tpu.memory_space<vmem>>
        tpu.wait_dma2 semaphore(%arg16 : memref<!tpu.dma_semaphore, #tpu.memory_space<semaphore_mem>>) src(%dma_wait3A_401 : memref<200x64xf32, #tpu.memory_space<vmem>>) dst(%dma_wait3A_397 : memref<200x64xf32, #tpu.memory_space<hbm>>)
        %dma_start3A_402 = arith.constant 3 : i32
        %dma_start3A_403 = arith.constant 0 : i32
        %dma_start3A_404 = arith.constant 0 : i32
        %dma_start3A_405 = tpu.memref_slice %arg7[%dma_start3A_402, %dma_start3A_403, %dma_start3A_404] : memref<4x200x64xf32, #tpu.memory_space<vmem>> -> memref<1x128x64xf32, #tpu.memory_space<vmem>>
        %dma_start3A_406 = tpu.memref_squeeze %dma_start3A_405 : memref<1x128x64xf32, #tpu.memory_space<vmem>> -> memref<128x64xf32, #tpu.memory_space<vmem>>
        %dma_start3A_407 = arith.constant 0 : i32
        %dma_start3A_408 = tpu.memref_slice %arg6[%sub3A_177, %dma_start3A_407] : memref<128x200xi32, #tpu.memory_space<vmem>> -> memref<1x128xi32, #tpu.memory_space<vmem>>
        %dma_start3A_409 = tpu.memref_squeeze %dma_start3A_408 : memref<1x128xi32, #tpu.memory_space<vmem>> -> memref<128xi32, #tpu.memory_space<vmem>>
        %dma_start3A_410 = arith.constant 0 : i32
        %dma_start3A_411 = arith.constant 0 : i32
        %dma_start3A_412 = tpu.memref_slice %arg3[%dma_start3A_410, %dma_start3A_411] : memref<1000000x64xf32, #tpu.memory_space<hbm>> -> memref<1000000x64xf32, #tpu.memory_space<hbm>>
        tpu.enqueue_indirect_dma source(%dma_start3A_412 : memref<1000000x64xf32, #tpu.memory_space<hbm>>) target(%dma_start3A_406 : memref<128x64xf32, #tpu.memory_space<vmem>>) offsets(%dma_start3A_409 : memref<128xi32, #tpu.memory_space<vmem>>) semaphore(%arg12 : memref<!tpu.dma_semaphore, #tpu.memory_space<semaphore_mem>>)
        %dma_start3A_413 = arith.constant 3 : i32
        %dma_start3A_414 = arith.constant 128 : i32
        %dma_start3A_415 = arith.constant 0 : i32
        %dma_start3A_416 = tpu.memref_slice %arg7[%dma_start3A_413, %dma_start3A_414, %dma_start3A_415] : memref<4x200x64xf32, #tpu.memory_space<vmem>> -> memref<1x72x64xf32, #tpu.memory_space<vmem>>
        %dma_start3A_417 = tpu.memref_squeeze %dma_start3A_416 : memref<1x72x64xf32, #tpu.memory_space<vmem>> -> memref<72x64xf32, #tpu.memory_space<vmem>>
        %dma_start3A_418 = arith.constant 128 : i32
        %dma_start3A_419 = tpu.memref_slice %arg6[%sub3A_177, %dma_start3A_418] : memref<128x200xi32, #tpu.memory_space<vmem>> -> memref<1x72xi32, #tpu.memory_space<vmem>>
        %dma_start3A_420 = tpu.memref_squeeze %dma_start3A_419 : memref<1x72xi32, #tpu.memory_space<vmem>> -> memref<72xi32, #tpu.memory_space<vmem>>
        %dma_start3A_421 = arith.constant 0 : i32
        %dma_start3A_422 = arith.constant 0 : i32
        %dma_start3A_423 = tpu.memref_slice %arg3[%dma_start3A_421, %dma_start3A_422] : memref<1000000x64xf32, #tpu.memory_space<hbm>> -> memref<1000000x64xf32, #tpu.memory_space<hbm>>
        tpu.enqueue_indirect_dma source(%dma_start3A_423 : memref<1000000x64xf32, #tpu.memory_space<hbm>>) target(%dma_start3A_417 : memref<72x64xf32, #tpu.memory_space<vmem>>) offsets(%dma_start3A_420 : memref<72xi32, #tpu.memory_space<vmem>>) semaphore(%arg12 : memref<!tpu.dma_semaphore, #tpu.memory_space<semaphore_mem>>)
      } else {
      }
      %add3A_202 = arith.addi %mul3A_2, %add3A_174 : i32
      %dma_start3A_203 = arith.constant 0 : i32
      %dma_start3A_204 = arith.constant 0 : i32
      %dma_start3A_205 = arith.constant 0 : i32
      %dma_start3A_206 = tpu.memref_slice %arg7[%dma_start3A_203, %dma_start3A_204, %dma_start3A_205] : memref<4x200x64xf32, #tpu.memory_space<vmem>> -> memref<1x200x64xf32, #tpu.memory_space<vmem>>
      %dma_start3A_207 = tpu.memref_squeeze %dma_start3A_206 : memref<1x200x64xf32, #tpu.memory_space<vmem>> -> memref<200x64xf32, #tpu.memory_space<vmem>>
      %dma_start3A_208 = arith.constant 0 : i32
      %dma_start3A_209 = arith.constant 0 : i32
      %dma_start3A_210 = tpu.memref_slice %arg5[%add3A_202, %dma_start3A_208, %dma_start3A_209] : memref<4096x200x64xf32, #tpu.memory_space<hbm>> -> memref<1x200x64xf32, #tpu.memory_space<hbm>>
      %dma_start3A_211 = tpu.memref_squeeze %dma_start3A_210 : memref<1x200x64xf32, #tpu.memory_space<hbm>> -> memref<200x64xf32, #tpu.memory_space<hbm>>
      %dma_start3A_212 = arith.constant 0 : i32
      %dma_start3A_213 = arith.constant 0 : i32
      %dma_start3A_214 = tpu.memref_slice %arg5[%add3A_202, %dma_start3A_212, %dma_start3A_213] : memref<4096x200x64xf32, #tpu.memory_space<hbm>> -> memref<1x200x64xf32, #tpu.memory_space<hbm>>
      %dma_start3A_215 = tpu.memref_squeeze %dma_start3A_214 : memref<1x200x64xf32, #tpu.memory_space<hbm>> -> memref<200x64xf32, #tpu.memory_space<hbm>>
      %dma_start3A_216 = arith.constant 0 : i32
      %dma_start3A_217 = arith.constant 0 : i32
      %dma_start3A_218 = tpu.memref_slice %arg7[%dma_start3A_203, %dma_start3A_216, %dma_start3A_217] : memref<4x200x64xf32, #tpu.memory_space<vmem>> -> memref<1x200x64xf32, #tpu.memory_space<vmem>>
      %dma_start3A_219 = tpu.memref_squeeze %dma_start3A_218 : memref<1x200x64xf32, #tpu.memory_space<vmem>> -> memref<200x64xf32, #tpu.memory_space<vmem>>
      tpu.enqueue_dma source(%dma_start3A_219 : memref<200x64xf32, #tpu.memory_space<vmem>>) target(%dma_start3A_215 : memref<200x64xf32, #tpu.memory_space<hbm>>) target_semaphore(%arg13 : memref<!tpu.dma_semaphore, #tpu.memory_space<semaphore_mem>>)
      %mul3A_220 = arith.constant 4 : i32
      %mul3A_221 = arith.muli %scan3A_170, %mul3A_220 : i32
      %add3A_222 = arith.constant 1 : i32
      %add3A_223 = arith.addi %mul3A_221, %add3A_222 : i32
      %add3A_224 = arith.constant 4 : i32
      %add3A_225 = arith.addi %add3A_223, %add3A_224 : i32
      %sub3A_226 = arith.constant 1 : i32
      %sub3A_227 = arith.subi %add3A_225, %sub3A_226 : i32
      %dma_wait3A_228 = arith.constant 1 : i32
      %dma_wait3A_229 = arith.constant 0 : i32
      %dma_wait3A_230 = arith.constant 0 : i32
      %dma_wait3A_231 = tpu.memref_slice %arg7[%dma_wait3A_228, %dma_wait3A_229, %dma_wait3A_230] : memref<4x200x64xf32, #tpu.memory_space<vmem>> -> memref<1x200x64xf32, #tpu.memory_space<vmem>>
      %dma_wait3A_232 = tpu.memref_squeeze %dma_wait3A_231 : memref<1x200x64xf32, #tpu.memory_space<vmem>> -> memref<200x64xf32, #tpu.memory_space<vmem>>
      %dma_wait3A_233 = arith.constant 0 : i32
      %dma_wait3A_234 = arith.constant 0 : i32
      %dma_wait3A_235 = tpu.memref_slice %arg3[%dma_wait3A_233, %dma_wait3A_234] : memref<1000000x64xf32, #tpu.memory_space<hbm>> -> memref<200x64xf32, #tpu.memory_space<hbm>>
      %dma_wait3A_236 = arith.constant 0 : i32
      %dma_wait3A_237 = arith.constant 0 : i32
      %dma_wait3A_238 = tpu.memref_slice %arg7[%dma_wait3A_228, %dma_wait3A_236, %dma_wait3A_237] : memref<4x200x64xf32, #tpu.memory_space<vmem>> -> memref<1x200x64xf32, #tpu.memory_space<vmem>>
      %dma_wait3A_239 = tpu.memref_squeeze %dma_wait3A_238 : memref<1x200x64xf32, #tpu.memory_space<vmem>> -> memref<200x64xf32, #tpu.memory_space<vmem>>
      %dma_wait3A_240 = arith.constant 0 : i32
      %dma_wait3A_241 = arith.constant 0 : i32
      %dma_wait3A_242 = tpu.memref_slice %arg3[%dma_wait3A_240, %dma_wait3A_241] : memref<1000000x64xf32, #tpu.memory_space<hbm>> -> memref<200x64xf32, #tpu.memory_space<hbm>>
      tpu.wait_dma2 semaphore(%arg10 : memref<!tpu.dma_semaphore, #tpu.memory_space<semaphore_mem>>) src(%dma_wait3A_242 : memref<200x64xf32, #tpu.memory_space<hbm>>) dst(%dma_wait3A_239 : memref<200x64xf32, #tpu.memory_space<vmem>>)
      %scan3A_243 = arith.constant 0 : i32
      %scan3A_244 = arith.constant 0 : i32
      %scan3A_245 = arith.constant 50 : i32
      %scan3A_246 = arith.addi %scan3A_244, %scan3A_245 : i32
      %scan3A_247 = arith.constant 1 : i32
      scf.for %scan3A_385 = %scan3A_244 to %scan3A_246 step %scan3A_247  : i32 {
        %mul3A_386 = arith.constant 4 : i32
        %mul3A_387 = arith.muli %scan3A_385, %mul3A_386 : i32
        %add3A_388 = arith.constant 0 : i32
        %add3A_389 = arith.addi %mul3A_387, %add3A_388 : i32
        %get3A = arith.constant 1 : i32
        %get3A_390 = arith.index_cast %get3A : i32 to index
        %get3A_391 = arith.index_cast %add3A_389 : i32 to index
        %get3A_392 = arith.constant 0 : index
        %get3A_393 = tpu.vector_load %arg7[%get3A_390, %get3A_391, %get3A_392] {strides = array<i32>} : memref<4x200x64xf32, #tpu.memory_space<vmem>>, vector<1x1x16xf32>,
        %get3A_394 = vector.shape_cast %get3A_393 : vector<1x1x16xf32> to vector<16xf32>
        %add3A_395 = arith.constant 0 : i32
        %add3A_396 = arith.addi %mul3A_387, %add3A_395 : i32
        %get3A_397 = arith.index_cast %add3A_396 : i32 to index
        %get3A_398 = arith.constant 0 : index
        %get3A_399 = tpu.vector_load %arg8[%get3A_397, %get3A_398] {strides = array<i32>} : memref<200x64xf32, #tpu.memory_space<vmem>>, vector<1x16xf32>,
        %get3A_400 = vector.shape_cast %get3A_399 : vector<1x16xf32> to vector<16xf32>
        %add3A_401 = arith.addf %get3A_394, %get3A_400 : vector<16xf32>
        %add3A_402 = arith.constant 0 : i32
        %add3A_403 = arith.addi %mul3A_387, %add3A_402 : i32
        %swap3A = arith.constant 1 : i32
        %swap3A_404 = arith.index_cast %swap3A : i32 to index
        %swap3A_405 = arith.index_cast %add3A_403 : i32 to index
        %swap3A_406 = arith.constant 0 : index
        %swap3A_407 = tpu.vector_load %arg7[%swap3A_404, %swap3A_405, %swap3A_406] {strides = array<i32>} : memref<4x200x64xf32, #tpu.memory_space<vmem>>, vector<1x1x16xf32>,
        %swap3A_408 = vector.shape_cast %swap3A_407 : vector<1x1x16xf32> to vector<16xf32>
        %swap3A_409 = vector.shape_cast %add3A_401 : vector<16xf32> to vector<1x1x16xf32>
        tpu.vector_store %arg7[%swap3A_404, %swap3A_405, %swap3A_406], %swap3A_409 {strides = array<i32>} : memref<4x200x64xf32, #tpu.memory_space<vmem>>, vector<1x1x16xf32>,
        %add3A_410 = arith.constant 0 : i32
        %add3A_411 = arith.addi %mul3A_387, %add3A_410 : i32
        %get3A_412 = arith.constant 1 : i32
        %get3A_413 = arith.index_cast %get3A_412 : i32 to index
        %get3A_414 = arith.index_cast %add3A_411 : i32 to index
        %get3A_415 = arith.constant 16 : index
        %get3A_416 = tpu.vector_load %arg7[%get3A_413, %get3A_414, %get3A_415] {strides = array<i32>} : memref<4x200x64xf32, #tpu.memory_space<vmem>>, vector<1x1x16xf32>,
        %get3A_417 = vector.shape_cast %get3A_416 : vector<1x1x16xf32> to vector<16xf32>
        %add3A_418 = arith.constant 0 : i32
        %add3A_419 = arith.addi %mul3A_387, %add3A_418 : i32
        %get3A_420 = arith.index_cast %add3A_419 : i32 to index
        %get3A_421 = arith.constant 16 : index
        %get3A_422 = tpu.vector_load %arg8[%get3A_420, %get3A_421] {strides = array<i32>} : memref<200x64xf32, #tpu.memory_space<vmem>>, vector<1x16xf32>,
        %get3A_423 = vector.shape_cast %get3A_422 : vector<1x16xf32> to vector<16xf32>
        %add3A_424 = arith.addf %get3A_417, %get3A_423 : vector<16xf32>
        %add3A_425 = arith.constant 0 : i32
        %add3A_426 = arith.addi %mul3A_387, %add3A_425 : i32
        %swap3A_427 = arith.constant 1 : i32
        %swap3A_428 = arith.index_cast %swap3A_427 : i32 to index
        %swap3A_429 = arith.index_cast %add3A_426 : i32 to index
        %swap3A_430 = arith.constant 16 : index
        %swap3A_431 = tpu.vector_load %arg7[%swap3A_428, %swap3A_429, %swap3A_430] {strides = array<i32>} : memref<4x200x64xf32, #tpu.memory_space<vmem>>, vector<1x1x16xf32>,
        %swap3A_432 = vector.shape_cast %swap3A_431 : vector<1x1x16xf32> to vector<16xf32>
        %swap3A_433 = vector.shape_cast %add3A_424 : vector<16xf32> to vector<1x1x16xf32>
        tpu.vector_store %arg7[%swap3A_428, %swap3A_429, %swap3A_430], %swap3A_433 {strides = array<i32>} : memref<4x200x64xf32, #tpu.memory_space<vmem>>, vector<1x1x16xf32>,
        %add3A_434 = arith.constant 0 : i32
        %add3A_435 = arith.addi %mul3A_387, %add3A_434 : i32
        %get3A_436 = arith.constant 1 : i32
        %get3A_437 = arith.index_cast %get3A_436 : i32 to index
        %get3A_438 = arith.index_cast %add3A_435 : i32 to index
        %get3A_439 = arith.constant 32 : index
        %get3A_440 = tpu.vector_load %arg7[%get3A_437, %get3A_438, %get3A_439] {strides = array<i32>} : memref<4x200x64xf32, #tpu.memory_space<vmem>>, vector<1x1x16xf32>,
        %get3A_441 = vector.shape_cast %get3A_440 : vector<1x1x16xf32> to vector<16xf32>
        %add3A_442 = arith.constant 0 : i32
        %add3A_443 = arith.addi %mul3A_387, %add3A_442 : i32
        %get3A_444 = arith.index_cast %add3A_443 : i32 to index
        %get3A_445 = arith.constant 32 : index
        %get3A_446 = tpu.vector_load %arg8[%get3A_444, %get3A_445] {strides = array<i32>} : memref<200x64xf32, #tpu.memory_space<vmem>>, vector<1x16xf32>,
        %get3A_447 = vector.shape_cast %get3A_446 : vector<1x16xf32> to vector<16xf32>
        %add3A_448 = arith.addf %get3A_441, %get3A_447 : vector<16xf32>
        %add3A_449 = arith.constant 0 : i32
        %add3A_450 = arith.addi %mul3A_387, %add3A_449 : i32
        %swap3A_451 = arith.constant 1 : i32
        %swap3A_452 = arith.index_cast %swap3A_451 : i32 to index
        %swap3A_453 = arith.index_cast %add3A_450 : i32 to index
        %swap3A_454 = arith.constant 32 : index
        %swap3A_455 = tpu.vector_load %arg7[%swap3A_452, %swap3A_453, %swap3A_454] {strides = array<i32>} : memref<4x200x64xf32, #tpu.memory_space<vmem>>, vector<1x1x16xf32>,
        %swap3A_456 = vector.shape_cast %swap3A_455 : vector<1x1x16xf32> to vector<16xf32>
        %swap3A_457 = vector.shape_cast %add3A_448 : vector<16xf32> to vector<1x1x16xf32>
        tpu.vector_store %arg7[%swap3A_452, %swap3A_453, %swap3A_454], %swap3A_457 {strides = array<i32>} : memref<4x200x64xf32, #tpu.memory_space<vmem>>, vector<1x1x16xf32>,
        %add3A_458 = arith.constant 0 : i32
        %add3A_459 = arith.addi %mul3A_387, %add3A_458 : i32
        %get3A_460 = arith.constant 1 : i32
        %get3A_461 = arith.index_cast %get3A_460 : i32 to index
        %get3A_462 = arith.index_cast %add3A_459 : i32 to index
        %get3A_463 = arith.constant 48 : index
        %get3A_464 = tpu.vector_load %arg7[%get3A_461, %get3A_462, %get3A_463] {strides = array<i32>} : memref<4x200x64xf32, #tpu.memory_space<vmem>>, vector<1x1x16xf32>,
        %get3A_465 = vector.shape_cast %get3A_464 : vector<1x1x16xf32> to vector<16xf32>
        %add3A_466 = arith.constant 0 : i32
        %add3A_467 = arith.addi %mul3A_387, %add3A_466 : i32
        %get3A_468 = arith.index_cast %add3A_467 : i32 to index
        %get3A_469 = arith.constant 48 : index
        %get3A_470 = tpu.vector_load %arg8[%get3A_468, %get3A_469] {strides = array<i32>} : memref<200x64xf32, #tpu.memory_space<vmem>>, vector<1x16xf32>,
        %get3A_471 = vector.shape_cast %get3A_470 : vector<1x16xf32> to vector<16xf32>
        %add3A_472 = arith.addf %get3A_465, %get3A_471 : vector<16xf32>
        %add3A_473 = arith.constant 0 : i32
        %add3A_474 = arith.addi %mul3A_387, %add3A_473 : i32
        %swap3A_475 = arith.constant 1 : i32
        %swap3A_476 = arith.index_cast %swap3A_475 : i32 to index
        %swap3A_477 = arith.index_cast %add3A_474 : i32 to index
        %swap3A_478 = arith.constant 48 : index
        %swap3A_479 = tpu.vector_load %arg7[%swap3A_476, %swap3A_477, %swap3A_478] {strides = array<i32>} : memref<4x200x64xf32, #tpu.memory_space<vmem>>, vector<1x1x16xf32>,
        %swap3A_480 = vector.shape_cast %swap3A_479 : vector<1x1x16xf32> to vector<16xf32>
        %swap3A_481 = vector.shape_cast %add3A_472 : vector<16xf32> to vector<1x1x16xf32>
        tpu.vector_store %arg7[%swap3A_476, %swap3A_477, %swap3A_478], %swap3A_481 {strides = array<i32>} : memref<4x200x64xf32, #tpu.memory_space<vmem>>, vector<1x1x16xf32>,
        %add3A_482 = arith.constant 1 : i32
        %add3A_483 = arith.addi %mul3A_387, %add3A_482 : i32
        %get3A_484 = arith.constant 1 : i32
        %get3A_485 = arith.index_cast %get3A_484 : i32 to index
        %get3A_486 = arith.index_cast %add3A_483 : i32 to index
        %get3A_487 = arith.constant 0 : index
        %get3A_488 = tpu.vector_load %arg7[%get3A_485, %get3A_486, %get3A_487] {strides = array<i32>} : memref<4x200x64xf32, #tpu.memory_space<vmem>>, vector<1x1x16xf32>,
        %get3A_489 = vector.shape_cast %get3A_488 : vector<1x1x16xf32> to vector<16xf32>
        %add3A_490 = arith.constant 1 : i32
        %add3A_491 = arith.addi %mul3A_387, %add3A_490 : i32
        %get3A_492 = arith.index_cast %add3A_491 : i32 to index
        %get3A_493 = arith.constant 0 : index
        %get3A_494 = tpu.vector_load %arg8[%get3A_492, %get3A_493] {strides = array<i32>} : memref<200x64xf32, #tpu.memory_space<vmem>>, vector<1x16xf32>,
        %get3A_495 = vector.shape_cast %get3A_494 : vector<1x16xf32> to vector<16xf32>
        %add3A_496 = arith.addf %get3A_489, %get3A_495 : vector<16xf32>
        %add3A_497 = arith.constant 1 : i32
        %add3A_498 = arith.addi %mul3A_387, %add3A_497 : i32
        %swap3A_499 = arith.constant 1 : i32
        %swap3A_500 = arith.index_cast %swap3A_499 : i32 to index
        %swap3A_501 = arith.index_cast %add3A_498 : i32 to index
        %swap3A_502 = arith.constant 0 : index
        %swap3A_503 = tpu.vector_load %arg7[%swap3A_500, %swap3A_501, %swap3A_502] {strides = array<i32>} : memref<4x200x64xf32, #tpu.memory_space<vmem>>, vector<1x1x16xf32>,
        %swap3A_504 = vector.shape_cast %swap3A_503 : vector<1x1x16xf32> to vector<16xf32>
        %swap3A_505 = vector.shape_cast %add3A_496 : vector<16xf32> to vector<1x1x16xf32>
        tpu.vector_store %arg7[%swap3A_500, %swap3A_501, %swap3A_502], %swap3A_505 {strides = array<i32>} : memref<4x200x64xf32, #tpu.memory_space<vmem>>, vector<1x1x16xf32>,
        %add3A_506 = arith.constant 1 : i32
        %add3A_507 = arith.addi %mul3A_387, %add3A_506 : i32
        %get3A_508 = arith.constant 1 : i32
        %get3A_509 = arith.index_cast %get3A_508 : i32 to index
        %get3A_510 = arith.index_cast %add3A_507 : i32 to index
        %get3A_511 = arith.constant 16 : index
        %get3A_512 = tpu.vector_load %arg7[%get3A_509, %get3A_510, %get3A_511] {strides = array<i32>} : memref<4x200x64xf32, #tpu.memory_space<vmem>>, vector<1x1x16xf32>,
        %get3A_513 = vector.shape_cast %get3A_512 : vector<1x1x16xf32> to vector<16xf32>
        %add3A_514 = arith.constant 1 : i32
        %add3A_515 = arith.addi %mul3A_387, %add3A_514 : i32
        %get3A_516 = arith.index_cast %add3A_515 : i32 to index
        %get3A_517 = arith.constant 16 : index
        %get3A_518 = tpu.vector_load %arg8[%get3A_516, %get3A_517] {strides = array<i32>} : memref<200x64xf32, #tpu.memory_space<vmem>>, vector<1x16xf32>,
        %get3A_519 = vector.shape_cast %get3A_518 : vector<1x16xf32> to vector<16xf32>
        %add3A_520 = arith.addf %get3A_513, %get3A_519 : vector<16xf32>
        %add3A_521 = arith.constant 1 : i32
        %add3A_522 = arith.addi %mul3A_387, %add3A_521 : i32
        %swap3A_523 = arith.constant 1 : i32
        %swap3A_524 = arith.index_cast %swap3A_523 : i32 to index
        %swap3A_525 = arith.index_cast %add3A_522 : i32 to index
        %swap3A_526 = arith.constant 16 : index
        %swap3A_527 = tpu.vector_load %arg7[%swap3A_524, %swap3A_525, %swap3A_526] {strides = array<i32>} : memref<4x200x64xf32, #tpu.memory_space<vmem>>, vector<1x1x16xf32>,
        %swap3A_528 = vector.shape_cast %swap3A_527 : vector<1x1x16xf32> to vector<16xf32>
        %swap3A_529 = vector.shape_cast %add3A_520 : vector<16xf32> to vector<1x1x16xf32>
        tpu.vector_store %arg7[%swap3A_524, %swap3A_525, %swap3A_526], %swap3A_529 {strides = array<i32>} : memref<4x200x64xf32, #tpu.memory_space<vmem>>, vector<1x1x16xf32>,
        %add3A_530 = arith.constant 1 : i32
        %add3A_531 = arith.addi %mul3A_387, %add3A_530 : i32
        %get3A_532 = arith.constant 1 : i32
        %get3A_533 = arith.index_cast %get3A_532 : i32 to index
        %get3A_534 = arith.index_cast %add3A_531 : i32 to index
        %get3A_535 = arith.constant 32 : index
        %get3A_536 = tpu.vector_load %arg7[%get3A_533, %get3A_534, %get3A_535] {strides = array<i32>} : memref<4x200x64xf32, #tpu.memory_space<vmem>>, vector<1x1x16xf32>,
        %get3A_537 = vector.shape_cast %get3A_536 : vector<1x1x16xf32> to vector<16xf32>
        %add3A_538 = arith.constant 1 : i32
        %add3A_539 = arith.addi %mul3A_387, %add3A_538 : i32
        %get3A_540 = arith.index_cast %add3A_539 : i32 to index
        %get3A_541 = arith.constant 32 : index
        %get3A_542 = tpu.vector_load %arg8[%get3A_540, %get3A_541] {strides = array<i32>} : memref<200x64xf32, #tpu.memory_space<vmem>>, vector<1x16xf32>,
        %get3A_543 = vector.shape_cast %get3A_542 : vector<1x16xf32> to vector<16xf32>
        %add3A_544 = arith.addf %get3A_537, %get3A_543 : vector<16xf32>
        %add3A_545 = arith.constant 1 : i32
        %add3A_546 = arith.addi %mul3A_387, %add3A_545 : i32
        %swap3A_547 = arith.constant 1 : i32
        %swap3A_548 = arith.index_cast %swap3A_547 : i32 to index
        %swap3A_549 = arith.index_cast %add3A_546 : i32 to index
        %swap3A_550 = arith.constant 32 : index
        %swap3A_551 = tpu.vector_load %arg7[%swap3A_548, %swap3A_549, %swap3A_550] {strides = array<i32>} : memref<4x200x64xf32, #tpu.memory_space<vmem>>, vector<1x1x16xf32>,
        %swap3A_552 = vector.shape_cast %swap3A_551 : vector<1x1x16xf32> to vector<16xf32>
        %swap3A_553 = vector.shape_cast %add3A_544 : vector<16xf32> to vector<1x1x16xf32>
        tpu.vector_store %arg7[%swap3A_548, %swap3A_549, %swap3A_550], %swap3A_553 {strides = array<i32>} : memref<4x200x64xf32, #tpu.memory_space<vmem>>, vector<1x1x16xf32>,
        %add3A_554 = arith.constant 1 : i32
        %add3A_555 = arith.addi %mul3A_387, %add3A_554 : i32
        %get3A_556 = arith.constant 1 : i32
        %get3A_557 = arith.index_cast %get3A_556 : i32 to index
        %get3A_558 = arith.index_cast %add3A_555 : i32 to index
        %get3A_559 = arith.constant 48 : index
        %get3A_560 = tpu.vector_load %arg7[%get3A_557, %get3A_558, %get3A_559] {strides = array<i32>} : memref<4x200x64xf32, #tpu.memory_space<vmem>>, vector<1x1x16xf32>,
        %get3A_561 = vector.shape_cast %get3A_560 : vector<1x1x16xf32> to vector<16xf32>
        %add3A_562 = arith.constant 1 : i32
        %add3A_563 = arith.addi %mul3A_387, %add3A_562 : i32
        %get3A_564 = arith.index_cast %add3A_563 : i32 to index
        %get3A_565 = arith.constant 48 : index
        %get3A_566 = tpu.vector_load %arg8[%get3A_564, %get3A_565] {strides = array<i32>} : memref<200x64xf32, #tpu.memory_space<vmem>>, vector<1x16xf32>,
        %get3A_567 = vector.shape_cast %get3A_566 : vector<1x16xf32> to vector<16xf32>
        %add3A_568 = arith.addf %get3A_561, %get3A_567 : vector<16xf32>
        %add3A_569 = arith.constant 1 : i32
        %add3A_570 = arith.addi %mul3A_387, %add3A_569 : i32
        %swap3A_571 = arith.constant 1 : i32
        %swap3A_572 = arith.index_cast %swap3A_571 : i32 to index
        %swap3A_573 = arith.index_cast %add3A_570 : i32 to index
        %swap3A_574 = arith.constant 48 : index
        %swap3A_575 = tpu.vector_load %arg7[%swap3A_572, %swap3A_573, %swap3A_574] {strides = array<i32>} : memref<4x200x64xf32, #tpu.memory_space<vmem>>, vector<1x1x16xf32>,
        %swap3A_576 = vector.shape_cast %swap3A_575 : vector<1x1x16xf32> to vector<16xf32>
        %swap3A_577 = vector.shape_cast %add3A_568 : vector<16xf32> to vector<1x1x16xf32>
        tpu.vector_store %arg7[%swap3A_572, %swap3A_573, %swap3A_574], %swap3A_577 {strides = array<i32>} : memref<4x200x64xf32, #tpu.memory_space<vmem>>, vector<1x1x16xf32>,
        %add3A_578 = arith.constant 2 : i32
        %add3A_579 = arith.addi %mul3A_387, %add3A_578 : i32
        %get3A_580 = arith.constant 1 : i32
        %get3A_581 = arith.index_cast %get3A_580 : i32 to index
        %get3A_582 = arith.index_cast %add3A_579 : i32 to index
        %get3A_583 = arith.constant 0 : index
        %get3A_584 = tpu.vector_load %arg7[%get3A_581, %get3A_582, %get3A_583] {strides = array<i32>} : memref<4x200x64xf32, #tpu.memory_space<vmem>>, vector<1x1x16xf32>,
        %get3A_585 = vector.shape_cast %get3A_584 : vector<1x1x16xf32> to vector<16xf32>
        %add3A_586 = arith.constant 2 : i32
        %add3A_587 = arith.addi %mul3A_387, %add3A_586 : i32
        %get3A_588 = arith.index_cast %add3A_587 : i32 to index
        %get3A_589 = arith.constant 0 : index
        %get3A_590 = tpu.vector_load %arg8[%get3A_588, %get3A_589] {strides = array<i32>} : memref<200x64xf32, #tpu.memory_space<vmem>>, vector<1x16xf32>,
        %get3A_591 = vector.shape_cast %get3A_590 : vector<1x16xf32> to vector<16xf32>
        %add3A_592 = arith.addf %get3A_585, %get3A_591 : vector<16xf32>
        %add3A_593 = arith.constant 2 : i32
        %add3A_594 = arith.addi %mul3A_387, %add3A_593 : i32
        %swap3A_595 = arith.constant 1 : i32
        %swap3A_596 = arith.index_cast %swap3A_595 : i32 to index
        %swap3A_597 = arith.index_cast %add3A_594 : i32 to index
        %swap3A_598 = arith.constant 0 : index
        %swap3A_599 = tpu.vector_load %arg7[%swap3A_596, %swap3A_597, %swap3A_598] {strides = array<i32>} : memref<4x200x64xf32, #tpu.memory_space<vmem>>, vector<1x1x16xf32>,
        %swap3A_600 = vector.shape_cast %swap3A_599 : vector<1x1x16xf32> to vector<16xf32>
        %swap3A_601 = vector.shape_cast %add3A_592 : vector<16xf32> to vector<1x1x16xf32>
        tpu.vector_store %arg7[%swap3A_596, %swap3A_597, %swap3A_598], %swap3A_601 {strides = array<i32>} : memref<4x200x64xf32, #tpu.memory_space<vmem>>, vector<1x1x16xf32>,
        %add3A_602 = arith.constant 2 : i32
        %add3A_603 = arith.addi %mul3A_387, %add3A_602 : i32
        %get3A_604 = arith.constant 1 : i32
        %get3A_605 = arith.index_cast %get3A_604 : i32 to index
        %get3A_606 = arith.index_cast %add3A_603 : i32 to index
        %get3A_607 = arith.constant 16 : index
        %get3A_608 = tpu.vector_load %arg7[%get3A_605, %get3A_606, %get3A_607] {strides = array<i32>} : memref<4x200x64xf32, #tpu.memory_space<vmem>>, vector<1x1x16xf32>,
        %get3A_609 = vector.shape_cast %get3A_608 : vector<1x1x16xf32> to vector<16xf32>
        %add3A_610 = arith.constant 2 : i32
        %add3A_611 = arith.addi %mul3A_387, %add3A_610 : i32
        %get3A_612 = arith.index_cast %add3A_611 : i32 to index
        %get3A_613 = arith.constant 16 : index
        %get3A_614 = tpu.vector_load %arg8[%get3A_612, %get3A_613] {strides = array<i32>} : memref<200x64xf32, #tpu.memory_space<vmem>>, vector<1x16xf32>,
        %get3A_615 = vector.shape_cast %get3A_614 : vector<1x16xf32> to vector<16xf32>
        %add3A_616 = arith.addf %get3A_609, %get3A_615 : vector<16xf32>
        %add3A_617 = arith.constant 2 : i32
        %add3A_618 = arith.addi %mul3A_387, %add3A_617 : i32
        %swap3A_619 = arith.constant 1 : i32
        %swap3A_620 = arith.index_cast %swap3A_619 : i32 to index
        %swap3A_621 = arith.index_cast %add3A_618 : i32 to index
        %swap3A_622 = arith.constant 16 : index
        %swap3A_623 = tpu.vector_load %arg7[%swap3A_620, %swap3A_621, %swap3A_622] {strides = array<i32>} : memref<4x200x64xf32, #tpu.memory_space<vmem>>, vector<1x1x16xf32>,
        %swap3A_624 = vector.shape_cast %swap3A_623 : vector<1x1x16xf32> to vector<16xf32>
        %swap3A_625 = vector.shape_cast %add3A_616 : vector<16xf32> to vector<1x1x16xf32>
        tpu.vector_store %arg7[%swap3A_620, %swap3A_621, %swap3A_622], %swap3A_625 {strides = array<i32>} : memref<4x200x64xf32, #tpu.memory_space<vmem>>, vector<1x1x16xf32>,
        %add3A_626 = arith.constant 2 : i32
        %add3A_627 = arith.addi %mul3A_387, %add3A_626 : i32
        %get3A_628 = arith.constant 1 : i32
        %get3A_629 = arith.index_cast %get3A_628 : i32 to index
        %get3A_630 = arith.index_cast %add3A_627 : i32 to index
        %get3A_631 = arith.constant 32 : index
        %get3A_632 = tpu.vector_load %arg7[%get3A_629, %get3A_630, %get3A_631] {strides = array<i32>} : memref<4x200x64xf32, #tpu.memory_space<vmem>>, vector<1x1x16xf32>,
        %get3A_633 = vector.shape_cast %get3A_632 : vector<1x1x16xf32> to vector<16xf32>
        %add3A_634 = arith.constant 2 : i32
        %add3A_635 = arith.addi %mul3A_387, %add3A_634 : i32
        %get3A_636 = arith.index_cast %add3A_635 : i32 to index
        %get3A_637 = arith.constant 32 : index
        %get3A_638 = tpu.vector_load %arg8[%get3A_636, %get3A_637] {strides = array<i32>} : memref<200x64xf32, #tpu.memory_space<vmem>>, vector<1x16xf32>,
        %get3A_639 = vector.shape_cast %get3A_638 : vector<1x16xf32> to vector<16xf32>
        %add3A_640 = arith.addf %get3A_633, %get3A_639 : vector<16xf32>
        %add3A_641 = arith.constant 2 : i32
        %add3A_642 = arith.addi %mul3A_387, %add3A_641 : i32
        %swap3A_643 = arith.constant 1 : i32
        %swap3A_644 = arith.index_cast %swap3A_643 : i32 to index
        %swap3A_645 = arith.index_cast %add3A_642 : i32 to index
        %swap3A_646 = arith.constant 32 : index
        %swap3A_647 = tpu.vector_load %arg7[%swap3A_644, %swap3A_645, %swap3A_646] {strides = array<i32>} : memref<4x200x64xf32, #tpu.memory_space<vmem>>, vector<1x1x16xf32>,
        %swap3A_648 = vector.shape_cast %swap3A_647 : vector<1x1x16xf32> to vector<16xf32>
        %swap3A_649 = vector.shape_cast %add3A_640 : vector<16xf32> to vector<1x1x16xf32>
        tpu.vector_store %arg7[%swap3A_644, %swap3A_645, %swap3A_646], %swap3A_649 {strides = array<i32>} : memref<4x200x64xf32, #tpu.memory_space<vmem>>, vector<1x1x16xf32>,
        %add3A_650 = arith.constant 2 : i32
        %add3A_651 = arith.addi %mul3A_387, %add3A_650 : i32
        %get3A_652 = arith.constant 1 : i32
        %get3A_653 = arith.index_cast %get3A_652 : i32 to index
        %get3A_654 = arith.index_cast %add3A_651 : i32 to index
        %get3A_655 = arith.constant 48 : index
        %get3A_656 = tpu.vector_load %arg7[%get3A_653, %get3A_654, %get3A_655] {strides = array<i32>} : memref<4x200x64xf32, #tpu.memory_space<vmem>>, vector<1x1x16xf32>,
        %get3A_657 = vector.shape_cast %get3A_656 : vector<1x1x16xf32> to vector<16xf32>
        %add3A_658 = arith.constant 2 : i32
        %add3A_659 = arith.addi %mul3A_387, %add3A_658 : i32
        %get3A_660 = arith.index_cast %add3A_659 : i32 to index
        %get3A_661 = arith.constant 48 : index
        %get3A_662 = tpu.vector_load %arg8[%get3A_660, %get3A_661] {strides = array<i32>} : memref<200x64xf32, #tpu.memory_space<vmem>>, vector<1x16xf32>,
        %get3A_663 = vector.shape_cast %get3A_662 : vector<1x16xf32> to vector<16xf32>
        %add3A_664 = arith.addf %get3A_657, %get3A_663 : vector<16xf32>
        %add3A_665 = arith.constant 2 : i32
        %add3A_666 = arith.addi %mul3A_387, %add3A_665 : i32
        %swap3A_667 = arith.constant 1 : i32
        %swap3A_668 = arith.index_cast %swap3A_667 : i32 to index
        %swap3A_669 = arith.index_cast %add3A_666 : i32 to index
        %swap3A_670 = arith.constant 48 : index
        %swap3A_671 = tpu.vector_load %arg7[%swap3A_668, %swap3A_669, %swap3A_670] {strides = array<i32>} : memref<4x200x64xf32, #tpu.memory_space<vmem>>, vector<1x1x16xf32>,
        %swap3A_672 = vector.shape_cast %swap3A_671 : vector<1x1x16xf32> to vector<16xf32>
        %swap3A_673 = vector.shape_cast %add3A_664 : vector<16xf32> to vector<1x1x16xf32>
        tpu.vector_store %arg7[%swap3A_668, %swap3A_669, %swap3A_670], %swap3A_673 {strides = array<i32>} : memref<4x200x64xf32, #tpu.memory_space<vmem>>, vector<1x1x16xf32>,
        %add3A_674 = arith.constant 3 : i32
        %add3A_675 = arith.addi %mul3A_387, %add3A_674 : i32
        %get3A_676 = arith.constant 1 : i32
        %get3A_677 = arith.index_cast %get3A_676 : i32 to index
        %get3A_678 = arith.index_cast %add3A_675 : i32 to index
        %get3A_679 = arith.constant 0 : index
        %get3A_680 = tpu.vector_load %arg7[%get3A_677, %get3A_678, %get3A_679] {strides = array<i32>} : memref<4x200x64xf32, #tpu.memory_space<vmem>>, vector<1x1x16xf32>,
        %get3A_681 = vector.shape_cast %get3A_680 : vector<1x1x16xf32> to vector<16xf32>
        %add3A_682 = arith.constant 3 : i32
        %add3A_683 = arith.addi %mul3A_387, %add3A_682 : i32
        %get3A_684 = arith.index_cast %add3A_683 : i32 to index
        %get3A_685 = arith.constant 0 : index
        %get3A_686 = tpu.vector_load %arg8[%get3A_684, %get3A_685] {strides = array<i32>} : memref<200x64xf32, #tpu.memory_space<vmem>>, vector<1x16xf32>,
        %get3A_687 = vector.shape_cast %get3A_686 : vector<1x16xf32> to vector<16xf32>
        %add3A_688 = arith.addf %get3A_681, %get3A_687 : vector<16xf32>
        %add3A_689 = arith.constant 3 : i32
        %add3A_690 = arith.addi %mul3A_387, %add3A_689 : i32
        %swap3A_691 = arith.constant 1 : i32
        %swap3A_692 = arith.index_cast %swap3A_691 : i32 to index
        %swap3A_693 = arith.index_cast %add3A_690 : i32 to index
        %swap3A_694 = arith.constant 0 : index
        %swap3A_695 = tpu.vector_load %arg7[%swap3A_692, %swap3A_693, %swap3A_694] {strides = array<i32>} : memref<4x200x64xf32, #tpu.memory_space<vmem>>, vector<1x1x16xf32>,
        %swap3A_696 = vector.shape_cast %swap3A_695 : vector<1x1x16xf32> to vector<16xf32>
        %swap3A_697 = vector.shape_cast %add3A_688 : vector<16xf32> to vector<1x1x16xf32>
        tpu.vector_store %arg7[%swap3A_692, %swap3A_693, %swap3A_694], %swap3A_697 {strides = array<i32>} : memref<4x200x64xf32, #tpu.memory_space<vmem>>, vector<1x1x16xf32>,
        %add3A_698 = arith.constant 3 : i32
        %add3A_699 = arith.addi %mul3A_387, %add3A_698 : i32
        %get3A_700 = arith.constant 1 : i32
        %get3A_701 = arith.index_cast %get3A_700 : i32 to index
        %get3A_702 = arith.index_cast %add3A_699 : i32 to index
        %get3A_703 = arith.constant 16 : index
        %get3A_704 = tpu.vector_load %arg7[%get3A_701, %get3A_702, %get3A_703] {strides = array<i32>} : memref<4x200x64xf32, #tpu.memory_space<vmem>>, vector<1x1x16xf32>,
        %get3A_705 = vector.shape_cast %get3A_704 : vector<1x1x16xf32> to vector<16xf32>
        %add3A_706 = arith.constant 3 : i32
        %add3A_707 = arith.addi %mul3A_387, %add3A_706 : i32
        %get3A_708 = arith.index_cast %add3A_707 : i32 to index
        %get3A_709 = arith.constant 16 : index
        %get3A_710 = tpu.vector_load %arg8[%get3A_708, %get3A_709] {strides = array<i32>} : memref<200x64xf32, #tpu.memory_space<vmem>>, vector<1x16xf32>,
        %get3A_711 = vector.shape_cast %get3A_710 : vector<1x16xf32> to vector<16xf32>
        %add3A_712 = arith.addf %get3A_705, %get3A_711 : vector<16xf32>
        %add3A_713 = arith.constant 3 : i32
        %add3A_714 = arith.addi %mul3A_387, %add3A_713 : i32
        %swap3A_715 = arith.constant 1 : i32
        %swap3A_716 = arith.index_cast %swap3A_715 : i32 to index
        %swap3A_717 = arith.index_cast %add3A_714 : i32 to index
        %swap3A_718 = arith.constant 16 : index
        %swap3A_719 = tpu.vector_load %arg7[%swap3A_716, %swap3A_717, %swap3A_718] {strides = array<i32>} : memref<4x200x64xf32, #tpu.memory_space<vmem>>, vector<1x1x16xf32>,
        %swap3A_720 = vector.shape_cast %swap3A_719 : vector<1x1x16xf32> to vector<16xf32>
        %swap3A_721 = vector.shape_cast %add3A_712 : vector<16xf32> to vector<1x1x16xf32>
        tpu.vector_store %arg7[%swap3A_716, %swap3A_717, %swap3A_718], %swap3A_721 {strides = array<i32>} : memref<4x200x64xf32, #tpu.memory_space<vmem>>, vector<1x1x16xf32>,
        %add3A_722 = arith.constant 3 : i32
        %add3A_723 = arith.addi %mul3A_387, %add3A_722 : i32
        %get3A_724 = arith.constant 1 : i32
        %get3A_725 = arith.index_cast %get3A_724 : i32 to index
        %get3A_726 = arith.index_cast %add3A_723 : i32 to index
        %get3A_727 = arith.constant 32 : index
        %get3A_728 = tpu.vector_load %arg7[%get3A_725, %get3A_726, %get3A_727] {strides = array<i32>} : memref<4x200x64xf32, #tpu.memory_space<vmem>>, vector<1x1x16xf32>,
        %get3A_729 = vector.shape_cast %get3A_728 : vector<1x1x16xf32> to vector<16xf32>
        %add3A_730 = arith.constant 3 : i32
        %add3A_731 = arith.addi %mul3A_387, %add3A_730 : i32
        %get3A_732 = arith.index_cast %add3A_731 : i32 to index
        %get3A_733 = arith.constant 32 : index
        %get3A_734 = tpu.vector_load %arg8[%get3A_732, %get3A_733] {strides = array<i32>} : memref<200x64xf32, #tpu.memory_space<vmem>>, vector<1x16xf32>,
        %get3A_735 = vector.shape_cast %get3A_734 : vector<1x16xf32> to vector<16xf32>
        %add3A_736 = arith.addf %get3A_729, %get3A_735 : vector<16xf32>
        %add3A_737 = arith.constant 3 : i32
        %add3A_738 = arith.addi %mul3A_387, %add3A_737 : i32
        %swap3A_739 = arith.constant 1 : i32
        %swap3A_740 = arith.index_cast %swap3A_739 : i32 to index
        %swap3A_741 = arith.index_cast %add3A_738 : i32 to index
        %swap3A_742 = arith.constant 32 : index
        %swap3A_743 = tpu.vector_load %arg7[%swap3A_740, %swap3A_741, %swap3A_742] {strides = array<i32>} : memref<4x200x64xf32, #tpu.memory_space<vmem>>, vector<1x1x16xf32>,
        %swap3A_744 = vector.shape_cast %swap3A_743 : vector<1x1x16xf32> to vector<16xf32>
        %swap3A_745 = vector.shape_cast %add3A_736 : vector<16xf32> to vector<1x1x16xf32>
        tpu.vector_store %arg7[%swap3A_740, %swap3A_741, %swap3A_742], %swap3A_745 {strides = array<i32>} : memref<4x200x64xf32, #tpu.memory_space<vmem>>, vector<1x1x16xf32>,
        %add3A_746 = arith.constant 3 : i32
        %add3A_747 = arith.addi %mul3A_387, %add3A_746 : i32
        %get3A_748 = arith.constant 1 : i32
        %get3A_749 = arith.index_cast %get3A_748 : i32 to index
        %get3A_750 = arith.index_cast %add3A_747 : i32 to index
        %get3A_751 = arith.constant 48 : index
        %get3A_752 = tpu.vector_load %arg7[%get3A_749, %get3A_750, %get3A_751] {strides = array<i32>} : memref<4x200x64xf32, #tpu.memory_space<vmem>>, vector<1x1x16xf32>,
        %get3A_753 = vector.shape_cast %get3A_752 : vector<1x1x16xf32> to vector<16xf32>
        %add3A_754 = arith.constant 3 : i32
        %add3A_755 = arith.addi %mul3A_387, %add3A_754 : i32
        %get3A_756 = arith.index_cast %add3A_755 : i32 to index
        %get3A_757 = arith.constant 48 : index
        %get3A_758 = tpu.vector_load %arg8[%get3A_756, %get3A_757] {strides = array<i32>} : memref<200x64xf32, #tpu.memory_space<vmem>>, vector<1x16xf32>,
        %get3A_759 = vector.shape_cast %get3A_758 : vector<1x16xf32> to vector<16xf32>
        %add3A_760 = arith.addf %get3A_753, %get3A_759 : vector<16xf32>
        %add3A_761 = arith.constant 3 : i32
        %add3A_762 = arith.addi %mul3A_387, %add3A_761 : i32
        %swap3A_763 = arith.constant 1 : i32
        %swap3A_764 = arith.index_cast %swap3A_763 : i32 to index
        %swap3A_765 = arith.index_cast %add3A_762 : i32 to index
        %swap3A_766 = arith.constant 48 : index
        %swap3A_767 = tpu.vector_load %arg7[%swap3A_764, %swap3A_765, %swap3A_766] {strides = array<i32>} : memref<4x200x64xf32, #tpu.memory_space<vmem>>, vector<1x1x16xf32>,
        %swap3A_768 = vector.shape_cast %swap3A_767 : vector<1x1x16xf32> to vector<16xf32>
        %swap3A_769 = vector.shape_cast %add3A_760 : vector<16xf32> to vector<1x1x16xf32>
        tpu.vector_store %arg7[%swap3A_764, %swap3A_765, %swap3A_766], %swap3A_769 {strides = array<i32>} : memref<4x200x64xf32, #tpu.memory_space<vmem>>, vector<1x1x16xf32>,
      }
      %scan3A_248 = arith.constant 50 : i32
      %ge3A_249 = arith.constant 4 : i32
      %ge3A_250 = arith.cmpi sge, %sub3A_227, %ge3A_249 : i32
      %lt3A_251 = arith.constant 128 : i32
      %lt3A_252 = arith.cmpi slt, %sub3A_227, %lt3A_251 : i32
      %and3A_253 = arith.andi %ge3A_250, %lt3A_252 : i1
      %convert_element_type3A_254 = arith.extui %and3A_253 : i1 to i32
      %cond3A_255 = arith.constant 0 : i32
      %cond3A_256 = arith.cmpi ne, %convert_element_type3A_254, %cond3A_255 : i32
      scf.if %cond3A_256 {
        %dma_wait3A_385 = arith.constant 0 : i32
        %dma_wait3A_386 = arith.constant 0 : i32
        %dma_wait3A_387 = arith.constant 0 : i32
        %dma_wait3A_388 = tpu.memref_slice %arg7[%dma_wait3A_385, %dma_wait3A_386, %dma_wait3A_387] : memref<4x200x64xf32, #tpu.memory_space<vmem>> -> memref<1x200x64xf32, #tpu.memory_space<vmem>>
        %dma_wait3A_389 = tpu.memref_squeeze %dma_wait3A_388 : memref<1x200x64xf32, #tpu.memory_space<vmem>> -> memref<200x64xf32, #tpu.memory_space<vmem>>
        %dma_wait3A_390 = arith.constant 0 : i32
        %dma_wait3A_391 = arith.constant 0 : i32
        %dma_wait3A_392 = tpu.memref_slice %arg5[%mul3A_2, %dma_wait3A_390, %dma_wait3A_391] : memref<4096x200x64xf32, #tpu.memory_space<hbm>> -> memref<1x200x64xf32, #tpu.memory_space<hbm>>
        %dma_wait3A_393 = tpu.memref_squeeze %dma_wait3A_392 : memref<1x200x64xf32, #tpu.memory_space<hbm>> -> memref<200x64xf32, #tpu.memory_space<hbm>>
        %dma_wait3A_394 = arith.constant 0 : i32
        %dma_wait3A_395 = arith.constant 0 : i32
        %dma_wait3A_396 = tpu.memref_slice %arg5[%mul3A_2, %dma_wait3A_394, %dma_wait3A_395] : memref<4096x200x64xf32, #tpu.memory_space<hbm>> -> memref<1x200x64xf32, #tpu.memory_space<hbm>>
        %dma_wait3A_397 = tpu.memref_squeeze %dma_wait3A_396 : memref<1x200x64xf32, #tpu.memory_space<hbm>> -> memref<200x64xf32, #tpu.memory_space<hbm>>
        %dma_wait3A_398 = arith.constant 0 : i32
        %dma_wait3A_399 = arith.constant 0 : i32
        %dma_wait3A_400 = tpu.memref_slice %arg7[%dma_wait3A_385, %dma_wait3A_398, %dma_wait3A_399] : memref<4x200x64xf32, #tpu.memory_space<vmem>> -> memref<1x200x64xf32, #tpu.memory_space<vmem>>
        %dma_wait3A_401 = tpu.memref_squeeze %dma_wait3A_400 : memref<1x200x64xf32, #tpu.memory_space<vmem>> -> memref<200x64xf32, #tpu.memory_space<vmem>>
        tpu.wait_dma2 semaphore(%arg13 : memref<!tpu.dma_semaphore, #tpu.memory_space<semaphore_mem>>) src(%dma_wait3A_401 : memref<200x64xf32, #tpu.memory_space<vmem>>) dst(%dma_wait3A_397 : memref<200x64xf32, #tpu.memory_space<hbm>>)
        %dma_start3A_402 = arith.constant 0 : i32
        %dma_start3A_403 = arith.constant 0 : i32
        %dma_start3A_404 = arith.constant 0 : i32
        %dma_start3A_405 = tpu.memref_slice %arg7[%dma_start3A_402, %dma_start3A_403, %dma_start3A_404] : memref<4x200x64xf32, #tpu.memory_space<vmem>> -> memref<1x128x64xf32, #tpu.memory_space<vmem>>
        %dma_start3A_406 = tpu.memref_squeeze %dma_start3A_405 : memref<1x128x64xf32, #tpu.memory_space<vmem>> -> memref<128x64xf32, #tpu.memory_space<vmem>>
        %dma_start3A_407 = arith.constant 0 : i32
        %dma_start3A_408 = tpu.memref_slice %arg6[%sub3A_227, %dma_start3A_407] : memref<128x200xi32, #tpu.memory_space<vmem>> -> memref<1x128xi32, #tpu.memory_space<vmem>>
        %dma_start3A_409 = tpu.memref_squeeze %dma_start3A_408 : memref<1x128xi32, #tpu.memory_space<vmem>> -> memref<128xi32, #tpu.memory_space<vmem>>
        %dma_start3A_410 = arith.constant 0 : i32
        %dma_start3A_411 = arith.constant 0 : i32
        %dma_start3A_412 = tpu.memref_slice %arg3[%dma_start3A_410, %dma_start3A_411] : memref<1000000x64xf32, #tpu.memory_space<hbm>> -> memref<1000000x64xf32, #tpu.memory_space<hbm>>
        tpu.enqueue_indirect_dma source(%dma_start3A_412 : memref<1000000x64xf32, #tpu.memory_space<hbm>>) target(%dma_start3A_406 : memref<128x64xf32, #tpu.memory_space<vmem>>) offsets(%dma_start3A_409 : memref<128xi32, #tpu.memory_space<vmem>>) semaphore(%arg9 : memref<!tpu.dma_semaphore, #tpu.memory_space<semaphore_mem>>)
        %dma_start3A_413 = arith.constant 0 : i32
        %dma_start3A_414 = arith.constant 128 : i32
        %dma_start3A_415 = arith.constant 0 : i32
        %dma_start3A_416 = tpu.memref_slice %arg7[%dma_start3A_413, %dma_start3A_414, %dma_start3A_415] : memref<4x200x64xf32, #tpu.memory_space<vmem>> -> memref<1x72x64xf32, #tpu.memory_space<vmem>>
        %dma_start3A_417 = tpu.memref_squeeze %dma_start3A_416 : memref<1x72x64xf32, #tpu.memory_space<vmem>> -> memref<72x64xf32, #tpu.memory_space<vmem>>
        %dma_start3A_418 = arith.constant 128 : i32
        %dma_start3A_419 = tpu.memref_slice %arg6[%sub3A_227, %dma_start3A_418] : memref<128x200xi32, #tpu.memory_space<vmem>> -> memref<1x72xi32, #tpu.memory_space<vmem>>
        %dma_start3A_420 = tpu.memref_squeeze %dma_start3A_419 : memref<1x72xi32, #tpu.memory_space<vmem>> -> memref<72xi32, #tpu.memory_space<vmem>>
        %dma_start3A_421 = arith.constant 0 : i32
        %dma_start3A_422 = arith.constant 0 : i32
        %dma_start3A_423 = tpu.memref_slice %arg3[%dma_start3A_421, %dma_start3A_422] : memref<1000000x64xf32, #tpu.memory_space<hbm>> -> memref<1000000x64xf32, #tpu.memory_space<hbm>>
        tpu.enqueue_indirect_dma source(%dma_start3A_423 : memref<1000000x64xf32, #tpu.memory_space<hbm>>) target(%dma_start3A_417 : memref<72x64xf32, #tpu.memory_space<vmem>>) offsets(%dma_start3A_420 : memref<72xi32, #tpu.memory_space<vmem>>) semaphore(%arg9 : memref<!tpu.dma_semaphore, #tpu.memory_space<semaphore_mem>>)
      } else {
      }
      %add3A_257 = arith.addi %mul3A_2, %add3A_223 : i32
      %dma_start3A_258 = arith.constant 1 : i32
      %dma_start3A_259 = arith.constant 0 : i32
      %dma_start3A_260 = arith.constant 0 : i32
      %dma_start3A_261 = tpu.memref_slice %arg7[%dma_start3A_258, %dma_start3A_259, %dma_start3A_260] : memref<4x200x64xf32, #tpu.memory_space<vmem>> -> memref<1x200x64xf32, #tpu.memory_space<vmem>>
      %dma_start3A_262 = tpu.memref_squeeze %dma_start3A_261 : memref<1x200x64xf32, #tpu.memory_space<vmem>> -> memref<200x64xf32, #tpu.memory_space<vmem>>
      %dma_start3A_263 = arith.constant 0 : i32
      %dma_start3A_264 = arith.constant 0 : i32
      %dma_start3A_265 = tpu.memref_slice %arg5[%add3A_257, %dma_start3A_263, %dma_start3A_264] : memref<4096x200x64xf32, #tpu.memory_space<hbm>> -> memref<1x200x64xf32, #tpu.memory_space<hbm>>
      %dma_start3A_266 = tpu.memref_squeeze %dma_start3A_265 : memref<1x200x64xf32, #tpu.memory_space<hbm>> -> memref<200x64xf32, #tpu.memory_space<hbm>>
      %dma_start3A_267 = arith.constant 0 : i32
      %dma_start3A_268 = arith.constant 0 : i32
      %dma_start3A_269 = tpu.memref_slice %arg5[%add3A_257, %dma_start3A_267, %dma_start3A_268] : memref<4096x200x64xf32, #tpu.memory_space<hbm>> -> memref<1x200x64xf32, #tpu.memory_space<hbm>>
      %dma_start3A_270 = tpu.memref_squeeze %dma_start3A_269 : memref<1x200x64xf32, #tpu.memory_space<hbm>> -> memref<200x64xf32, #tpu.memory_space<hbm>>
      %dma_start3A_271 = arith.constant 0 : i32
      %dma_start3A_272 = arith.constant 0 : i32
      %dma_start3A_273 = tpu.memref_slice %arg7[%dma_start3A_258, %dma_start3A_271, %dma_start3A_272] : memref<4x200x64xf32, #tpu.memory_space<vmem>> -> memref<1x200x64xf32, #tpu.memory_space<vmem>>
      %dma_start3A_274 = tpu.memref_squeeze %dma_start3A_273 : memref<1x200x64xf32, #tpu.memory_space<vmem>> -> memref<200x64xf32, #tpu.memory_space<vmem>>
      tpu.enqueue_dma source(%dma_start3A_274 : memref<200x64xf32, #tpu.memory_space<vmem>>) target(%dma_start3A_270 : memref<200x64xf32, #tpu.memory_space<hbm>>) target_semaphore(%arg14 : memref<!tpu.dma_semaphore, #tpu.memory_space<semaphore_mem>>)
      %mul3A_275 = arith.constant 4 : i32
      %mul3A_276 = arith.muli %scan3A_170, %mul3A_275 : i32
      %add3A_277 = arith.constant 2 : i32
      %add3A_278 = arith.addi %mul3A_276, %add3A_277 : i32
      %add3A_279 = arith.constant 4 : i32
      %add3A_280 = arith.addi %add3A_278, %add3A_279 : i32
      %sub3A_281 = arith.constant 1 : i32
      %sub3A_282 = arith.subi %add3A_280, %sub3A_281 : i32
      %dma_wait3A_283 = arith.constant 2 : i32
      %dma_wait3A_284 = arith.constant 0 : i32
      %dma_wait3A_285 = arith.constant 0 : i32
      %dma_wait3A_286 = tpu.memref_slice %arg7[%dma_wait3A_283, %dma_wait3A_284, %dma_wait3A_285] : memref<4x200x64xf32, #tpu.memory_space<vmem>> -> memref<1x200x64xf32, #tpu.memory_space<vmem>>
      %dma_wait3A_287 = tpu.memref_squeeze %dma_wait3A_286 : memref<1x200x64xf32, #tpu.memory_space<vmem>> -> memref<200x64xf32, #tpu.memory_space<vmem>>
      %dma_wait3A_288 = arith.constant 0 : i32
      %dma_wait3A_289 = arith.constant 0 : i32
      %dma_wait3A_290 = tpu.memref_slice %arg3[%dma_wait3A_288, %dma_wait3A_289] : memref<1000000x64xf32, #tpu.memory_space<hbm>> -> memref<200x64xf32, #tpu.memory_space<hbm>>
      %dma_wait3A_291 = arith.constant 0 : i32
      %dma_wait3A_292 = arith.constant 0 : i32
      %dma_wait3A_293 = tpu.memref_slice %arg7[%dma_wait3A_283, %dma_wait3A_291, %dma_wait3A_292] : memref<4x200x64xf32, #tpu.memory_space<vmem>> -> memref<1x200x64xf32, #tpu.memory_space<vmem>>
      %dma_wait3A_294 = tpu.memref_squeeze %dma_wait3A_293 : memref<1x200x64xf32, #tpu.memory_space<vmem>> -> memref<200x64xf32, #tpu.memory_space<vmem>>
      %dma_wait3A_295 = arith.constant 0 : i32
      %dma_wait3A_296 = arith.constant 0 : i32
      %dma_wait3A_297 = tpu.memref_slice %arg3[%dma_wait3A_295, %dma_wait3A_296] : memref<1000000x64xf32, #tpu.memory_space<hbm>> -> memref<200x64xf32, #tpu.memory_space<hbm>>
      tpu.wait_dma2 semaphore(%arg11 : memref<!tpu.dma_semaphore, #tpu.memory_space<semaphore_mem>>) src(%dma_wait3A_297 : memref<200x64xf32, #tpu.memory_space<hbm>>) dst(%dma_wait3A_294 : memref<200x64xf32, #tpu.memory_space<vmem>>)
      %scan3A_298 = arith.constant 0 : i32
      %scan3A_299 = arith.constant 0 : i32
      %scan3A_300 = arith.constant 50 : i32
      %scan3A_301 = arith.addi %scan3A_299, %scan3A_300 : i32
      %scan3A_302 = arith.constant 1 : i32
      scf.for %scan3A_385 = %scan3A_299 to %scan3A_301 step %scan3A_302  : i32 {
        %mul3A_386 = arith.constant 4 : i32
        %mul3A_387 = arith.muli %scan3A_385, %mul3A_386 : i32
        %add3A_388 = arith.constant 0 : i32
        %add3A_389 = arith.addi %mul3A_387, %add3A_388 : i32
        %get3A = arith.constant 2 : i32
        %get3A_390 = arith.index_cast %get3A : i32 to index
        %get3A_391 = arith.index_cast %add3A_389 : i32 to index
        %get3A_392 = arith.constant 0 : index
        %get3A_393 = tpu.vector_load %arg7[%get3A_390, %get3A_391, %get3A_392] {strides = array<i32>} : memref<4x200x64xf32, #tpu.memory_space<vmem>>, vector<1x1x16xf32>,
        %get3A_394 = vector.shape_cast %get3A_393 : vector<1x1x16xf32> to vector<16xf32>
        %add3A_395 = arith.constant 0 : i32
        %add3A_396 = arith.addi %mul3A_387, %add3A_395 : i32
        %get3A_397 = arith.index_cast %add3A_396 : i32 to index
        %get3A_398 = arith.constant 0 : index
        %get3A_399 = tpu.vector_load %arg8[%get3A_397, %get3A_398] {strides = array<i32>} : memref<200x64xf32, #tpu.memory_space<vmem>>, vector<1x16xf32>,
        %get3A_400 = vector.shape_cast %get3A_399 : vector<1x16xf32> to vector<16xf32>
        %add3A_401 = arith.addf %get3A_394, %get3A_400 : vector<16xf32>
        %add3A_402 = arith.constant 0 : i32
        %add3A_403 = arith.addi %mul3A_387, %add3A_402 : i32
        %swap3A = arith.constant 2 : i32
        %swap3A_404 = arith.index_cast %swap3A : i32 to index
        %swap3A_405 = arith.index_cast %add3A_403 : i32 to index
        %swap3A_406 = arith.constant 0 : index
        %swap3A_407 = tpu.vector_load %arg7[%swap3A_404, %swap3A_405, %swap3A_406] {strides = array<i32>} : memref<4x200x64xf32, #tpu.memory_space<vmem>>, vector<1x1x16xf32>,
        %swap3A_408 = vector.shape_cast %swap3A_407 : vector<1x1x16xf32> to vector<16xf32>
        %swap3A_409 = vector.shape_cast %add3A_401 : vector<16xf32> to vector<1x1x16xf32>
        tpu.vector_store %arg7[%swap3A_404, %swap3A_405, %swap3A_406], %swap3A_409 {strides = array<i32>} : memref<4x200x64xf32, #tpu.memory_space<vmem>>, vector<1x1x16xf32>,
        %add3A_410 = arith.constant 0 : i32
        %add3A_411 = arith.addi %mul3A_387, %add3A_410 : i32
        %get3A_412 = arith.constant 2 : i32
        %get3A_413 = arith.index_cast %get3A_412 : i32 to index
        %get3A_414 = arith.index_cast %add3A_411 : i32 to index
        %get3A_415 = arith.constant 16 : index
        %get3A_416 = tpu.vector_load %arg7[%get3A_413, %get3A_414, %get3A_415] {strides = array<i32>} : memref<4x200x64xf32, #tpu.memory_space<vmem>>, vector<1x1x16xf32>,
        %get3A_417 = vector.shape_cast %get3A_416 : vector<1x1x16xf32> to vector<16xf32>
        %add3A_418 = arith.constant 0 : i32
        %add3A_419 = arith.addi %mul3A_387, %add3A_418 : i32
        %get3A_420 = arith.index_cast %add3A_419 : i32 to index
        %get3A_421 = arith.constant 16 : index
        %get3A_422 = tpu.vector_load %arg8[%get3A_420, %get3A_421] {strides = array<i32>} : memref<200x64xf32, #tpu.memory_space<vmem>>, vector<1x16xf32>,
        %get3A_423 = vector.shape_cast %get3A_422 : vector<1x16xf32> to vector<16xf32>
        %add3A_424 = arith.addf %get3A_417, %get3A_423 : vector<16xf32>
        %add3A_425 = arith.constant 0 : i32
        %add3A_426 = arith.addi %mul3A_387, %add3A_425 : i32
        %swap3A_427 = arith.constant 2 : i32
        %swap3A_428 = arith.index_cast %swap3A_427 : i32 to index
        %swap3A_429 = arith.index_cast %add3A_426 : i32 to index
        %swap3A_430 = arith.constant 16 : index
        %swap3A_431 = tpu.vector_load %arg7[%swap3A_428, %swap3A_429, %swap3A_430] {strides = array<i32>} : memref<4x200x64xf32, #tpu.memory_space<vmem>>, vector<1x1x16xf32>,
        %swap3A_432 = vector.shape_cast %swap3A_431 : vector<1x1x16xf32> to vector<16xf32>
        %swap3A_433 = vector.shape_cast %add3A_424 : vector<16xf32> to vector<1x1x16xf32>
        tpu.vector_store %arg7[%swap3A_428, %swap3A_429, %swap3A_430], %swap3A_433 {strides = array<i32>} : memref<4x200x64xf32, #tpu.memory_space<vmem>>, vector<1x1x16xf32>,
        %add3A_434 = arith.constant 0 : i32
        %add3A_435 = arith.addi %mul3A_387, %add3A_434 : i32
        %get3A_436 = arith.constant 2 : i32
        %get3A_437 = arith.index_cast %get3A_436 : i32 to index
        %get3A_438 = arith.index_cast %add3A_435 : i32 to index
        %get3A_439 = arith.constant 32 : index
        %get3A_440 = tpu.vector_load %arg7[%get3A_437, %get3A_438, %get3A_439] {strides = array<i32>} : memref<4x200x64xf32, #tpu.memory_space<vmem>>, vector<1x1x16xf32>,
        %get3A_441 = vector.shape_cast %get3A_440 : vector<1x1x16xf32> to vector<16xf32>
        %add3A_442 = arith.constant 0 : i32
        %add3A_443 = arith.addi %mul3A_387, %add3A_442 : i32
        %get3A_444 = arith.index_cast %add3A_443 : i32 to index
        %get3A_445 = arith.constant 32 : index
        %get3A_446 = tpu.vector_load %arg8[%get3A_444, %get3A_445] {strides = array<i32>} : memref<200x64xf32, #tpu.memory_space<vmem>>, vector<1x16xf32>,
        %get3A_447 = vector.shape_cast %get3A_446 : vector<1x16xf32> to vector<16xf32>
        %add3A_448 = arith.addf %get3A_441, %get3A_447 : vector<16xf32>
        %add3A_449 = arith.constant 0 : i32
        %add3A_450 = arith.addi %mul3A_387, %add3A_449 : i32
        %swap3A_451 = arith.constant 2 : i32
        %swap3A_452 = arith.index_cast %swap3A_451 : i32 to index
        %swap3A_453 = arith.index_cast %add3A_450 : i32 to index
        %swap3A_454 = arith.constant 32 : index
        %swap3A_455 = tpu.vector_load %arg7[%swap3A_452, %swap3A_453, %swap3A_454] {strides = array<i32>} : memref<4x200x64xf32, #tpu.memory_space<vmem>>, vector<1x1x16xf32>,
        %swap3A_456 = vector.shape_cast %swap3A_455 : vector<1x1x16xf32> to vector<16xf32>
        %swap3A_457 = vector.shape_cast %add3A_448 : vector<16xf32> to vector<1x1x16xf32>
        tpu.vector_store %arg7[%swap3A_452, %swap3A_453, %swap3A_454], %swap3A_457 {strides = array<i32>} : memref<4x200x64xf32, #tpu.memory_space<vmem>>, vector<1x1x16xf32>,
        %add3A_458 = arith.constant 0 : i32
        %add3A_459 = arith.addi %mul3A_387, %add3A_458 : i32
        %get3A_460 = arith.constant 2 : i32
        %get3A_461 = arith.index_cast %get3A_460 : i32 to index
        %get3A_462 = arith.index_cast %add3A_459 : i32 to index
        %get3A_463 = arith.constant 48 : index
        %get3A_464 = tpu.vector_load %arg7[%get3A_461, %get3A_462, %get3A_463] {strides = array<i32>} : memref<4x200x64xf32, #tpu.memory_space<vmem>>, vector<1x1x16xf32>,
        %get3A_465 = vector.shape_cast %get3A_464 : vector<1x1x16xf32> to vector<16xf32>
        %add3A_466 = arith.constant 0 : i32
        %add3A_467 = arith.addi %mul3A_387, %add3A_466 : i32
        %get3A_468 = arith.index_cast %add3A_467 : i32 to index
        %get3A_469 = arith.constant 48 : index
        %get3A_470 = tpu.vector_load %arg8[%get3A_468, %get3A_469] {strides = array<i32>} : memref<200x64xf32, #tpu.memory_space<vmem>>, vector<1x16xf32>,
        %get3A_471 = vector.shape_cast %get3A_470 : vector<1x16xf32> to vector<16xf32>
        %add3A_472 = arith.addf %get3A_465, %get3A_471 : vector<16xf32>
        %add3A_473 = arith.constant 0 : i32
        %add3A_474 = arith.addi %mul3A_387, %add3A_473 : i32
        %swap3A_475 = arith.constant 2 : i32
        %swap3A_476 = arith.index_cast %swap3A_475 : i32 to index
        %swap3A_477 = arith.index_cast %add3A_474 : i32 to index
        %swap3A_478 = arith.constant 48 : index
        %swap3A_479 = tpu.vector_load %arg7[%swap3A_476, %swap3A_477, %swap3A_478] {strides = array<i32>} : memref<4x200x64xf32, #tpu.memory_space<vmem>>, vector<1x1x16xf32>,
        %swap3A_480 = vector.shape_cast %swap3A_479 : vector<1x1x16xf32> to vector<16xf32>
        %swap3A_481 = vector.shape_cast %add3A_472 : vector<16xf32> to vector<1x1x16xf32>
        tpu.vector_store %arg7[%swap3A_476, %swap3A_477, %swap3A_478], %swap3A_481 {strides = array<i32>} : memref<4x200x64xf32, #tpu.memory_space<vmem>>, vector<1x1x16xf32>,
        %add3A_482 = arith.constant 1 : i32
        %add3A_483 = arith.addi %mul3A_387, %add3A_482 : i32
        %get3A_484 = arith.constant 2 : i32
        %get3A_485 = arith.index_cast %get3A_484 : i32 to index
        %get3A_486 = arith.index_cast %add3A_483 : i32 to index
        %get3A_487 = arith.constant 0 : index
        %get3A_488 = tpu.vector_load %arg7[%get3A_485, %get3A_486, %get3A_487] {strides = array<i32>} : memref<4x200x64xf32, #tpu.memory_space<vmem>>, vector<1x1x16xf32>,
        %get3A_489 = vector.shape_cast %get3A_488 : vector<1x1x16xf32> to vector<16xf32>
        %add3A_490 = arith.constant 1 : i32
        %add3A_491 = arith.addi %mul3A_387, %add3A_490 : i32
        %get3A_492 = arith.index_cast %add3A_491 : i32 to index
        %get3A_493 = arith.constant 0 : index
        %get3A_494 = tpu.vector_load %arg8[%get3A_492, %get3A_493] {strides = array<i32>} : memref<200x64xf32, #tpu.memory_space<vmem>>, vector<1x16xf32>,
        %get3A_495 = vector.shape_cast %get3A_494 : vector<1x16xf32> to vector<16xf32>
        %add3A_496 = arith.addf %get3A_489, %get3A_495 : vector<16xf32>
        %add3A_497 = arith.constant 1 : i32
        %add3A_498 = arith.addi %mul3A_387, %add3A_497 : i32
        %swap3A_499 = arith.constant 2 : i32
        %swap3A_500 = arith.index_cast %swap3A_499 : i32 to index
        %swap3A_501 = arith.index_cast %add3A_498 : i32 to index
        %swap3A_502 = arith.constant 0 : index
        %swap3A_503 = tpu.vector_load %arg7[%swap3A_500, %swap3A_501, %swap3A_502] {strides = array<i32>} : memref<4x200x64xf32, #tpu.memory_space<vmem>>, vector<1x1x16xf32>,
        %swap3A_504 = vector.shape_cast %swap3A_503 : vector<1x1x16xf32> to vector<16xf32>
        %swap3A_505 = vector.shape_cast %add3A_496 : vector<16xf32> to vector<1x1x16xf32>
        tpu.vector_store %arg7[%swap3A_500, %swap3A_501, %swap3A_502], %swap3A_505 {strides = array<i32>} : memref<4x200x64xf32, #tpu.memory_space<vmem>>, vector<1x1x16xf32>,
        %add3A_506 = arith.constant 1 : i32
        %add3A_507 = arith.addi %mul3A_387, %add3A_506 : i32
        %get3A_508 = arith.constant 2 : i32
        %get3A_509 = arith.index_cast %get3A_508 : i32 to index
        %get3A_510 = arith.index_cast %add3A_507 : i32 to index
        %get3A_511 = arith.constant 16 : index
        %get3A_512 = tpu.vector_load %arg7[%get3A_509, %get3A_510, %get3A_511] {strides = array<i32>} : memref<4x200x64xf32, #tpu.memory_space<vmem>>, vector<1x1x16xf32>,
        %get3A_513 = vector.shape_cast %get3A_512 : vector<1x1x16xf32> to vector<16xf32>
        %add3A_514 = arith.constant 1 : i32
        %add3A_515 = arith.addi %mul3A_387, %add3A_514 : i32
        %get3A_516 = arith.index_cast %add3A_515 : i32 to index
        %get3A_517 = arith.constant 16 : index
        %get3A_518 = tpu.vector_load %arg8[%get3A_516, %get3A_517] {strides = array<i32>} : memref<200x64xf32, #tpu.memory_space<vmem>>, vector<1x16xf32>,
        %get3A_519 = vector.shape_cast %get3A_518 : vector<1x16xf32> to vector<16xf32>
        %add3A_520 = arith.addf %get3A_513, %get3A_519 : vector<16xf32>
        %add3A_521 = arith.constant 1 : i32
        %add3A_522 = arith.addi %mul3A_387, %add3A_521 : i32
        %swap3A_523 = arith.constant 2 : i32
        %swap3A_524 = arith.index_cast %swap3A_523 : i32 to index
        %swap3A_525 = arith.index_cast %add3A_522 : i32 to index
        %swap3A_526 = arith.constant 16 : index
        %swap3A_527 = tpu.vector_load %arg7[%swap3A_524, %swap3A_525, %swap3A_526] {strides = array<i32>} : memref<4x200x64xf32, #tpu.memory_space<vmem>>, vector<1x1x16xf32>,
        %swap3A_528 = vector.shape_cast %swap3A_527 : vector<1x1x16xf32> to vector<16xf32>
        %swap3A_529 = vector.shape_cast %add3A_520 : vector<16xf32> to vector<1x1x16xf32>
        tpu.vector_store %arg7[%swap3A_524, %swap3A_525, %swap3A_526], %swap3A_529 {strides = array<i32>} : memref<4x200x64xf32, #tpu.memory_space<vmem>>, vector<1x1x16xf32>,
        %add3A_530 = arith.constant 1 : i32
        %add3A_531 = arith.addi %mul3A_387, %add3A_530 : i32
        %get3A_532 = arith.constant 2 : i32
        %get3A_533 = arith.index_cast %get3A_532 : i32 to index
        %get3A_534 = arith.index_cast %add3A_531 : i32 to index
        %get3A_535 = arith.constant 32 : index
        %get3A_536 = tpu.vector_load %arg7[%get3A_533, %get3A_534, %get3A_535] {strides = array<i32>} : memref<4x200x64xf32, #tpu.memory_space<vmem>>, vector<1x1x16xf32>,
        %get3A_537 = vector.shape_cast %get3A_536 : vector<1x1x16xf32> to vector<16xf32>
        %add3A_538 = arith.constant 1 : i32
        %add3A_539 = arith.addi %mul3A_387, %add3A_538 : i32
        %get3A_540 = arith.index_cast %add3A_539 : i32 to index
        %get3A_541 = arith.constant 32 : index
        %get3A_542 = tpu.vector_load %arg8[%get3A_540, %get3A_541] {strides = array<i32>} : memref<200x64xf32, #tpu.memory_space<vmem>>, vector<1x16xf32>,
        %get3A_543 = vector.shape_cast %get3A_542 : vector<1x16xf32> to vector<16xf32>
        %add3A_544 = arith.addf %get3A_537, %get3A_543 : vector<16xf32>
        %add3A_545 = arith.constant 1 : i32
        %add3A_546 = arith.addi %mul3A_387, %add3A_545 : i32
        %swap3A_547 = arith.constant 2 : i32
        %swap3A_548 = arith.index_cast %swap3A_547 : i32 to index
        %swap3A_549 = arith.index_cast %add3A_546 : i32 to index
        %swap3A_550 = arith.constant 32 : index
        %swap3A_551 = tpu.vector_load %arg7[%swap3A_548, %swap3A_549, %swap3A_550] {strides = array<i32>} : memref<4x200x64xf32, #tpu.memory_space<vmem>>, vector<1x1x16xf32>,
        %swap3A_552 = vector.shape_cast %swap3A_551 : vector<1x1x16xf32> to vector<16xf32>
        %swap3A_553 = vector.shape_cast %add3A_544 : vector<16xf32> to vector<1x1x16xf32>
        tpu.vector_store %arg7[%swap3A_548, %swap3A_549, %swap3A_550], %swap3A_553 {strides = array<i32>} : memref<4x200x64xf32, #tpu.memory_space<vmem>>, vector<1x1x16xf32>,
        %add3A_554 = arith.constant 1 : i32
        %add3A_555 = arith.addi %mul3A_387, %add3A_554 : i32
        %get3A_556 = arith.constant 2 : i32
        %get3A_557 = arith.index_cast %get3A_556 : i32 to index
        %get3A_558 = arith.index_cast %add3A_555 : i32 to index
        %get3A_559 = arith.constant 48 : index
        %get3A_560 = tpu.vector_load %arg7[%get3A_557, %get3A_558, %get3A_559] {strides = array<i32>} : memref<4x200x64xf32, #tpu.memory_space<vmem>>, vector<1x1x16xf32>,
        %get3A_561 = vector.shape_cast %get3A_560 : vector<1x1x16xf32> to vector<16xf32>
        %add3A_562 = arith.constant 1 : i32
        %add3A_563 = arith.addi %mul3A_387, %add3A_562 : i32
        %get3A_564 = arith.index_cast %add3A_563 : i32 to index
        %get3A_565 = arith.constant 48 : index
        %get3A_566 = tpu.vector_load %arg8[%get3A_564, %get3A_565] {strides = array<i32>} : memref<200x64xf32, #tpu.memory_space<vmem>>, vector<1x16xf32>,
        %get3A_567 = vector.shape_cast %get3A_566 : vector<1x16xf32> to vector<16xf32>
        %add3A_568 = arith.addf %get3A_561, %get3A_567 : vector<16xf32>
        %add3A_569 = arith.constant 1 : i32
        %add3A_570 = arith.addi %mul3A_387, %add3A_569 : i32
        %swap3A_571 = arith.constant 2 : i32
        %swap3A_572 = arith.index_cast %swap3A_571 : i32 to index
        %swap3A_573 = arith.index_cast %add3A_570 : i32 to index
        %swap3A_574 = arith.constant 48 : index
        %swap3A_575 = tpu.vector_load %arg7[%swap3A_572, %swap3A_573, %swap3A_574] {strides = array<i32>} : memref<4x200x64xf32, #tpu.memory_space<vmem>>, vector<1x1x16xf32>,
        %swap3A_576 = vector.shape_cast %swap3A_575 : vector<1x1x16xf32> to vector<16xf32>
        %swap3A_577 = vector.shape_cast %add3A_568 : vector<16xf32> to vector<1x1x16xf32>
        tpu.vector_store %arg7[%swap3A_572, %swap3A_573, %swap3A_574], %swap3A_577 {strides = array<i32>} : memref<4x200x64xf32, #tpu.memory_space<vmem>>, vector<1x1x16xf32>,
        %add3A_578 = arith.constant 2 : i32
        %add3A_579 = arith.addi %mul3A_387, %add3A_578 : i32
        %get3A_580 = arith.constant 2 : i32
        %get3A_581 = arith.index_cast %get3A_580 : i32 to index
        %get3A_582 = arith.index_cast %add3A_579 : i32 to index
        %get3A_583 = arith.constant 0 : index
        %get3A_584 = tpu.vector_load %arg7[%get3A_581, %get3A_582, %get3A_583] {strides = array<i32>} : memref<4x200x64xf32, #tpu.memory_space<vmem>>, vector<1x1x16xf32>,
        %get3A_585 = vector.shape_cast %get3A_584 : vector<1x1x16xf32> to vector<16xf32>
        %add3A_586 = arith.constant 2 : i32
        %add3A_587 = arith.addi %mul3A_387, %add3A_586 : i32
        %get3A_588 = arith.index_cast %add3A_587 : i32 to index
        %get3A_589 = arith.constant 0 : index
        %get3A_590 = tpu.vector_load %arg8[%get3A_588, %get3A_589] {strides = array<i32>} : memref<200x64xf32, #tpu.memory_space<vmem>>, vector<1x16xf32>,
        %get3A_591 = vector.shape_cast %get3A_590 : vector<1x16xf32> to vector<16xf32>
        %add3A_592 = arith.addf %get3A_585, %get3A_591 : vector<16xf32>
        %add3A_593 = arith.constant 2 : i32
        %add3A_594 = arith.addi %mul3A_387, %add3A_593 : i32
        %swap3A_595 = arith.constant 2 : i32
        %swap3A_596 = arith.index_cast %swap3A_595 : i32 to index
        %swap3A_597 = arith.index_cast %add3A_594 : i32 to index
        %swap3A_598 = arith.constant 0 : index
        %swap3A_599 = tpu.vector_load %arg7[%swap3A_596, %swap3A_597, %swap3A_598] {strides = array<i32>} : memref<4x200x64xf32, #tpu.memory_space<vmem>>, vector<1x1x16xf32>,
        %swap3A_600 = vector.shape_cast %swap3A_599 : vector<1x1x16xf32> to vector<16xf32>
        %swap3A_601 = vector.shape_cast %add3A_592 : vector<16xf32> to vector<1x1x16xf32>
        tpu.vector_store %arg7[%swap3A_596, %swap3A_597, %swap3A_598], %swap3A_601 {strides = array<i32>} : memref<4x200x64xf32, #tpu.memory_space<vmem>>, vector<1x1x16xf32>,
        %add3A_602 = arith.constant 2 : i32
        %add3A_603 = arith.addi %mul3A_387, %add3A_602 : i32
        %get3A_604 = arith.constant 2 : i32
        %get3A_605 = arith.index_cast %get3A_604 : i32 to index
        %get3A_606 = arith.index_cast %add3A_603 : i32 to index
        %get3A_607 = arith.constant 16 : index
        %get3A_608 = tpu.vector_load %arg7[%get3A_605, %get3A_606, %get3A_607] {strides = array<i32>} : memref<4x200x64xf32, #tpu.memory_space<vmem>>, vector<1x1x16xf32>,
        %get3A_609 = vector.shape_cast %get3A_608 : vector<1x1x16xf32> to vector<16xf32>
        %add3A_610 = arith.constant 2 : i32
        %add3A_611 = arith.addi %mul3A_387, %add3A_610 : i32
        %get3A_612 = arith.index_cast %add3A_611 : i32 to index
        %get3A_613 = arith.constant 16 : index
        %get3A_614 = tpu.vector_load %arg8[%get3A_612, %get3A_613] {strides = array<i32>} : memref<200x64xf32, #tpu.memory_space<vmem>>, vector<1x16xf32>,
        %get3A_615 = vector.shape_cast %get3A_614 : vector<1x16xf32> to vector<16xf32>
        %add3A_616 = arith.addf %get3A_609, %get3A_615 : vector<16xf32>
        %add3A_617 = arith.constant 2 : i32
        %add3A_618 = arith.addi %mul3A_387, %add3A_617 : i32
        %swap3A_619 = arith.constant 2 : i32
        %swap3A_620 = arith.index_cast %swap3A_619 : i32 to index
        %swap3A_621 = arith.index_cast %add3A_618 : i32 to index
        %swap3A_622 = arith.constant 16 : index
        %swap3A_623 = tpu.vector_load %arg7[%swap3A_620, %swap3A_621, %swap3A_622] {strides = array<i32>} : memref<4x200x64xf32, #tpu.memory_space<vmem>>, vector<1x1x16xf32>,
        %swap3A_624 = vector.shape_cast %swap3A_623 : vector<1x1x16xf32> to vector<16xf32>
        %swap3A_625 = vector.shape_cast %add3A_616 : vector<16xf32> to vector<1x1x16xf32>
        tpu.vector_store %arg7[%swap3A_620, %swap3A_621, %swap3A_622], %swap3A_625 {strides = array<i32>} : memref<4x200x64xf32, #tpu.memory_space<vmem>>, vector<1x1x16xf32>,
        %add3A_626 = arith.constant 2 : i32
        %add3A_627 = arith.addi %mul3A_387, %add3A_626 : i32
        %get3A_628 = arith.constant 2 : i32
        %get3A_629 = arith.index_cast %get3A_628 : i32 to index
        %get3A_630 = arith.index_cast %add3A_627 : i32 to index
        %get3A_631 = arith.constant 32 : index
        %get3A_632 = tpu.vector_load %arg7[%get3A_629, %get3A_630, %get3A_631] {strides = array<i32>} : memref<4x200x64xf32, #tpu.memory_space<vmem>>, vector<1x1x16xf32>,
        %get3A_633 = vector.shape_cast %get3A_632 : vector<1x1x16xf32> to vector<16xf32>
        %add3A_634 = arith.constant 2 : i32
        %add3A_635 = arith.addi %mul3A_387, %add3A_634 : i32
        %get3A_636 = arith.index_cast %add3A_635 : i32 to index
        %get3A_637 = arith.constant 32 : index
        %get3A_638 = tpu.vector_load %arg8[%get3A_636, %get3A_637] {strides = array<i32>} : memref<200x64xf32, #tpu.memory_space<vmem>>, vector<1x16xf32>,
        %get3A_639 = vector.shape_cast %get3A_638 : vector<1x16xf32> to vector<16xf32>
        %add3A_640 = arith.addf %get3A_633, %get3A_639 : vector<16xf32>
        %add3A_641 = arith.constant 2 : i32
        %add3A_642 = arith.addi %mul3A_387, %add3A_641 : i32
        %swap3A_643 = arith.constant 2 : i32
        %swap3A_644 = arith.index_cast %swap3A_643 : i32 to index
        %swap3A_645 = arith.index_cast %add3A_642 : i32 to index
        %swap3A_646 = arith.constant 32 : index
        %swap3A_647 = tpu.vector_load %arg7[%swap3A_644, %swap3A_645, %swap3A_646] {strides = array<i32>} : memref<4x200x64xf32, #tpu.memory_space<vmem>>, vector<1x1x16xf32>,
        %swap3A_648 = vector.shape_cast %swap3A_647 : vector<1x1x16xf32> to vector<16xf32>
        %swap3A_649 = vector.shape_cast %add3A_640 : vector<16xf32> to vector<1x1x16xf32>
        tpu.vector_store %arg7[%swap3A_644, %swap3A_645, %swap3A_646], %swap3A_649 {strides = array<i32>} : memref<4x200x64xf32, #tpu.memory_space<vmem>>, vector<1x1x16xf32>,
        %add3A_650 = arith.constant 2 : i32
        %add3A_651 = arith.addi %mul3A_387, %add3A_650 : i32
        %get3A_652 = arith.constant 2 : i32
        %get3A_653 = arith.index_cast %get3A_652 : i32 to index
        %get3A_654 = arith.index_cast %add3A_651 : i32 to index
        %get3A_655 = arith.constant 48 : index
        %get3A_656 = tpu.vector_load %arg7[%get3A_653, %get3A_654, %get3A_655] {strides = array<i32>} : memref<4x200x64xf32, #tpu.memory_space<vmem>>, vector<1x1x16xf32>,
        %get3A_657 = vector.shape_cast %get3A_656 : vector<1x1x16xf32> to vector<16xf32>
        %add3A_658 = arith.constant 2 : i32
        %add3A_659 = arith.addi %mul3A_387, %add3A_658 : i32
        %get3A_660 = arith.index_cast %add3A_659 : i32 to index
        %get3A_661 = arith.constant 48 : index
        %get3A_662 = tpu.vector_load %arg8[%get3A_660, %get3A_661] {strides = array<i32>} : memref<200x64xf32, #tpu.memory_space<vmem>>, vector<1x16xf32>,
        %get3A_663 = vector.shape_cast %get3A_662 : vector<1x16xf32> to vector<16xf32>
        %add3A_664 = arith.addf %get3A_657, %get3A_663 : vector<16xf32>
        %add3A_665 = arith.constant 2 : i32
        %add3A_666 = arith.addi %mul3A_387, %add3A_665 : i32
        %swap3A_667 = arith.constant 2 : i32
        %swap3A_668 = arith.index_cast %swap3A_667 : i32 to index
        %swap3A_669 = arith.index_cast %add3A_666 : i32 to index
        %swap3A_670 = arith.constant 48 : index
        %swap3A_671 = tpu.vector_load %arg7[%swap3A_668, %swap3A_669, %swap3A_670] {strides = array<i32>} : memref<4x200x64xf32, #tpu.memory_space<vmem>>, vector<1x1x16xf32>,
        %swap3A_672 = vector.shape_cast %swap3A_671 : vector<1x1x16xf32> to vector<16xf32>
        %swap3A_673 = vector.shape_cast %add3A_664 : vector<16xf32> to vector<1x1x16xf32>
        tpu.vector_store %arg7[%swap3A_668, %swap3A_669, %swap3A_670], %swap3A_673 {strides = array<i32>} : memref<4x200x64xf32, #tpu.memory_space<vmem>>, vector<1x1x16xf32>,
        %add3A_674 = arith.constant 3 : i32
        %add3A_675 = arith.addi %mul3A_387, %add3A_674 : i32
        %get3A_676 = arith.constant 2 : i32
        %get3A_677 = arith.index_cast %get3A_676 : i32 to index
        %get3A_678 = arith.index_cast %add3A_675 : i32 to index
        %get3A_679 = arith.constant 0 : index
        %get3A_680 = tpu.vector_load %arg7[%get3A_677, %get3A_678, %get3A_679] {strides = array<i32>} : memref<4x200x64xf32, #tpu.memory_space<vmem>>, vector<1x1x16xf32>,
        %get3A_681 = vector.shape_cast %get3A_680 : vector<1x1x16xf32> to vector<16xf32>
        %add3A_682 = arith.constant 3 : i32
        %add3A_683 = arith.addi %mul3A_387, %add3A_682 : i32
        %get3A_684 = arith.index_cast %add3A_683 : i32 to index
        %get3A_685 = arith.constant 0 : index
        %get3A_686 = tpu.vector_load %arg8[%get3A_684, %get3A_685] {strides = array<i32>} : memref<200x64xf32, #tpu.memory_space<vmem>>, vector<1x16xf32>,
        %get3A_687 = vector.shape_cast %get3A_686 : vector<1x16xf32> to vector<16xf32>
        %add3A_688 = arith.addf %get3A_681, %get3A_687 : vector<16xf32>
        %add3A_689 = arith.constant 3 : i32
        %add3A_690 = arith.addi %mul3A_387, %add3A_689 : i32
        %swap3A_691 = arith.constant 2 : i32
        %swap3A_692 = arith.index_cast %swap3A_691 : i32 to index
        %swap3A_693 = arith.index_cast %add3A_690 : i32 to index
        %swap3A_694 = arith.constant 0 : index
        %swap3A_695 = tpu.vector_load %arg7[%swap3A_692, %swap3A_693, %swap3A_694] {strides = array<i32>} : memref<4x200x64xf32, #tpu.memory_space<vmem>>, vector<1x1x16xf32>,
        %swap3A_696 = vector.shape_cast %swap3A_695 : vector<1x1x16xf32> to vector<16xf32>
        %swap3A_697 = vector.shape_cast %add3A_688 : vector<16xf32> to vector<1x1x16xf32>
        tpu.vector_store %arg7[%swap3A_692, %swap3A_693, %swap3A_694], %swap3A_697 {strides = array<i32>} : memref<4x200x64xf32, #tpu.memory_space<vmem>>, vector<1x1x16xf32>,
        %add3A_698 = arith.constant 3 : i32
        %add3A_699 = arith.addi %mul3A_387, %add3A_698 : i32
        %get3A_700 = arith.constant 2 : i32
        %get3A_701 = arith.index_cast %get3A_700 : i32 to index
        %get3A_702 = arith.index_cast %add3A_699 : i32 to index
        %get3A_703 = arith.constant 16 : index
        %get3A_704 = tpu.vector_load %arg7[%get3A_701, %get3A_702, %get3A_703] {strides = array<i32>} : memref<4x200x64xf32, #tpu.memory_space<vmem>>, vector<1x1x16xf32>,
        %get3A_705 = vector.shape_cast %get3A_704 : vector<1x1x16xf32> to vector<16xf32>
        %add3A_706 = arith.constant 3 : i32
        %add3A_707 = arith.addi %mul3A_387, %add3A_706 : i32
        %get3A_708 = arith.index_cast %add3A_707 : i32 to index
        %get3A_709 = arith.constant 16 : index
        %get3A_710 = tpu.vector_load %arg8[%get3A_708, %get3A_709] {strides = array<i32>} : memref<200x64xf32, #tpu.memory_space<vmem>>, vector<1x16xf32>,
        %get3A_711 = vector.shape_cast %get3A_710 : vector<1x16xf32> to vector<16xf32>
        %add3A_712 = arith.addf %get3A_705, %get3A_711 : vector<16xf32>
        %add3A_713 = arith.constant 3 : i32
        %add3A_714 = arith.addi %mul3A_387, %add3A_713 : i32
        %swap3A_715 = arith.constant 2 : i32
        %swap3A_716 = arith.index_cast %swap3A_715 : i32 to index
        %swap3A_717 = arith.index_cast %add3A_714 : i32 to index
        %swap3A_718 = arith.constant 16 : index
        %swap3A_719 = tpu.vector_load %arg7[%swap3A_716, %swap3A_717, %swap3A_718] {strides = array<i32>} : memref<4x200x64xf32, #tpu.memory_space<vmem>>, vector<1x1x16xf32>,
        %swap3A_720 = vector.shape_cast %swap3A_719 : vector<1x1x16xf32> to vector<16xf32>
        %swap3A_721 = vector.shape_cast %add3A_712 : vector<16xf32> to vector<1x1x16xf32>
        tpu.vector_store %arg7[%swap3A_716, %swap3A_717, %swap3A_718], %swap3A_721 {strides = array<i32>} : memref<4x200x64xf32, #tpu.memory_space<vmem>>, vector<1x1x16xf32>,
        %add3A_722 = arith.constant 3 : i32
        %add3A_723 = arith.addi %mul3A_387, %add3A_722 : i32
        %get3A_724 = arith.constant 2 : i32
        %get3A_725 = arith.index_cast %get3A_724 : i32 to index
        %get3A_726 = arith.index_cast %add3A_723 : i32 to index
        %get3A_727 = arith.constant 32 : index
        %get3A_728 = tpu.vector_load %arg7[%get3A_725, %get3A_726, %get3A_727] {strides = array<i32>} : memref<4x200x64xf32, #tpu.memory_space<vmem>>, vector<1x1x16xf32>,
        %get3A_729 = vector.shape_cast %get3A_728 : vector<1x1x16xf32> to vector<16xf32>
        %add3A_730 = arith.constant 3 : i32
        %add3A_731 = arith.addi %mul3A_387, %add3A_730 : i32
        %get3A_732 = arith.index_cast %add3A_731 : i32 to index
        %get3A_733 = arith.constant 32 : index
        %get3A_734 = tpu.vector_load %arg8[%get3A_732, %get3A_733] {strides = array<i32>} : memref<200x64xf32, #tpu.memory_space<vmem>>, vector<1x16xf32>,
        %get3A_735 = vector.shape_cast %get3A_734 : vector<1x16xf32> to vector<16xf32>
        %add3A_736 = arith.addf %get3A_729, %get3A_735 : vector<16xf32>
        %add3A_737 = arith.constant 3 : i32
        %add3A_738 = arith.addi %mul3A_387, %add3A_737 : i32
        %swap3A_739 = arith.constant 2 : i32
        %swap3A_740 = arith.index_cast %swap3A_739 : i32 to index
        %swap3A_741 = arith.index_cast %add3A_738 : i32 to index
        %swap3A_742 = arith.constant 32 : index
        %swap3A_743 = tpu.vector_load %arg7[%swap3A_740, %swap3A_741, %swap3A_742] {strides = array<i32>} : memref<4x200x64xf32, #tpu.memory_space<vmem>>, vector<1x1x16xf32>,
        %swap3A_744 = vector.shape_cast %swap3A_743 : vector<1x1x16xf32> to vector<16xf32>
        %swap3A_745 = vector.shape_cast %add3A_736 : vector<16xf32> to vector<1x1x16xf32>
        tpu.vector_store %arg7[%swap3A_740, %swap3A_741, %swap3A_742], %swap3A_745 {strides = array<i32>} : memref<4x200x64xf32, #tpu.memory_space<vmem>>, vector<1x1x16xf32>,
        %add3A_746 = arith.constant 3 : i32
        %add3A_747 = arith.addi %mul3A_387, %add3A_746 : i32
        %get3A_748 = arith.constant 2 : i32
        %get3A_749 = arith.index_cast %get3A_748 : i32 to index
        %get3A_750 = arith.index_cast %add3A_747 : i32 to index
        %get3A_751 = arith.constant 48 : index
        %get3A_752 = tpu.vector_load %arg7[%get3A_749, %get3A_750, %get3A_751] {strides = array<i32>} : memref<4x200x64xf32, #tpu.memory_space<vmem>>, vector<1x1x16xf32>,
        %get3A_753 = vector.shape_cast %get3A_752 : vector<1x1x16xf32> to vector<16xf32>
        %add3A_754 = arith.constant 3 : i32
        %add3A_755 = arith.addi %mul3A_387, %add3A_754 : i32
        %get3A_756 = arith.index_cast %add3A_755 : i32 to index
        %get3A_757 = arith.constant 48 : index
        %get3A_758 = tpu.vector_load %arg8[%get3A_756, %get3A_757] {strides = array<i32>} : memref<200x64xf32, #tpu.memory_space<vmem>>, vector<1x16xf32>,
        %get3A_759 = vector.shape_cast %get3A_758 : vector<1x16xf32> to vector<16xf32>
        %add3A_760 = arith.addf %get3A_753, %get3A_759 : vector<16xf32>
        %add3A_761 = arith.constant 3 : i32
        %add3A_762 = arith.addi %mul3A_387, %add3A_761 : i32
        %swap3A_763 = arith.constant 2 : i32
        %swap3A_764 = arith.index_cast %swap3A_763 : i32 to index
        %swap3A_765 = arith.index_cast %add3A_762 : i32 to index
        %swap3A_766 = arith.constant 48 : index
        %swap3A_767 = tpu.vector_load %arg7[%swap3A_764, %swap3A_765, %swap3A_766] {strides = array<i32>} : memref<4x200x64xf32, #tpu.memory_space<vmem>>, vector<1x1x16xf32>,
        %swap3A_768 = vector.shape_cast %swap3A_767 : vector<1x1x16xf32> to vector<16xf32>
        %swap3A_769 = vector.shape_cast %add3A_760 : vector<16xf32> to vector<1x1x16xf32>
        tpu.vector_store %arg7[%swap3A_764, %swap3A_765, %swap3A_766], %swap3A_769 {strides = array<i32>} : memref<4x200x64xf32, #tpu.memory_space<vmem>>, vector<1x1x16xf32>,
      }
      %scan3A_303 = arith.constant 50 : i32
      %ge3A_304 = arith.constant 4 : i32
      %ge3A_305 = arith.cmpi sge, %sub3A_282, %ge3A_304 : i32
      %lt3A_306 = arith.constant 128 : i32
      %lt3A_307 = arith.cmpi slt, %sub3A_282, %lt3A_306 : i32
      %and3A_308 = arith.andi %ge3A_305, %lt3A_307 : i1
      %convert_element_type3A_309 = arith.extui %and3A_308 : i1 to i32
      %cond3A_310 = arith.constant 0 : i32
      %cond3A_311 = arith.cmpi ne, %convert_element_type3A_309, %cond3A_310 : i32
      scf.if %cond3A_311 {
        %dma_wait3A_385 = arith.constant 1 : i32
        %dma_wait3A_386 = arith.constant 0 : i32
        %dma_wait3A_387 = arith.constant 0 : i32
        %dma_wait3A_388 = tpu.memref_slice %arg7[%dma_wait3A_385, %dma_wait3A_386, %dma_wait3A_387] : memref<4x200x64xf32, #tpu.memory_space<vmem>> -> memref<1x200x64xf32, #tpu.memory_space<vmem>>
        %dma_wait3A_389 = tpu.memref_squeeze %dma_wait3A_388 : memref<1x200x64xf32, #tpu.memory_space<vmem>> -> memref<200x64xf32, #tpu.memory_space<vmem>>
        %dma_wait3A_390 = arith.constant 0 : i32
        %dma_wait3A_391 = arith.constant 0 : i32
        %dma_wait3A_392 = tpu.memref_slice %arg5[%mul3A_2, %dma_wait3A_390, %dma_wait3A_391] : memref<4096x200x64xf32, #tpu.memory_space<hbm>> -> memref<1x200x64xf32, #tpu.memory_space<hbm>>
        %dma_wait3A_393 = tpu.memref_squeeze %dma_wait3A_392 : memref<1x200x64xf32, #tpu.memory_space<hbm>> -> memref<200x64xf32, #tpu.memory_space<hbm>>
        %dma_wait3A_394 = arith.constant 0 : i32
        %dma_wait3A_395 = arith.constant 0 : i32
        %dma_wait3A_396 = tpu.memref_slice %arg5[%mul3A_2, %dma_wait3A_394, %dma_wait3A_395] : memref<4096x200x64xf32, #tpu.memory_space<hbm>> -> memref<1x200x64xf32, #tpu.memory_space<hbm>>
        %dma_wait3A_397 = tpu.memref_squeeze %dma_wait3A_396 : memref<1x200x64xf32, #tpu.memory_space<hbm>> -> memref<200x64xf32, #tpu.memory_space<hbm>>
        %dma_wait3A_398 = arith.constant 0 : i32
        %dma_wait3A_399 = arith.constant 0 : i32
        %dma_wait3A_400 = tpu.memref_slice %arg7[%dma_wait3A_385, %dma_wait3A_398, %dma_wait3A_399] : memref<4x200x64xf32, #tpu.memory_space<vmem>> -> memref<1x200x64xf32, #tpu.memory_space<vmem>>
        %dma_wait3A_401 = tpu.memref_squeeze %dma_wait3A_400 : memref<1x200x64xf32, #tpu.memory_space<vmem>> -> memref<200x64xf32, #tpu.memory_space<vmem>>
        tpu.wait_dma2 semaphore(%arg14 : memref<!tpu.dma_semaphore, #tpu.memory_space<semaphore_mem>>) src(%dma_wait3A_401 : memref<200x64xf32, #tpu.memory_space<vmem>>) dst(%dma_wait3A_397 : memref<200x64xf32, #tpu.memory_space<hbm>>)
        %dma_start3A_402 = arith.constant 1 : i32
        %dma_start3A_403 = arith.constant 0 : i32
        %dma_start3A_404 = arith.constant 0 : i32
        %dma_start3A_405 = tpu.memref_slice %arg7[%dma_start3A_402, %dma_start3A_403, %dma_start3A_404] : memref<4x200x64xf32, #tpu.memory_space<vmem>> -> memref<1x128x64xf32, #tpu.memory_space<vmem>>
        %dma_start3A_406 = tpu.memref_squeeze %dma_start3A_405 : memref<1x128x64xf32, #tpu.memory_space<vmem>> -> memref<128x64xf32, #tpu.memory_space<vmem>>
        %dma_start3A_407 = arith.constant 0 : i32
        %dma_start3A_408 = tpu.memref_slice %arg6[%sub3A_282, %dma_start3A_407] : memref<128x200xi32, #tpu.memory_space<vmem>> -> memref<1x128xi32, #tpu.memory_space<vmem>>
        %dma_start3A_409 = tpu.memref_squeeze %dma_start3A_408 : memref<1x128xi32, #tpu.memory_space<vmem>> -> memref<128xi32, #tpu.memory_space<vmem>>
        %dma_start3A_410 = arith.constant 0 : i32
        %dma_start3A_411 = arith.constant 0 : i32
        %dma_start3A_412 = tpu.memref_slice %arg3[%dma_start3A_410, %dma_start3A_411] : memref<1000000x64xf32, #tpu.memory_space<hbm>> -> memref<1000000x64xf32, #tpu.memory_space<hbm>>
        tpu.enqueue_indirect_dma source(%dma_start3A_412 : memref<1000000x64xf32, #tpu.memory_space<hbm>>) target(%dma_start3A_406 : memref<128x64xf32, #tpu.memory_space<vmem>>) offsets(%dma_start3A_409 : memref<128xi32, #tpu.memory_space<vmem>>) semaphore(%arg10 : memref<!tpu.dma_semaphore, #tpu.memory_space<semaphore_mem>>)
        %dma_start3A_413 = arith.constant 1 : i32
        %dma_start3A_414 = arith.constant 128 : i32
        %dma_start3A_415 = arith.constant 0 : i32
        %dma_start3A_416 = tpu.memref_slice %arg7[%dma_start3A_413, %dma_start3A_414, %dma_start3A_415] : memref<4x200x64xf32, #tpu.memory_space<vmem>> -> memref<1x72x64xf32, #tpu.memory_space<vmem>>
        %dma_start3A_417 = tpu.memref_squeeze %dma_start3A_416 : memref<1x72x64xf32, #tpu.memory_space<vmem>> -> memref<72x64xf32, #tpu.memory_space<vmem>>
        %dma_start3A_418 = arith.constant 128 : i32
        %dma_start3A_419 = tpu.memref_slice %arg6[%sub3A_282, %dma_start3A_418] : memref<128x200xi32, #tpu.memory_space<vmem>> -> memref<1x72xi32, #tpu.memory_space<vmem>>
        %dma_start3A_420 = tpu.memref_squeeze %dma_start3A_419 : memref<1x72xi32, #tpu.memory_space<vmem>> -> memref<72xi32, #tpu.memory_space<vmem>>
        %dma_start3A_421 = arith.constant 0 : i32
        %dma_start3A_422 = arith.constant 0 : i32
        %dma_start3A_423 = tpu.memref_slice %arg3[%dma_start3A_421, %dma_start3A_422] : memref<1000000x64xf32, #tpu.memory_space<hbm>> -> memref<1000000x64xf32, #tpu.memory_space<hbm>>
        tpu.enqueue_indirect_dma source(%dma_start3A_423 : memref<1000000x64xf32, #tpu.memory_space<hbm>>) target(%dma_start3A_417 : memref<72x64xf32, #tpu.memory_space<vmem>>) offsets(%dma_start3A_420 : memref<72xi32, #tpu.memory_space<vmem>>) semaphore(%arg10 : memref<!tpu.dma_semaphore, #tpu.memory_space<semaphore_mem>>)
      } else {
      }
      %add3A_312 = arith.addi %mul3A_2, %add3A_278 : i32
      %dma_start3A_313 = arith.constant 2 : i32
      %dma_start3A_314 = arith.constant 0 : i32
      %dma_start3A_315 = arith.constant 0 : i32
      %dma_start3A_316 = tpu.memref_slice %arg7[%dma_start3A_313, %dma_start3A_314, %dma_start3A_315] : memref<4x200x64xf32, #tpu.memory_space<vmem>> -> memref<1x200x64xf32, #tpu.memory_space<vmem>>
      %dma_start3A_317 = tpu.memref_squeeze %dma_start3A_316 : memref<1x200x64xf32, #tpu.memory_space<vmem>> -> memref<200x64xf32, #tpu.memory_space<vmem>>
      %dma_start3A_318 = arith.constant 0 : i32
      %dma_start3A_319 = arith.constant 0 : i32
      %dma_start3A_320 = tpu.memref_slice %arg5[%add3A_312, %dma_start3A_318, %dma_start3A_319] : memref<4096x200x64xf32, #tpu.memory_space<hbm>> -> memref<1x200x64xf32, #tpu.memory_space<hbm>>
      %dma_start3A_321 = tpu.memref_squeeze %dma_start3A_320 : memref<1x200x64xf32, #tpu.memory_space<hbm>> -> memref<200x64xf32, #tpu.memory_space<hbm>>
      %dma_start3A_322 = arith.constant 0 : i32
      %dma_start3A_323 = arith.constant 0 : i32
      %dma_start3A_324 = tpu.memref_slice %arg5[%add3A_312, %dma_start3A_322, %dma_start3A_323] : memref<4096x200x64xf32, #tpu.memory_space<hbm>> -> memref<1x200x64xf32, #tpu.memory_space<hbm>>
      %dma_start3A_325 = tpu.memref_squeeze %dma_start3A_324 : memref<1x200x64xf32, #tpu.memory_space<hbm>> -> memref<200x64xf32, #tpu.memory_space<hbm>>
      %dma_start3A_326 = arith.constant 0 : i32
      %dma_start3A_327 = arith.constant 0 : i32
      %dma_start3A_328 = tpu.memref_slice %arg7[%dma_start3A_313, %dma_start3A_326, %dma_start3A_327] : memref<4x200x64xf32, #tpu.memory_space<vmem>> -> memref<1x200x64xf32, #tpu.memory_space<vmem>>
      %dma_start3A_329 = tpu.memref_squeeze %dma_start3A_328 : memref<1x200x64xf32, #tpu.memory_space<vmem>> -> memref<200x64xf32, #tpu.memory_space<vmem>>
      tpu.enqueue_dma source(%dma_start3A_329 : memref<200x64xf32, #tpu.memory_space<vmem>>) target(%dma_start3A_325 : memref<200x64xf32, #tpu.memory_space<hbm>>) target_semaphore(%arg15 : memref<!tpu.dma_semaphore, #tpu.memory_space<semaphore_mem>>)
      %mul3A_330 = arith.constant 4 : i32
      %mul3A_331 = arith.muli %scan3A_170, %mul3A_330 : i32
      %add3A_332 = arith.constant 3 : i32
      %add3A_333 = arith.addi %mul3A_331, %add3A_332 : i32
      %add3A_334 = arith.constant 4 : i32
      %add3A_335 = arith.addi %add3A_333, %add3A_334 : i32
      %sub3A_336 = arith.constant 1 : i32
      %sub3A_337 = arith.subi %add3A_335, %sub3A_336 : i32
      %dma_wait3A_338 = arith.constant 3 : i32
      %dma_wait3A_339 = arith.constant 0 : i32
      %dma_wait3A_340 = arith.constant 0 : i32
      %dma_wait3A_341 = tpu.memref_slice %arg7[%dma_wait3A_338, %dma_wait3A_339, %dma_wait3A_340] : memref<4x200x64xf32, #tpu.memory_space<vmem>> -> memref<1x200x64xf32, #tpu.memory_space<vmem>>
      %dma_wait3A_342 = tpu.memref_squeeze %dma_wait3A_341 : memref<1x200x64xf32, #tpu.memory_space<vmem>> -> memref<200x64xf32, #tpu.memory_space<vmem>>
      %dma_wait3A_343 = arith.constant 0 : i32
      %dma_wait3A_344 = arith.constant 0 : i32
      %dma_wait3A_345 = tpu.memref_slice %arg3[%dma_wait3A_343, %dma_wait3A_344] : memref<1000000x64xf32, #tpu.memory_space<hbm>> -> memref<200x64xf32, #tpu.memory_space<hbm>>
      %dma_wait3A_346 = arith.constant 0 : i32
      %dma_wait3A_347 = arith.constant 0 : i32
      %dma_wait3A_348 = tpu.memref_slice %arg7[%dma_wait3A_338, %dma_wait3A_346, %dma_wait3A_347] : memref<4x200x64xf32, #tpu.memory_space<vmem>> -> memref<1x200x64xf32, #tpu.memory_space<vmem>>
      %dma_wait3A_349 = tpu.memref_squeeze %dma_wait3A_348 : memref<1x200x64xf32, #tpu.memory_space<vmem>> -> memref<200x64xf32, #tpu.memory_space<vmem>>
      %dma_wait3A_350 = arith.constant 0 : i32
      %dma_wait3A_351 = arith.constant 0 : i32
      %dma_wait3A_352 = tpu.memref_slice %arg3[%dma_wait3A_350, %dma_wait3A_351] : memref<1000000x64xf32, #tpu.memory_space<hbm>> -> memref<200x64xf32, #tpu.memory_space<hbm>>
      tpu.wait_dma2 semaphore(%arg12 : memref<!tpu.dma_semaphore, #tpu.memory_space<semaphore_mem>>) src(%dma_wait3A_352 : memref<200x64xf32, #tpu.memory_space<hbm>>) dst(%dma_wait3A_349 : memref<200x64xf32, #tpu.memory_space<vmem>>)
      %scan3A_353 = arith.constant 0 : i32
      %scan3A_354 = arith.constant 0 : i32
      %scan3A_355 = arith.constant 50 : i32
      %scan3A_356 = arith.addi %scan3A_354, %scan3A_355 : i32
      %scan3A_357 = arith.constant 1 : i32
      scf.for %scan3A_385 = %scan3A_354 to %scan3A_356 step %scan3A_357  : i32 {
        %mul3A_386 = arith.constant 4 : i32
        %mul3A_387 = arith.muli %scan3A_385, %mul3A_386 : i32
        %add3A_388 = arith.constant 0 : i32
        %add3A_389 = arith.addi %mul3A_387, %add3A_388 : i32
        %get3A = arith.constant 3 : i32
        %get3A_390 = arith.index_cast %get3A : i32 to index
        %get3A_391 = arith.index_cast %add3A_389 : i32 to index
        %get3A_392 = arith.constant 0 : index
        %get3A_393 = tpu.vector_load %arg7[%get3A_390, %get3A_391, %get3A_392] {strides = array<i32>} : memref<4x200x64xf32, #tpu.memory_space<vmem>>, vector<1x1x16xf32>,
        %get3A_394 = vector.shape_cast %get3A_393 : vector<1x1x16xf32> to vector<16xf32>
        %add3A_395 = arith.constant 0 : i32
        %add3A_396 = arith.addi %mul3A_387, %add3A_395 : i32
        %get3A_397 = arith.index_cast %add3A_396 : i32 to index
        %get3A_398 = arith.constant 0 : index
        %get3A_399 = tpu.vector_load %arg8[%get3A_397, %get3A_398] {strides = array<i32>} : memref<200x64xf32, #tpu.memory_space<vmem>>, vector<1x16xf32>,
        %get3A_400 = vector.shape_cast %get3A_399 : vector<1x16xf32> to vector<16xf32>
        %add3A_401 = arith.addf %get3A_394, %get3A_400 : vector<16xf32>
        %add3A_402 = arith.constant 0 : i32
        %add3A_403 = arith.addi %mul3A_387, %add3A_402 : i32
        %swap3A = arith.constant 3 : i32
        %swap3A_404 = arith.index_cast %swap3A : i32 to index
        %swap3A_405 = arith.index_cast %add3A_403 : i32 to index
        %swap3A_406 = arith.constant 0 : index
        %swap3A_407 = tpu.vector_load %arg7[%swap3A_404, %swap3A_405, %swap3A_406] {strides = array<i32>} : memref<4x200x64xf32, #tpu.memory_space<vmem>>, vector<1x1x16xf32>,
        %swap3A_408 = vector.shape_cast %swap3A_407 : vector<1x1x16xf32> to vector<16xf32>
        %swap3A_409 = vector.shape_cast %add3A_401 : vector<16xf32> to vector<1x1x16xf32>
        tpu.vector_store %arg7[%swap3A_404, %swap3A_405, %swap3A_406], %swap3A_409 {strides = array<i32>} : memref<4x200x64xf32, #tpu.memory_space<vmem>>, vector<1x1x16xf32>,
        %add3A_410 = arith.constant 0 : i32
        %add3A_411 = arith.addi %mul3A_387, %add3A_410 : i32
        %get3A_412 = arith.constant 3 : i32
        %get3A_413 = arith.index_cast %get3A_412 : i32 to index
        %get3A_414 = arith.index_cast %add3A_411 : i32 to index
        %get3A_415 = arith.constant 16 : index
        %get3A_416 = tpu.vector_load %arg7[%get3A_413, %get3A_414, %get3A_415] {strides = array<i32>} : memref<4x200x64xf32, #tpu.memory_space<vmem>>, vector<1x1x16xf32>,
        %get3A_417 = vector.shape_cast %get3A_416 : vector<1x1x16xf32> to vector<16xf32>
        %add3A_418 = arith.constant 0 : i32
        %add3A_419 = arith.addi %mul3A_387, %add3A_418 : i32
        %get3A_420 = arith.index_cast %add3A_419 : i32 to index
        %get3A_421 = arith.constant 16 : index
        %get3A_422 = tpu.vector_load %arg8[%get3A_420, %get3A_421] {strides = array<i32>} : memref<200x64xf32, #tpu.memory_space<vmem>>, vector<1x16xf32>,
        %get3A_423 = vector.shape_cast %get3A_422 : vector<1x16xf32> to vector<16xf32>
        %add3A_424 = arith.addf %get3A_417, %get3A_423 : vector<16xf32>
        %add3A_425 = arith.constant 0 : i32
        %add3A_426 = arith.addi %mul3A_387, %add3A_425 : i32
        %swap3A_427 = arith.constant 3 : i32
        %swap3A_428 = arith.index_cast %swap3A_427 : i32 to index
        %swap3A_429 = arith.index_cast %add3A_426 : i32 to index
        %swap3A_430 = arith.constant 16 : index
        %swap3A_431 = tpu.vector_load %arg7[%swap3A_428, %swap3A_429, %swap3A_430] {strides = array<i32>} : memref<4x200x64xf32, #tpu.memory_space<vmem>>, vector<1x1x16xf32>,
        %swap3A_432 = vector.shape_cast %swap3A_431 : vector<1x1x16xf32> to vector<16xf32>
        %swap3A_433 = vector.shape_cast %add3A_424 : vector<16xf32> to vector<1x1x16xf32>
        tpu.vector_store %arg7[%swap3A_428, %swap3A_429, %swap3A_430], %swap3A_433 {strides = array<i32>} : memref<4x200x64xf32, #tpu.memory_space<vmem>>, vector<1x1x16xf32>,
        %add3A_434 = arith.constant 0 : i32
        %add3A_435 = arith.addi %mul3A_387, %add3A_434 : i32
        %get3A_436 = arith.constant 3 : i32
        %get3A_437 = arith.index_cast %get3A_436 : i32 to index
        %get3A_438 = arith.index_cast %add3A_435 : i32 to index
        %get3A_439 = arith.constant 32 : index
        %get3A_440 = tpu.vector_load %arg7[%get3A_437, %get3A_438, %get3A_439] {strides = array<i32>} : memref<4x200x64xf32, #tpu.memory_space<vmem>>, vector<1x1x16xf32>,
        %get3A_441 = vector.shape_cast %get3A_440 : vector<1x1x16xf32> to vector<16xf32>
        %add3A_442 = arith.constant 0 : i32
        %add3A_443 = arith.addi %mul3A_387, %add3A_442 : i32
        %get3A_444 = arith.index_cast %add3A_443 : i32 to index
        %get3A_445 = arith.constant 32 : index
        %get3A_446 = tpu.vector_load %arg8[%get3A_444, %get3A_445] {strides = array<i32>} : memref<200x64xf32, #tpu.memory_space<vmem>>, vector<1x16xf32>,
        %get3A_447 = vector.shape_cast %get3A_446 : vector<1x16xf32> to vector<16xf32>
        %add3A_448 = arith.addf %get3A_441, %get3A_447 : vector<16xf32>
        %add3A_449 = arith.constant 0 : i32
        %add3A_450 = arith.addi %mul3A_387, %add3A_449 : i32
        %swap3A_451 = arith.constant 3 : i32
        %swap3A_452 = arith.index_cast %swap3A_451 : i32 to index
        %swap3A_453 = arith.index_cast %add3A_450 : i32 to index
        %swap3A_454 = arith.constant 32 : index
        %swap3A_455 = tpu.vector_load %arg7[%swap3A_452, %swap3A_453, %swap3A_454] {strides = array<i32>} : memref<4x200x64xf32, #tpu.memory_space<vmem>>, vector<1x1x16xf32>,
        %swap3A_456 = vector.shape_cast %swap3A_455 : vector<1x1x16xf32> to vector<16xf32>
        %swap3A_457 = vector.shape_cast %add3A_448 : vector<16xf32> to vector<1x1x16xf32>
        tpu.vector_store %arg7[%swap3A_452, %swap3A_453, %swap3A_454], %swap3A_457 {strides = array<i32>} : memref<4x200x64xf32, #tpu.memory_space<vmem>>, vector<1x1x16xf32>,
        %add3A_458 = arith.constant 0 : i32
        %add3A_459 = arith.addi %mul3A_387, %add3A_458 : i32
        %get3A_460 = arith.constant 3 : i32
        %get3A_461 = arith.index_cast %get3A_460 : i32 to index
        %get3A_462 = arith.index_cast %add3A_459 : i32 to index
        %get3A_463 = arith.constant 48 : index
        %get3A_464 = tpu.vector_load %arg7[%get3A_461, %get3A_462, %get3A_463] {strides = array<i32>} : memref<4x200x64xf32, #tpu.memory_space<vmem>>, vector<1x1x16xf32>,
        %get3A_465 = vector.shape_cast %get3A_464 : vector<1x1x16xf32> to vector<16xf32>
        %add3A_466 = arith.constant 0 : i32
        %add3A_467 = arith.addi %mul3A_387, %add3A_466 : i32
        %get3A_468 = arith.index_cast %add3A_467 : i32 to index
        %get3A_469 = arith.constant 48 : index
        %get3A_470 = tpu.vector_load %arg8[%get3A_468, %get3A_469] {strides = array<i32>} : memref<200x64xf32, #tpu.memory_space<vmem>>, vector<1x16xf32>,
        %get3A_471 = vector.shape_cast %get3A_470 : vector<1x16xf32> to vector<16xf32>
        %add3A_472 = arith.addf %get3A_465, %get3A_471 : vector<16xf32>
        %add3A_473 = arith.constant 0 : i32
        %add3A_474 = arith.addi %mul3A_387, %add3A_473 : i32
        %swap3A_475 = arith.constant 3 : i32
        %swap3A_476 = arith.index_cast %swap3A_475 : i32 to index
        %swap3A_477 = arith.index_cast %add3A_474 : i32 to index
        %swap3A_478 = arith.constant 48 : index
        %swap3A_479 = tpu.vector_load %arg7[%swap3A_476, %swap3A_477, %swap3A_478] {strides = array<i32>} : memref<4x200x64xf32, #tpu.memory_space<vmem>>, vector<1x1x16xf32>,
        %swap3A_480 = vector.shape_cast %swap3A_479 : vector<1x1x16xf32> to vector<16xf32>
        %swap3A_481 = vector.shape_cast %add3A_472 : vector<16xf32> to vector<1x1x16xf32>
        tpu.vector_store %arg7[%swap3A_476, %swap3A_477, %swap3A_478], %swap3A_481 {strides = array<i32>} : memref<4x200x64xf32, #tpu.memory_space<vmem>>, vector<1x1x16xf32>,
        %add3A_482 = arith.constant 1 : i32
        %add3A_483 = arith.addi %mul3A_387, %add3A_482 : i32
        %get3A_484 = arith.constant 3 : i32
        %get3A_485 = arith.index_cast %get3A_484 : i32 to index
        %get3A_486 = arith.index_cast %add3A_483 : i32 to index
        %get3A_487 = arith.constant 0 : index
        %get3A_488 = tpu.vector_load %arg7[%get3A_485, %get3A_486, %get3A_487] {strides = array<i32>} : memref<4x200x64xf32, #tpu.memory_space<vmem>>, vector<1x1x16xf32>,
        %get3A_489 = vector.shape_cast %get3A_488 : vector<1x1x16xf32> to vector<16xf32>
        %add3A_490 = arith.constant 1 : i32
        %add3A_491 = arith.addi %mul3A_387, %add3A_490 : i32
        %get3A_492 = arith.index_cast %add3A_491 : i32 to index
        %get3A_493 = arith.constant 0 : index
        %get3A_494 = tpu.vector_load %arg8[%get3A_492, %get3A_493] {strides = array<i32>} : memref<200x64xf32, #tpu.memory_space<vmem>>, vector<1x16xf32>,
        %get3A_495 = vector.shape_cast %get3A_494 : vector<1x16xf32> to vector<16xf32>
        %add3A_496 = arith.addf %get3A_489, %get3A_495 : vector<16xf32>
        %add3A_497 = arith.constant 1 : i32
        %add3A_498 = arith.addi %mul3A_387, %add3A_497 : i32
        %swap3A_499 = arith.constant 3 : i32
        %swap3A_500 = arith.index_cast %swap3A_499 : i32 to index
        %swap3A_501 = arith.index_cast %add3A_498 : i32 to index
        %swap3A_502 = arith.constant 0 : index
        %swap3A_503 = tpu.vector_load %arg7[%swap3A_500, %swap3A_501, %swap3A_502] {strides = array<i32>} : memref<4x200x64xf32, #tpu.memory_space<vmem>>, vector<1x1x16xf32>,
        %swap3A_504 = vector.shape_cast %swap3A_503 : vector<1x1x16xf32> to vector<16xf32>
        %swap3A_505 = vector.shape_cast %add3A_496 : vector<16xf32> to vector<1x1x16xf32>
        tpu.vector_store %arg7[%swap3A_500, %swap3A_501, %swap3A_502], %swap3A_505 {strides = array<i32>} : memref<4x200x64xf32, #tpu.memory_space<vmem>>, vector<1x1x16xf32>,
        %add3A_506 = arith.constant 1 : i32
        %add3A_507 = arith.addi %mul3A_387, %add3A_506 : i32
        %get3A_508 = arith.constant 3 : i32
        %get3A_509 = arith.index_cast %get3A_508 : i32 to index
        %get3A_510 = arith.index_cast %add3A_507 : i32 to index
        %get3A_511 = arith.constant 16 : index
        %get3A_512 = tpu.vector_load %arg7[%get3A_509, %get3A_510, %get3A_511] {strides = array<i32>} : memref<4x200x64xf32, #tpu.memory_space<vmem>>, vector<1x1x16xf32>,
        %get3A_513 = vector.shape_cast %get3A_512 : vector<1x1x16xf32> to vector<16xf32>
        %add3A_514 = arith.constant 1 : i32
        %add3A_515 = arith.addi %mul3A_387, %add3A_514 : i32
        %get3A_516 = arith.index_cast %add3A_515 : i32 to index
        %get3A_517 = arith.constant 16 : index
        %get3A_518 = tpu.vector_load %arg8[%get3A_516, %get3A_517] {strides = array<i32>} : memref<200x64xf32, #tpu.memory_space<vmem>>, vector<1x16xf32>,
        %get3A_519 = vector.shape_cast %get3A_518 : vector<1x16xf32> to vector<16xf32>
        %add3A_520 = arith.addf %get3A_513, %get3A_519 : vector<16xf32>
        %add3A_521 = arith.constant 1 : i32
        %add3A_522 = arith.addi %mul3A_387, %add3A_521 : i32
        %swap3A_523 = arith.constant 3 : i32
        %swap3A_524 = arith.index_cast %swap3A_523 : i32 to index
        %swap3A_525 = arith.index_cast %add3A_522 : i32 to index
        %swap3A_526 = arith.constant 16 : index
        %swap3A_527 = tpu.vector_load %arg7[%swap3A_524, %swap3A_525, %swap3A_526] {strides = array<i32>} : memref<4x200x64xf32, #tpu.memory_space<vmem>>, vector<1x1x16xf32>,
        %swap3A_528 = vector.shape_cast %swap3A_527 : vector<1x1x16xf32> to vector<16xf32>
        %swap3A_529 = vector.shape_cast %add3A_520 : vector<16xf32> to vector<1x1x16xf32>
        tpu.vector_store %arg7[%swap3A_524, %swap3A_525, %swap3A_526], %swap3A_529 {strides = array<i32>} : memref<4x200x64xf32, #tpu.memory_space<vmem>>, vector<1x1x16xf32>,
        %add3A_530 = arith.constant 1 : i32
        %add3A_531 = arith.addi %mul3A_387, %add3A_530 : i32
        %get3A_532 = arith.constant 3 : i32
        %get3A_533 = arith.index_cast %get3A_532 : i32 to index
        %get3A_534 = arith.index_cast %add3A_531 : i32 to index
        %get3A_535 = arith.constant 32 : index
        %get3A_536 = tpu.vector_load %arg7[%get3A_533, %get3A_534, %get3A_535] {strides = array<i32>} : memref<4x200x64xf32, #tpu.memory_space<vmem>>, vector<1x1x16xf32>,
        %get3A_537 = vector.shape_cast %get3A_536 : vector<1x1x16xf32> to vector<16xf32>
        %add3A_538 = arith.constant 1 : i32
        %add3A_539 = arith.addi %mul3A_387, %add3A_538 : i32
        %get3A_540 = arith.index_cast %add3A_539 : i32 to index
        %get3A_541 = arith.constant 32 : index
        %get3A_542 = tpu.vector_load %arg8[%get3A_540, %get3A_541] {strides = array<i32>} : memref<200x64xf32, #tpu.memory_space<vmem>>, vector<1x16xf32>,
        %get3A_543 = vector.shape_cast %get3A_542 : vector<1x16xf32> to vector<16xf32>
        %add3A_544 = arith.addf %get3A_537, %get3A_543 : vector<16xf32>
        %add3A_545 = arith.constant 1 : i32
        %add3A_546 = arith.addi %mul3A_387, %add3A_545 : i32
        %swap3A_547 = arith.constant 3 : i32
        %swap3A_548 = arith.index_cast %swap3A_547 : i32 to index
        %swap3A_549 = arith.index_cast %add3A_546 : i32 to index
        %swap3A_550 = arith.constant 32 : index
        %swap3A_551 = tpu.vector_load %arg7[%swap3A_548, %swap3A_549, %swap3A_550] {strides = array<i32>} : memref<4x200x64xf32, #tpu.memory_space<vmem>>, vector<1x1x16xf32>,
        %swap3A_552 = vector.shape_cast %swap3A_551 : vector<1x1x16xf32> to vector<16xf32>
        %swap3A_553 = vector.shape_cast %add3A_544 : vector<16xf32> to vector<1x1x16xf32>
        tpu.vector_store %arg7[%swap3A_548, %swap3A_549, %swap3A_550], %swap3A_553 {strides = array<i32>} : memref<4x200x64xf32, #tpu.memory_space<vmem>>, vector<1x1x16xf32>,
        %add3A_554 = arith.constant 1 : i32
        %add3A_555 = arith.addi %mul3A_387, %add3A_554 : i32
        %get3A_556 = arith.constant 3 : i32
        %get3A_557 = arith.index_cast %get3A_556 : i32 to index
        %get3A_558 = arith.index_cast %add3A_555 : i32 to index
        %get3A_559 = arith.constant 48 : index
        %get3A_560 = tpu.vector_load %arg7[%get3A_557, %get3A_558, %get3A_559] {strides = array<i32>} : memref<4x200x64xf32, #tpu.memory_space<vmem>>, vector<1x1x16xf32>,
        %get3A_561 = vector.shape_cast %get3A_560 : vector<1x1x16xf32> to vector<16xf32>
        %add3A_562 = arith.constant 1 : i32
        %add3A_563 = arith.addi %mul3A_387, %add3A_562 : i32
        %get3A_564 = arith.index_cast %add3A_563 : i32 to index
        %get3A_565 = arith.constant 48 : index
        %get3A_566 = tpu.vector_load %arg8[%get3A_564, %get3A_565] {strides = array<i32>} : memref<200x64xf32, #tpu.memory_space<vmem>>, vector<1x16xf32>,
        %get3A_567 = vector.shape_cast %get3A_566 : vector<1x16xf32> to vector<16xf32>
        %add3A_568 = arith.addf %get3A_561, %get3A_567 : vector<16xf32>
        %add3A_569 = arith.constant 1 : i32
        %add3A_570 = arith.addi %mul3A_387, %add3A_569 : i32
        %swap3A_571 = arith.constant 3 : i32
        %swap3A_572 = arith.index_cast %swap3A_571 : i32 to index
        %swap3A_573 = arith.index_cast %add3A_570 : i32 to index
        %swap3A_574 = arith.constant 48 : index
        %swap3A_575 = tpu.vector_load %arg7[%swap3A_572, %swap3A_573, %swap3A_574] {strides = array<i32>} : memref<4x200x64xf32, #tpu.memory_space<vmem>>, vector<1x1x16xf32>,
        %swap3A_576 = vector.shape_cast %swap3A_575 : vector<1x1x16xf32> to vector<16xf32>
        %swap3A_577 = vector.shape_cast %add3A_568 : vector<16xf32> to vector<1x1x16xf32>
        tpu.vector_store %arg7[%swap3A_572, %swap3A_573, %swap3A_574], %swap3A_577 {strides = array<i32>} : memref<4x200x64xf32, #tpu.memory_space<vmem>>, vector<1x1x16xf32>,
        %add3A_578 = arith.constant 2 : i32
        %add3A_579 = arith.addi %mul3A_387, %add3A_578 : i32
        %get3A_580 = arith.constant 3 : i32
        %get3A_581 = arith.index_cast %get3A_580 : i32 to index
        %get3A_582 = arith.index_cast %add3A_579 : i32 to index
        %get3A_583 = arith.constant 0 : index
        %get3A_584 = tpu.vector_load %arg7[%get3A_581, %get3A_582, %get3A_583] {strides = array<i32>} : memref<4x200x64xf32, #tpu.memory_space<vmem>>, vector<1x1x16xf32>,
        %get3A_585 = vector.shape_cast %get3A_584 : vector<1x1x16xf32> to vector<16xf32>
        %add3A_586 = arith.constant 2 : i32
        %add3A_587 = arith.addi %mul3A_387, %add3A_586 : i32
        %get3A_588 = arith.index_cast %add3A_587 : i32 to index
        %get3A_589 = arith.constant 0 : index
        %get3A_590 = tpu.vector_load %arg8[%get3A_588, %get3A_589] {strides = array<i32>} : memref<200x64xf32, #tpu.memory_space<vmem>>, vector<1x16xf32>,
        %get3A_591 = vector.shape_cast %get3A_590 : vector<1x16xf32> to vector<16xf32>
        %add3A_592 = arith.addf %get3A_585, %get3A_591 : vector<16xf32>
        %add3A_593 = arith.constant 2 : i32
        %add3A_594 = arith.addi %mul3A_387, %add3A_593 : i32
        %swap3A_595 = arith.constant 3 : i32
        %swap3A_596 = arith.index_cast %swap3A_595 : i32 to index
        %swap3A_597 = arith.index_cast %add3A_594 : i32 to index
        %swap3A_598 = arith.constant 0 : index
        %swap3A_599 = tpu.vector_load %arg7[%swap3A_596, %swap3A_597, %swap3A_598] {strides = array<i32>} : memref<4x200x64xf32, #tpu.memory_space<vmem>>, vector<1x1x16xf32>,
        %swap3A_600 = vector.shape_cast %swap3A_599 : vector<1x1x16xf32> to vector<16xf32>
        %swap3A_601 = vector.shape_cast %add3A_592 : vector<16xf32> to vector<1x1x16xf32>
        tpu.vector_store %arg7[%swap3A_596, %swap3A_597, %swap3A_598], %swap3A_601 {strides = array<i32>} : memref<4x200x64xf32, #tpu.memory_space<vmem>>, vector<1x1x16xf32>,
        %add3A_602 = arith.constant 2 : i32
        %add3A_603 = arith.addi %mul3A_387, %add3A_602 : i32
        %get3A_604 = arith.constant 3 : i32
        %get3A_605 = arith.index_cast %get3A_604 : i32 to index
        %get3A_606 = arith.index_cast %add3A_603 : i32 to index
        %get3A_607 = arith.constant 16 : index
        %get3A_608 = tpu.vector_load %arg7[%get3A_605, %get3A_606, %get3A_607] {strides = array<i32>} : memref<4x200x64xf32, #tpu.memory_space<vmem>>, vector<1x1x16xf32>,
        %get3A_609 = vector.shape_cast %get3A_608 : vector<1x1x16xf32> to vector<16xf32>
        %add3A_610 = arith.constant 2 : i32
        %add3A_611 = arith.addi %mul3A_387, %add3A_610 : i32
        %get3A_612 = arith.index_cast %add3A_611 : i32 to index
        %get3A_613 = arith.constant 16 : index
        %get3A_614 = tpu.vector_load %arg8[%get3A_612, %get3A_613] {strides = array<i32>} : memref<200x64xf32, #tpu.memory_space<vmem>>, vector<1x16xf32>,
        %get3A_615 = vector.shape_cast %get3A_614 : vector<1x16xf32> to vector<16xf32>
        %add3A_616 = arith.addf %get3A_609, %get3A_615 : vector<16xf32>
        %add3A_617 = arith.constant 2 : i32
        %add3A_618 = arith.addi %mul3A_387, %add3A_617 : i32
        %swap3A_619 = arith.constant 3 : i32
        %swap3A_620 = arith.index_cast %swap3A_619 : i32 to index
        %swap3A_621 = arith.index_cast %add3A_618 : i32 to index
        %swap3A_622 = arith.constant 16 : index
        %swap3A_623 = tpu.vector_load %arg7[%swap3A_620, %swap3A_621, %swap3A_622] {strides = array<i32>} : memref<4x200x64xf32, #tpu.memory_space<vmem>>, vector<1x1x16xf32>,
        %swap3A_624 = vector.shape_cast %swap3A_623 : vector<1x1x16xf32> to vector<16xf32>
        %swap3A_625 = vector.shape_cast %add3A_616 : vector<16xf32> to vector<1x1x16xf32>
        tpu.vector_store %arg7[%swap3A_620, %swap3A_621, %swap3A_622], %swap3A_625 {strides = array<i32>} : memref<4x200x64xf32, #tpu.memory_space<vmem>>, vector<1x1x16xf32>,
        %add3A_626 = arith.constant 2 : i32
        %add3A_627 = arith.addi %mul3A_387, %add3A_626 : i32
        %get3A_628 = arith.constant 3 : i32
        %get3A_629 = arith.index_cast %get3A_628 : i32 to index
        %get3A_630 = arith.index_cast %add3A_627 : i32 to index
        %get3A_631 = arith.constant 32 : index
        %get3A_632 = tpu.vector_load %arg7[%get3A_629, %get3A_630, %get3A_631] {strides = array<i32>} : memref<4x200x64xf32, #tpu.memory_space<vmem>>, vector<1x1x16xf32>,
        %get3A_633 = vector.shape_cast %get3A_632 : vector<1x1x16xf32> to vector<16xf32>
        %add3A_634 = arith.constant 2 : i32
        %add3A_635 = arith.addi %mul3A_387, %add3A_634 : i32
        %get3A_636 = arith.index_cast %add3A_635 : i32 to index
        %get3A_637 = arith.constant 32 : index
        %get3A_638 = tpu.vector_load %arg8[%get3A_636, %get3A_637] {strides = array<i32>} : memref<200x64xf32, #tpu.memory_space<vmem>>, vector<1x16xf32>,
        %get3A_639 = vector.shape_cast %get3A_638 : vector<1x16xf32> to vector<16xf32>
        %add3A_640 = arith.addf %get3A_633, %get3A_639 : vector<16xf32>
        %add3A_641 = arith.constant 2 : i32
        %add3A_642 = arith.addi %mul3A_387, %add3A_641 : i32
        %swap3A_643 = arith.constant 3 : i32
        %swap3A_644 = arith.index_cast %swap3A_643 : i32 to index
        %swap3A_645 = arith.index_cast %add3A_642 : i32 to index
        %swap3A_646 = arith.constant 32 : index
        %swap3A_647 = tpu.vector_load %arg7[%swap3A_644, %swap3A_645, %swap3A_646] {strides = array<i32>} : memref<4x200x64xf32, #tpu.memory_space<vmem>>, vector<1x1x16xf32>,
        %swap3A_648 = vector.shape_cast %swap3A_647 : vector<1x1x16xf32> to vector<16xf32>
        %swap3A_649 = vector.shape_cast %add3A_640 : vector<16xf32> to vector<1x1x16xf32>
        tpu.vector_store %arg7[%swap3A_644, %swap3A_645, %swap3A_646], %swap3A_649 {strides = array<i32>} : memref<4x200x64xf32, #tpu.memory_space<vmem>>, vector<1x1x16xf32>,
        %add3A_650 = arith.constant 2 : i32
        %add3A_651 = arith.addi %mul3A_387, %add3A_650 : i32
        %get3A_652 = arith.constant 3 : i32
        %get3A_653 = arith.index_cast %get3A_652 : i32 to index
        %get3A_654 = arith.index_cast %add3A_651 : i32 to index
        %get3A_655 = arith.constant 48 : index
        %get3A_656 = tpu.vector_load %arg7[%get3A_653, %get3A_654, %get3A_655] {strides = array<i32>} : memref<4x200x64xf32, #tpu.memory_space<vmem>>, vector<1x1x16xf32>,
        %get3A_657 = vector.shape_cast %get3A_656 : vector<1x1x16xf32> to vector<16xf32>
        %add3A_658 = arith.constant 2 : i32
        %add3A_659 = arith.addi %mul3A_387, %add3A_658 : i32
        %get3A_660 = arith.index_cast %add3A_659 : i32 to index
        %get3A_661 = arith.constant 48 : index
        %get3A_662 = tpu.vector_load %arg8[%get3A_660, %get3A_661] {strides = array<i32>} : memref<200x64xf32, #tpu.memory_space<vmem>>, vector<1x16xf32>,
        %get3A_663 = vector.shape_cast %get3A_662 : vector<1x16xf32> to vector<16xf32>
        %add3A_664 = arith.addf %get3A_657, %get3A_663 : vector<16xf32>
        %add3A_665 = arith.constant 2 : i32
        %add3A_666 = arith.addi %mul3A_387, %add3A_665 : i32
        %swap3A_667 = arith.constant 3 : i32
        %swap3A_668 = arith.index_cast %swap3A_667 : i32 to index
        %swap3A_669 = arith.index_cast %add3A_666 : i32 to index
        %swap3A_670 = arith.constant 48 : index
        %swap3A_671 = tpu.vector_load %arg7[%swap3A_668, %swap3A_669, %swap3A_670] {strides = array<i32>} : memref<4x200x64xf32, #tpu.memory_space<vmem>>, vector<1x1x16xf32>,
        %swap3A_672 = vector.shape_cast %swap3A_671 : vector<1x1x16xf32> to vector<16xf32>
        %swap3A_673 = vector.shape_cast %add3A_664 : vector<16xf32> to vector<1x1x16xf32>
        tpu.vector_store %arg7[%swap3A_668, %swap3A_669, %swap3A_670], %swap3A_673 {strides = array<i32>} : memref<4x200x64xf32, #tpu.memory_space<vmem>>, vector<1x1x16xf32>,
        %add3A_674 = arith.constant 3 : i32
        %add3A_675 = arith.addi %mul3A_387, %add3A_674 : i32
        %get3A_676 = arith.constant 3 : i32
        %get3A_677 = arith.index_cast %get3A_676 : i32 to index
        %get3A_678 = arith.index_cast %add3A_675 : i32 to index
        %get3A_679 = arith.constant 0 : index
        %get3A_680 = tpu.vector_load %arg7[%get3A_677, %get3A_678, %get3A_679] {strides = array<i32>} : memref<4x200x64xf32, #tpu.memory_space<vmem>>, vector<1x1x16xf32>,
        %get3A_681 = vector.shape_cast %get3A_680 : vector<1x1x16xf32> to vector<16xf32>
        %add3A_682 = arith.constant 3 : i32
        %add3A_683 = arith.addi %mul3A_387, %add3A_682 : i32
        %get3A_684 = arith.index_cast %add3A_683 : i32 to index
        %get3A_685 = arith.constant 0 : index
        %get3A_686 = tpu.vector_load %arg8[%get3A_684, %get3A_685] {strides = array<i32>} : memref<200x64xf32, #tpu.memory_space<vmem>>, vector<1x16xf32>,
        %get3A_687 = vector.shape_cast %get3A_686 : vector<1x16xf32> to vector<16xf32>
        %add3A_688 = arith.addf %get3A_681, %get3A_687 : vector<16xf32>
        %add3A_689 = arith.constant 3 : i32
        %add3A_690 = arith.addi %mul3A_387, %add3A_689 : i32
        %swap3A_691 = arith.constant 3 : i32
        %swap3A_692 = arith.index_cast %swap3A_691 : i32 to index
        %swap3A_693 = arith.index_cast %add3A_690 : i32 to index
        %swap3A_694 = arith.constant 0 : index
        %swap3A_695 = tpu.vector_load %arg7[%swap3A_692, %swap3A_693, %swap3A_694] {strides = array<i32>} : memref<4x200x64xf32, #tpu.memory_space<vmem>>, vector<1x1x16xf32>,
        %swap3A_696 = vector.shape_cast %swap3A_695 : vector<1x1x16xf32> to vector<16xf32>
        %swap3A_697 = vector.shape_cast %add3A_688 : vector<16xf32> to vector<1x1x16xf32>
        tpu.vector_store %arg7[%swap3A_692, %swap3A_693, %swap3A_694], %swap3A_697 {strides = array<i32>} : memref<4x200x64xf32, #tpu.memory_space<vmem>>, vector<1x1x16xf32>,
        %add3A_698 = arith.constant 3 : i32
        %add3A_699 = arith.addi %mul3A_387, %add3A_698 : i32
        %get3A_700 = arith.constant 3 : i32
        %get3A_701 = arith.index_cast %get3A_700 : i32 to index
        %get3A_702 = arith.index_cast %add3A_699 : i32 to index
        %get3A_703 = arith.constant 16 : index
        %get3A_704 = tpu.vector_load %arg7[%get3A_701, %get3A_702, %get3A_703] {strides = array<i32>} : memref<4x200x64xf32, #tpu.memory_space<vmem>>, vector<1x1x16xf32>,
        %get3A_705 = vector.shape_cast %get3A_704 : vector<1x1x16xf32> to vector<16xf32>
        %add3A_706 = arith.constant 3 : i32
        %add3A_707 = arith.addi %mul3A_387, %add3A_706 : i32
        %get3A_708 = arith.index_cast %add3A_707 : i32 to index
        %get3A_709 = arith.constant 16 : index
        %get3A_710 = tpu.vector_load %arg8[%get3A_708, %get3A_709] {strides = array<i32>} : memref<200x64xf32, #tpu.memory_space<vmem>>, vector<1x16xf32>,
        %get3A_711 = vector.shape_cast %get3A_710 : vector<1x16xf32> to vector<16xf32>
        %add3A_712 = arith.addf %get3A_705, %get3A_711 : vector<16xf32>
        %add3A_713 = arith.constant 3 : i32
        %add3A_714 = arith.addi %mul3A_387, %add3A_713 : i32
        %swap3A_715 = arith.constant 3 : i32
        %swap3A_716 = arith.index_cast %swap3A_715 : i32 to index
        %swap3A_717 = arith.index_cast %add3A_714 : i32 to index
        %swap3A_718 = arith.constant 16 : index
        %swap3A_719 = tpu.vector_load %arg7[%swap3A_716, %swap3A_717, %swap3A_718] {strides = array<i32>} : memref<4x200x64xf32, #tpu.memory_space<vmem>>, vector<1x1x16xf32>,
        %swap3A_720 = vector.shape_cast %swap3A_719 : vector<1x1x16xf32> to vector<16xf32>
        %swap3A_721 = vector.shape_cast %add3A_712 : vector<16xf32> to vector<1x1x16xf32>
        tpu.vector_store %arg7[%swap3A_716, %swap3A_717, %swap3A_718], %swap3A_721 {strides = array<i32>} : memref<4x200x64xf32, #tpu.memory_space<vmem>>, vector<1x1x16xf32>,
        %add3A_722 = arith.constant 3 : i32
        %add3A_723 = arith.addi %mul3A_387, %add3A_722 : i32
        %get3A_724 = arith.constant 3 : i32
        %get3A_725 = arith.index_cast %get3A_724 : i32 to index
        %get3A_726 = arith.index_cast %add3A_723 : i32 to index
        %get3A_727 = arith.constant 32 : index
        %get3A_728 = tpu.vector_load %arg7[%get3A_725, %get3A_726, %get3A_727] {strides = array<i32>} : memref<4x200x64xf32, #tpu.memory_space<vmem>>, vector<1x1x16xf32>,
        %get3A_729 = vector.shape_cast %get3A_728 : vector<1x1x16xf32> to vector<16xf32>
        %add3A_730 = arith.constant 3 : i32
        %add3A_731 = arith.addi %mul3A_387, %add3A_730 : i32
        %get3A_732 = arith.index_cast %add3A_731 : i32 to index
        %get3A_733 = arith.constant 32 : index
        %get3A_734 = tpu.vector_load %arg8[%get3A_732, %get3A_733] {strides = array<i32>} : memref<200x64xf32, #tpu.memory_space<vmem>>, vector<1x16xf32>,
        %get3A_735 = vector.shape_cast %get3A_734 : vector<1x16xf32> to vector<16xf32>
        %add3A_736 = arith.addf %get3A_729, %get3A_735 : vector<16xf32>
        %add3A_737 = arith.constant 3 : i32
        %add3A_738 = arith.addi %mul3A_387, %add3A_737 : i32
        %swap3A_739 = arith.constant 3 : i32
        %swap3A_740 = arith.index_cast %swap3A_739 : i32 to index
        %swap3A_741 = arith.index_cast %add3A_738 : i32 to index
        %swap3A_742 = arith.constant 32 : index
        %swap3A_743 = tpu.vector_load %arg7[%swap3A_740, %swap3A_741, %swap3A_742] {strides = array<i32>} : memref<4x200x64xf32, #tpu.memory_space<vmem>>, vector<1x1x16xf32>,
        %swap3A_744 = vector.shape_cast %swap3A_743 : vector<1x1x16xf32> to vector<16xf32>
        %swap3A_745 = vector.shape_cast %add3A_736 : vector<16xf32> to vector<1x1x16xf32>
        tpu.vector_store %arg7[%swap3A_740, %swap3A_741, %swap3A_742], %swap3A_745 {strides = array<i32>} : memref<4x200x64xf32, #tpu.memory_space<vmem>>, vector<1x1x16xf32>,
        %add3A_746 = arith.constant 3 : i32
        %add3A_747 = arith.addi %mul3A_387, %add3A_746 : i32
        %get3A_748 = arith.constant 3 : i32
        %get3A_749 = arith.index_cast %get3A_748 : i32 to index
        %get3A_750 = arith.index_cast %add3A_747 : i32 to index
        %get3A_751 = arith.constant 48 : index
        %get3A_752 = tpu.vector_load %arg7[%get3A_749, %get3A_750, %get3A_751] {strides = array<i32>} : memref<4x200x64xf32, #tpu.memory_space<vmem>>, vector<1x1x16xf32>,
        %get3A_753 = vector.shape_cast %get3A_752 : vector<1x1x16xf32> to vector<16xf32>
        %add3A_754 = arith.constant 3 : i32
        %add3A_755 = arith.addi %mul3A_387, %add3A_754 : i32
        %get3A_756 = arith.index_cast %add3A_755 : i32 to index
        %get3A_757 = arith.constant 48 : index
        %get3A_758 = tpu.vector_load %arg8[%get3A_756, %get3A_757] {strides = array<i32>} : memref<200x64xf32, #tpu.memory_space<vmem>>, vector<1x16xf32>,
        %get3A_759 = vector.shape_cast %get3A_758 : vector<1x16xf32> to vector<16xf32>
        %add3A_760 = arith.addf %get3A_753, %get3A_759 : vector<16xf32>
        %add3A_761 = arith.constant 3 : i32
        %add3A_762 = arith.addi %mul3A_387, %add3A_761 : i32
        %swap3A_763 = arith.constant 3 : i32
        %swap3A_764 = arith.index_cast %swap3A_763 : i32 to index
        %swap3A_765 = arith.index_cast %add3A_762 : i32 to index
        %swap3A_766 = arith.constant 48 : index
        %swap3A_767 = tpu.vector_load %arg7[%swap3A_764, %swap3A_765, %swap3A_766] {strides = array<i32>} : memref<4x200x64xf32, #tpu.memory_space<vmem>>, vector<1x1x16xf32>,
        %swap3A_768 = vector.shape_cast %swap3A_767 : vector<1x1x16xf32> to vector<16xf32>
        %swap3A_769 = vector.shape_cast %add3A_760 : vector<16xf32> to vector<1x1x16xf32>
        tpu.vector_store %arg7[%swap3A_764, %swap3A_765, %swap3A_766], %swap3A_769 {strides = array<i32>} : memref<4x200x64xf32, #tpu.memory_space<vmem>>, vector<1x1x16xf32>,
      }
      %scan3A_358 = arith.constant 50 : i32
      %ge3A_359 = arith.constant 4 : i32
      %ge3A_360 = arith.cmpi sge, %sub3A_337, %ge3A_359 : i32
      %lt3A_361 = arith.constant 128 : i32
      %lt3A_362 = arith.cmpi slt, %sub3A_337, %lt3A_361 : i32
      %and3A_363 = arith.andi %ge3A_360, %lt3A_362 : i1
      %convert_element_type3A_364 = arith.extui %and3A_363 : i1 to i32
      %cond3A_365 = arith.constant 0 : i32
      %cond3A_366 = arith.cmpi ne, %convert_element_type3A_364, %cond3A_365 : i32
      scf.if %cond3A_366 {
        %dma_wait3A_385 = arith.constant 2 : i32
        %dma_wait3A_386 = arith.constant 0 : i32
        %dma_wait3A_387 = arith.constant 0 : i32
        %dma_wait3A_388 = tpu.memref_slice %arg7[%dma_wait3A_385, %dma_wait3A_386, %dma_wait3A_387] : memref<4x200x64xf32, #tpu.memory_space<vmem>> -> memref<1x200x64xf32, #tpu.memory_space<vmem>>
        %dma_wait3A_389 = tpu.memref_squeeze %dma_wait3A_388 : memref<1x200x64xf32, #tpu.memory_space<vmem>> -> memref<200x64xf32, #tpu.memory_space<vmem>>
        %dma_wait3A_390 = arith.constant 0 : i32
        %dma_wait3A_391 = arith.constant 0 : i32
        %dma_wait3A_392 = tpu.memref_slice %arg5[%mul3A_2, %dma_wait3A_390, %dma_wait3A_391] : memref<4096x200x64xf32, #tpu.memory_space<hbm>> -> memref<1x200x64xf32, #tpu.memory_space<hbm>>
        %dma_wait3A_393 = tpu.memref_squeeze %dma_wait3A_392 : memref<1x200x64xf32, #tpu.memory_space<hbm>> -> memref<200x64xf32, #tpu.memory_space<hbm>>
        %dma_wait3A_394 = arith.constant 0 : i32
        %dma_wait3A_395 = arith.constant 0 : i32
        %dma_wait3A_396 = tpu.memref_slice %arg5[%mul3A_2, %dma_wait3A_394, %dma_wait3A_395] : memref<4096x200x64xf32, #tpu.memory_space<hbm>> -> memref<1x200x64xf32, #tpu.memory_space<hbm>>
        %dma_wait3A_397 = tpu.memref_squeeze %dma_wait3A_396 : memref<1x200x64xf32, #tpu.memory_space<hbm>> -> memref<200x64xf32, #tpu.memory_space<hbm>>
        %dma_wait3A_398 = arith.constant 0 : i32
        %dma_wait3A_399 = arith.constant 0 : i32
        %dma_wait3A_400 = tpu.memref_slice %arg7[%dma_wait3A_385, %dma_wait3A_398, %dma_wait3A_399] : memref<4x200x64xf32, #tpu.memory_space<vmem>> -> memref<1x200x64xf32, #tpu.memory_space<vmem>>
        %dma_wait3A_401 = tpu.memref_squeeze %dma_wait3A_400 : memref<1x200x64xf32, #tpu.memory_space<vmem>> -> memref<200x64xf32, #tpu.memory_space<vmem>>
        tpu.wait_dma2 semaphore(%arg15 : memref<!tpu.dma_semaphore, #tpu.memory_space<semaphore_mem>>) src(%dma_wait3A_401 : memref<200x64xf32, #tpu.memory_space<vmem>>) dst(%dma_wait3A_397 : memref<200x64xf32, #tpu.memory_space<hbm>>)
        %dma_start3A_402 = arith.constant 2 : i32
        %dma_start3A_403 = arith.constant 0 : i32
        %dma_start3A_404 = arith.constant 0 : i32
        %dma_start3A_405 = tpu.memref_slice %arg7[%dma_start3A_402, %dma_start3A_403, %dma_start3A_404] : memref<4x200x64xf32, #tpu.memory_space<vmem>> -> memref<1x128x64xf32, #tpu.memory_space<vmem>>
        %dma_start3A_406 = tpu.memref_squeeze %dma_start3A_405 : memref<1x128x64xf32, #tpu.memory_space<vmem>> -> memref<128x64xf32, #tpu.memory_space<vmem>>
        %dma_start3A_407 = arith.constant 0 : i32
        %dma_start3A_408 = tpu.memref_slice %arg6[%sub3A_337, %dma_start3A_407] : memref<128x200xi32, #tpu.memory_space<vmem>> -> memref<1x128xi32, #tpu.memory_space<vmem>>
        %dma_start3A_409 = tpu.memref_squeeze %dma_start3A_408 : memref<1x128xi32, #tpu.memory_space<vmem>> -> memref<128xi32, #tpu.memory_space<vmem>>
        %dma_start3A_410 = arith.constant 0 : i32
        %dma_start3A_411 = arith.constant 0 : i32
        %dma_start3A_412 = tpu.memref_slice %arg3[%dma_start3A_410, %dma_start3A_411] : memref<1000000x64xf32, #tpu.memory_space<hbm>> -> memref<1000000x64xf32, #tpu.memory_space<hbm>>
        tpu.enqueue_indirect_dma source(%dma_start3A_412 : memref<1000000x64xf32, #tpu.memory_space<hbm>>) target(%dma_start3A_406 : memref<128x64xf32, #tpu.memory_space<vmem>>) offsets(%dma_start3A_409 : memref<128xi32, #tpu.memory_space<vmem>>) semaphore(%arg11 : memref<!tpu.dma_semaphore, #tpu.memory_space<semaphore_mem>>)
        %dma_start3A_413 = arith.constant 2 : i32
        %dma_start3A_414 = arith.constant 128 : i32
        %dma_start3A_415 = arith.constant 0 : i32
        %dma_start3A_416 = tpu.memref_slice %arg7[%dma_start3A_413, %dma_start3A_414, %dma_start3A_415] : memref<4x200x64xf32, #tpu.memory_space<vmem>> -> memref<1x72x64xf32, #tpu.memory_space<vmem>>
        %dma_start3A_417 = tpu.memref_squeeze %dma_start3A_416 : memref<1x72x64xf32, #tpu.memory_space<vmem>> -> memref<72x64xf32, #tpu.memory_space<vmem>>
        %dma_start3A_418 = arith.constant 128 : i32
        %dma_start3A_419 = tpu.memref_slice %arg6[%sub3A_337, %dma_start3A_418] : memref<128x200xi32, #tpu.memory_space<vmem>> -> memref<1x72xi32, #tpu.memory_space<vmem>>
        %dma_start3A_420 = tpu.memref_squeeze %dma_start3A_419 : memref<1x72xi32, #tpu.memory_space<vmem>> -> memref<72xi32, #tpu.memory_space<vmem>>
        %dma_start3A_421 = arith.constant 0 : i32
        %dma_start3A_422 = arith.constant 0 : i32
        %dma_start3A_423 = tpu.memref_slice %arg3[%dma_start3A_421, %dma_start3A_422] : memref<1000000x64xf32, #tpu.memory_space<hbm>> -> memref<1000000x64xf32, #tpu.memory_space<hbm>>
        tpu.enqueue_indirect_dma source(%dma_start3A_423 : memref<1000000x64xf32, #tpu.memory_space<hbm>>) target(%dma_start3A_417 : memref<72x64xf32, #tpu.memory_space<vmem>>) offsets(%dma_start3A_420 : memref<72xi32, #tpu.memory_space<vmem>>) semaphore(%arg11 : memref<!tpu.dma_semaphore, #tpu.memory_space<semaphore_mem>>)
      } else {
      }
      %add3A_367 = arith.addi %mul3A_2, %add3A_333 : i32
      %dma_start3A_368 = arith.constant 3 : i32
      %dma_start3A_369 = arith.constant 0 : i32
      %dma_start3A_370 = arith.constant 0 : i32
      %dma_start3A_371 = tpu.memref_slice %arg7[%dma_start3A_368, %dma_start3A_369, %dma_start3A_370] : memref<4x200x64xf32, #tpu.memory_space<vmem>> -> memref<1x200x64xf32, #tpu.memory_space<vmem>>
      %dma_start3A_372 = tpu.memref_squeeze %dma_start3A_371 : memref<1x200x64xf32, #tpu.memory_space<vmem>> -> memref<200x64xf32, #tpu.memory_space<vmem>>
      %dma_start3A_373 = arith.constant 0 : i32
      %dma_start3A_374 = arith.constant 0 : i32
      %dma_start3A_375 = tpu.memref_slice %arg5[%add3A_367, %dma_start3A_373, %dma_start3A_374] : memref<4096x200x64xf32, #tpu.memory_space<hbm>> -> memref<1x200x64xf32, #tpu.memory_space<hbm>>
      %dma_start3A_376 = tpu.memref_squeeze %dma_start3A_375 : memref<1x200x64xf32, #tpu.memory_space<hbm>> -> memref<200x64xf32, #tpu.memory_space<hbm>>
      %dma_start3A_377 = arith.constant 0 : i32
      %dma_start3A_378 = arith.constant 0 : i32
      %dma_start3A_379 = tpu.memref_slice %arg5[%add3A_367, %dma_start3A_377, %dma_start3A_378] : memref<4096x200x64xf32, #tpu.memory_space<hbm>> -> memref<1x200x64xf32, #tpu.memory_space<hbm>>
      %dma_start3A_380 = tpu.memref_squeeze %dma_start3A_379 : memref<1x200x64xf32, #tpu.memory_space<hbm>> -> memref<200x64xf32, #tpu.memory_space<hbm>>
      %dma_start3A_381 = arith.constant 0 : i32
      %dma_start3A_382 = arith.constant 0 : i32
      %dma_start3A_383 = tpu.memref_slice %arg7[%dma_start3A_368, %dma_start3A_381, %dma_start3A_382] : memref<4x200x64xf32, #tpu.memory_space<vmem>> -> memref<1x200x64xf32, #tpu.memory_space<vmem>>
      %dma_start3A_384 = tpu.memref_squeeze %dma_start3A_383 : memref<1x200x64xf32, #tpu.memory_space<vmem>> -> memref<200x64xf32, #tpu.memory_space<vmem>>
      tpu.enqueue_dma source(%dma_start3A_384 : memref<200x64xf32, #tpu.memory_space<vmem>>) target(%dma_start3A_380 : memref<200x64xf32, #tpu.memory_space<hbm>>) target_semaphore(%arg16 : memref<!tpu.dma_semaphore, #tpu.memory_space<semaphore_mem>>)
    }
    %scan3A_102 = arith.constant 32 : i32
    %dma_wait3A = arith.constant 0 : i32
    %dma_wait3A_103 = arith.constant 0 : i32
    %dma_wait3A_104 = arith.constant 0 : i32
    %dma_wait3A_105 = tpu.memref_slice %arg7[%dma_wait3A, %dma_wait3A_103, %dma_wait3A_104] : memref<4x200x64xf32, #tpu.memory_space<vmem>> -> memref<1x200x64xf32, #tpu.memory_space<vmem>>
    %dma_wait3A_106 = tpu.memref_squeeze %dma_wait3A_105 : memref<1x200x64xf32, #tpu.memory_space<vmem>> -> memref<200x64xf32, #tpu.memory_space<vmem>>
    %dma_wait3A_107 = arith.constant 0 : i32
    %dma_wait3A_108 = arith.constant 0 : i32
    %dma_wait3A_109 = tpu.memref_slice %arg5[%mul3A_2, %dma_wait3A_107, %dma_wait3A_108] : memref<4096x200x64xf32, #tpu.memory_space<hbm>> -> memref<1x200x64xf32, #tpu.memory_space<hbm>>
    %dma_wait3A_110 = tpu.memref_squeeze %dma_wait3A_109 : memref<1x200x64xf32, #tpu.memory_space<hbm>> -> memref<200x64xf32, #tpu.memory_space<hbm>>
    %dma_wait3A_111 = arith.constant 0 : i32
    %dma_wait3A_112 = arith.constant 0 : i32
    %dma_wait3A_113 = tpu.memref_slice %arg5[%mul3A_2, %dma_wait3A_111, %dma_wait3A_112] : memref<4096x200x64xf32, #tpu.memory_space<hbm>> -> memref<1x200x64xf32, #tpu.memory_space<hbm>>
    %dma_wait3A_114 = tpu.memref_squeeze %dma_wait3A_113 : memref<1x200x64xf32, #tpu.memory_space<hbm>> -> memref<200x64xf32, #tpu.memory_space<hbm>>
    %dma_wait3A_115 = arith.constant 0 : i32
    %dma_wait3A_116 = arith.constant 0 : i32
    %dma_wait3A_117 = tpu.memref_slice %arg7[%dma_wait3A, %dma_wait3A_115, %dma_wait3A_116] : memref<4x200x64xf32, #tpu.memory_space<vmem>> -> memref<1x200x64xf32, #tpu.memory_space<vmem>>
    %dma_wait3A_118 = tpu.memref_squeeze %dma_wait3A_117 : memref<1x200x64xf32, #tpu.memory_space<vmem>> -> memref<200x64xf32, #tpu.memory_space<vmem>>
    tpu.wait_dma2 semaphore(%arg13 : memref<!tpu.dma_semaphore, #tpu.memory_space<semaphore_mem>>) src(%dma_wait3A_118 : memref<200x64xf32, #tpu.memory_space<vmem>>) dst(%dma_wait3A_114 : memref<200x64xf32, #tpu.memory_space<hbm>>)
    %dma_wait3A_119 = arith.constant 1 : i32
    %dma_wait3A_120 = arith.constant 0 : i32
    %dma_wait3A_121 = arith.constant 0 : i32
    %dma_wait3A_122 = tpu.memref_slice %arg7[%dma_wait3A_119, %dma_wait3A_120, %dma_wait3A_121] : memref<4x200x64xf32, #tpu.memory_space<vmem>> -> memref<1x200x64xf32, #tpu.memory_space<vmem>>
    %dma_wait3A_123 = tpu.memref_squeeze %dma_wait3A_122 : memref<1x200x64xf32, #tpu.memory_space<vmem>> -> memref<200x64xf32, #tpu.memory_space<vmem>>
    %dma_wait3A_124 = arith.constant 0 : i32
    %dma_wait3A_125 = arith.constant 0 : i32
    %dma_wait3A_126 = tpu.memref_slice %arg5[%mul3A_2, %dma_wait3A_124, %dma_wait3A_125] : memref<4096x200x64xf32, #tpu.memory_space<hbm>> -> memref<1x200x64xf32, #tpu.memory_space<hbm>>
    %dma_wait3A_127 = tpu.memref_squeeze %dma_wait3A_126 : memref<1x200x64xf32, #tpu.memory_space<hbm>> -> memref<200x64xf32, #tpu.memory_space<hbm>>
    %dma_wait3A_128 = arith.constant 0 : i32
    %dma_wait3A_129 = arith.constant 0 : i32
    %dma_wait3A_130 = tpu.memref_slice %arg5[%mul3A_2, %dma_wait3A_128, %dma_wait3A_129] : memref<4096x200x64xf32, #tpu.memory_space<hbm>> -> memref<1x200x64xf32, #tpu.memory_space<hbm>>
    %dma_wait3A_131 = tpu.memref_squeeze %dma_wait3A_130 : memref<1x200x64xf32, #tpu.memory_space<hbm>> -> memref<200x64xf32, #tpu.memory_space<hbm>>
    %dma_wait3A_132 = arith.constant 0 : i32
    %dma_wait3A_133 = arith.constant 0 : i32
    %dma_wait3A_134 = tpu.memref_slice %arg7[%dma_wait3A_119, %dma_wait3A_132, %dma_wait3A_133] : memref<4x200x64xf32, #tpu.memory_space<vmem>> -> memref<1x200x64xf32, #tpu.memory_space<vmem>>
    %dma_wait3A_135 = tpu.memref_squeeze %dma_wait3A_134 : memref<1x200x64xf32, #tpu.memory_space<vmem>> -> memref<200x64xf32, #tpu.memory_space<vmem>>
    tpu.wait_dma2 semaphore(%arg14 : memref<!tpu.dma_semaphore, #tpu.memory_space<semaphore_mem>>) src(%dma_wait3A_135 : memref<200x64xf32, #tpu.memory_space<vmem>>) dst(%dma_wait3A_131 : memref<200x64xf32, #tpu.memory_space<hbm>>)
    %dma_wait3A_136 = arith.constant 2 : i32
    %dma_wait3A_137 = arith.constant 0 : i32
    %dma_wait3A_138 = arith.constant 0 : i32
    %dma_wait3A_139 = tpu.memref_slice %arg7[%dma_wait3A_136, %dma_wait3A_137, %dma_wait3A_138] : memref<4x200x64xf32, #tpu.memory_space<vmem>> -> memref<1x200x64xf32, #tpu.memory_space<vmem>>
    %dma_wait3A_140 = tpu.memref_squeeze %dma_wait3A_139 : memref<1x200x64xf32, #tpu.memory_space<vmem>> -> memref<200x64xf32, #tpu.memory_space<vmem>>
    %dma_wait3A_141 = arith.constant 0 : i32
    %dma_wait3A_142 = arith.constant 0 : i32
    %dma_wait3A_143 = tpu.memref_slice %arg5[%mul3A_2, %dma_wait3A_141, %dma_wait3A_142] : memref<4096x200x64xf32, #tpu.memory_space<hbm>> -> memref<1x200x64xf32, #tpu.memory_space<hbm>>
    %dma_wait3A_144 = tpu.memref_squeeze %dma_wait3A_143 : memref<1x200x64xf32, #tpu.memory_space<hbm>> -> memref<200x64xf32, #tpu.memory_space<hbm>>
    %dma_wait3A_145 = arith.constant 0 : i32
    %dma_wait3A_146 = arith.constant 0 : i32
    %dma_wait3A_147 = tpu.memref_slice %arg5[%mul3A_2, %dma_wait3A_145, %dma_wait3A_146] : memref<4096x200x64xf32, #tpu.memory_space<hbm>> -> memref<1x200x64xf32, #tpu.memory_space<hbm>>
    %dma_wait3A_148 = tpu.memref_squeeze %dma_wait3A_147 : memref<1x200x64xf32, #tpu.memory_space<hbm>> -> memref<200x64xf32, #tpu.memory_space<hbm>>
    %dma_wait3A_149 = arith.constant 0 : i32
    %dma_wait3A_150 = arith.constant 0 : i32
    %dma_wait3A_151 = tpu.memref_slice %arg7[%dma_wait3A_136, %dma_wait3A_149, %dma_wait3A_150] : memref<4x200x64xf32, #tpu.memory_space<vmem>> -> memref<1x200x64xf32, #tpu.memory_space<vmem>>
    %dma_wait3A_152 = tpu.memref_squeeze %dma_wait3A_151 : memref<1x200x64xf32, #tpu.memory_space<vmem>> -> memref<200x64xf32, #tpu.memory_space<vmem>>
    tpu.wait_dma2 semaphore(%arg15 : memref<!tpu.dma_semaphore, #tpu.memory_space<semaphore_mem>>) src(%dma_wait3A_152 : memref<200x64xf32, #tpu.memory_space<vmem>>) dst(%dma_wait3A_148 : memref<200x64xf32, #tpu.memory_space<hbm>>)
    %dma_wait3A_153 = arith.constant 3 : i32
    %dma_wait3A_154 = arith.constant 0 : i32
    %dma_wait3A_155 = arith.constant 0 : i32
    %dma_wait3A_156 = tpu.memref_slice %arg7[%dma_wait3A_153, %dma_wait3A_154, %dma_wait3A_155] : memref<4x200x64xf32, #tpu.memory_space<vmem>> -> memref<1x200x64xf32, #tpu.memory_space<vmem>>
    %dma_wait3A_157 = tpu.memref_squeeze %dma_wait3A_156 : memref<1x200x64xf32, #tpu.memory_space<vmem>> -> memref<200x64xf32, #tpu.memory_space<vmem>>
    %dma_wait3A_158 = arith.constant 0 : i32
    %dma_wait3A_159 = arith.constant 0 : i32
    %dma_wait3A_160 = tpu.memref_slice %arg5[%mul3A_2, %dma_wait3A_158, %dma_wait3A_159] : memref<4096x200x64xf32, #tpu.memory_space<hbm>> -> memref<1x200x64xf32, #tpu.memory_space<hbm>>
    %dma_wait3A_161 = tpu.memref_squeeze %dma_wait3A_160 : memref<1x200x64xf32, #tpu.memory_space<hbm>> -> memref<200x64xf32, #tpu.memory_space<hbm>>
    %dma_wait3A_162 = arith.constant 0 : i32
    %dma_wait3A_163 = arith.constant 0 : i32
    %dma_wait3A_164 = tpu.memref_slice %arg5[%mul3A_2, %dma_wait3A_162, %dma_wait3A_163] : memref<4096x200x64xf32, #tpu.memory_space<hbm>> -> memref<1x200x64xf32, #tpu.memory_space<hbm>>
    %dma_wait3A_165 = tpu.memref_squeeze %dma_wait3A_164 : memref<1x200x64xf32, #tpu.memory_space<hbm>> -> memref<200x64xf32, #tpu.memory_space<hbm>>
    %dma_wait3A_166 = arith.constant 0 : i32
    %dma_wait3A_167 = arith.constant 0 : i32
    %dma_wait3A_168 = tpu.memref_slice %arg7[%dma_wait3A_153, %dma_wait3A_166, %dma_wait3A_167] : memref<4x200x64xf32, #tpu.memory_space<vmem>> -> memref<1x200x64xf32, #tpu.memory_space<vmem>>
    %dma_wait3A_169 = tpu.memref_squeeze %dma_wait3A_168 : memref<1x200x64xf32, #tpu.memory_space<vmem>> -> memref<200x64xf32, #tpu.memory_space<vmem>>
    tpu.wait_dma2 semaphore(%arg16 : memref<!tpu.dma_semaphore, #tpu.memory_space<semaphore_mem>>) src(%dma_wait3A_169 : memref<200x64xf32, #tpu.memory_space<vmem>>) dst(%dma_wait3A_165 : memref<200x64xf32, #tpu.memory_space<hbm>>)
    return
  }
}

</mosaic_0001>

<sc_bundles>
// kernel: kernel.3.cloned.1.call-start
scs
__scs_entry_jumppad:
0x0: {  	(pc) =	sbr.rel $0x88, $3  }
0x1: {  	(tag) =	ssettag $0x0;
	lr =	simm.s32 $0x1  }
0x2: {  	[smem:$0x3F9F] =	sst lr;
	_ =	strace $0xD0000000  }
0x3: {  	_ = 	snop  }
0x4: {  	_ = 	snop  }
0x5: {  	_ = 	snop  }
0x6: {  	_ = 	snop  }
0x7: {  	_ = 	snop  }
__scs_overlays_trampoline_lowered:
0x8: {  	[smem:$0x3FAE] =	sst s0  }
0x9: {  	[smem:$0x3FAF] =	sst s1  }
0xa: {  	[smem:$0x3FB0] =	sst s2  }
0xb: {  	[smem:$0x3FB1] =	sst s3  }
0xc: {  	[smem:$0x3FB2] =	sst s4  }
0xd: {  	[smem:$0x3FB3] =	sst s5  }
0xe: {  	[smem:$0x3FB4] =	sst s6  }
0xf: {  	[smem:$0x3FB5] =	sst s7  }
0x10: {  	[smem:$0x3FB6] =	sst s8  }
0x11: {  	[smem:$0x3FB7] =	sst s9;
	s0 =	simm.s32 @!p0 $0x0  }
0x12: {  	s1 =	sld [smem:$0x3F9D];
	s0 =	simm.s32 @p0 $0x1  }
0x13: {  	[smem:$0x3FB8] =	sst s0;
	s0 =	simm.s32 @!p1 $0x0  }
0x14: {  	s2 =	sld [smem:$0x3F9C];
	s0 =	simm.s32 @p1 $0x1  }
0x15: {  	[smem:$0x3FB9] =	sst s0;
	s0 =	simm.s32 @!p2 $0x0  }
0x16: {  	s3 =	sld [smem:$0x3FDB];
	s0 =	simm.s32 @p2 $0x1  }
0x17: {  	s4 =	simm.s32 $0x1BF5;
	[smem:$0x3FBB] =	sst s0  }
0x18: {  	s0 =	sld [smem:$0x3F9E];
	_ =	swait.ge [sflag:s4], $0x0  }
0x19: {  	s7 =	sld [smem:$0x3F9F]  }
0x1a: {  	s8 =	sadd.s32 $0xFFFFE003, lr  }
0x1b: {  	s9 =	sadd.s32 $0xFFFFFEF7, lr;
	s5 =	simm.s32 $0xFFFFFFFF;
	p2 =	slt.u32 s8, $0xFFFFF086  }
0x1c: {  	p1 =	slt.u32 s9, $0xF7A;
	s5 =	simm.s32 @!p2 $0x0  }
0x1d: {  	s5 =	simm.s32 @p1 $0x1;
	p0 =	seq.s32 s7, s2  }
0x1e: {  	s7 =	smul.u32 @!p0 $0xF7A, s2;
	p2 =	seq.s32 @!p0 s5, $0x0  }
0x1f: {  	s9 =	smul.u32 $0xF7A, s1;
	s8 =	simm.s32 @!p0 $0x1BF5;
	p2 =	por !p2, p0  }
0x20: {  	[sflag:s8] =	ssyncset.s32 @!p0 $0xFFFFF086;
	s6 =	sadd.s32 @!p0 s3, s7;
	s7 =	simm.s32 @!p0 $0x108  }
0x21: {  	s3 =	sadd.s32 s3, s9;
	s6 =	sadd.s32 @!p0 $0x88, s6;
	s7 =	simm.s32 @p2 $0x1082  }
0x22: {  	[simem:s7], [sflag:s8] =	dma.local @!p0 [hbm:s6], $0xF7A  }
0x23: {  	s9 =	sor.u32 $0xD0000000, s2;
	s6 =	simm.s32 $0x108;
	_ =	swait.ge @!p0 [sflag:s8], $0x0  }
0x24: {  	s3 =	sadd.s32 $0x88, s3;
	s6 =	simm.s32 @!p1 $0x1082;
	[sflag:s4] =	ssyncset.s32 $0xFFFFF086  }
0x25: {  	[simem:s6], [sflag:s4] =	dma.local [hbm:s3], $0xF7A  }
0x26: {  	[smem:$0x3F9F] =	sst s1;
	(tag) =	ssettag s2;
	_ =	strace s9  }
0x27: {  	s1 =	sld [smem:$0x3FAF]  }
0x28: {  	s2 =	sld [smem:$0x3FB0]  }
0x29: {  	s4 =	sld [smem:$0x3FB2]  }
0x2a: {  	p0 =	seq.s32 s5, $0x0;
	s5 =	sld [smem:$0x3FB3]  }
0x2b: {  	s6 =	sld [smem:$0x3FB4]  }
0x2c: {  	s7 =	sld [smem:$0x3FB5]  }
0x2d: {  	s3 =	simm.s32 $0x108;
	s8 =	sld [smem:$0x3FB6]  }
0x2e: {  	s3 =	simm.s32 @!p0 $0x1082;
	s9 =	sld [smem:$0x3FB7]  }
0x2f: {  	lr =	sadd.s32 s0, s3;
	s0 =	sld [smem:$0x3FAE]  }
0x30: {  	s3 =	sld [smem:$0x3FB1]  }
0x31: {  	[smem:$0x3FBA] =	sst s10  }
0x32: {  	s10 =	sld [smem:$0x3FB8];
	_ =	sdelay $0x3  }
0x33: {  	p0 =	seq.s32 s10, $0x1;
	s10 =	sld [smem:$0x3FBA];
	_ =	sdelay $0x3  }
0x34: {  	[smem:$0x3FBA] =	sst s10  }
0x35: {  	s10 =	sld [smem:$0x3FB9];
	_ =	sdelay $0x3  }
0x36: {  	p1 =	seq.s32 s10, $0x1;
	s10 =	sld [smem:$0x3FBA];
	_ =	sdelay $0x3  }
0x37: {  	[smem:$0x3FBA] =	sst s10  }
0x38: {  	s10 =	sld [smem:$0x3FBB]  }
0x39: {  	_ = 	snop;
	(pc) =	sbr.ind lr, $3  }
0x3a: {  	_ = 	snop  }
0x3b: {  	_ = 	snop  }
0x3c: {  	p2 =	seq.s32 s10, $0x1;
	s10 =	sld [smem:$0x3FBA]  }
0x3d: {  	_ =	shalt  }
0x3e: {  	_ =	shalt  }
0x3f: {  	_ =	shalt  }
0x40: {  	_ =	shalt  }
0x41: {  	_ =	shalt  }
0x42: {  	_ =	shalt  }
0x43: {  	_ =	shalt  }
0x44: {  	_ =	shalt  }
0x45: {  	_ =	shalt  }
0x46: {  	_ =	shalt  }
0x47: {  	_ =	shalt  }
0x48: {  	_ =	shalt  }
0x49: {  	_ =	shalt  }
0x4a: {  	_ =	shalt  }
0x4b: {  	_ =	shalt  }
0x4c: {  	_ =	shalt  }
0x4d: {  	_ =	shalt  }
0x4e: {  	_ =	shalt  }
0x4f: {  	_ =	shalt  }
0x50: {  	_ =	shalt  }
0x51: {  	_ =	shalt  }
0x52: {  	_ =	shalt  }
0x53: {  	_ =	shalt  }
0x54: {  	_ =	shalt  }
0x55: {  	_ =	shalt  }
0x56: {  	_ =	shalt  }
0x57: {  	_ =	shalt  }
0x58: {  	_ =	shalt  }
0x59: {  	_ =	shalt  }
0x5a: {  	_ =	shalt  }
0x5b: {  	_ =	shalt  }
0x5c: {  	_ =	shalt  }
0x5d: {  	_ =	shalt  }
0x5e: {  	_ =	shalt  }
0x5f: {  	_ =	shalt  }
0x60: {  	_ =	shalt  }
0x61: {  	_ =	shalt  }
0x62: {  	_ =	shalt  }
0x63: {  	_ =	shalt  }
0x64: {  	_ =	shalt  }
0x65: {  	_ =	shalt  }
0x66: {  	_ =	shalt  }
0x67: {  	_ =	shalt  }
0x68: {  	_ =	shalt  }
0x69: {  	_ =	shalt  }
0x6a: {  	_ =	shalt  }
0x6b: {  	_ =	shalt  }
0x6c: {  	_ =	shalt  }
0x6d: {  	_ =	shalt  }
0x6e: {  	_ =	shalt  }
0x6f: {  	_ =	shalt  }
0x70: {  	_ =	shalt  }
0x71: {  	_ =	shalt  }
0x72: {  	_ =	shalt  }
0x73: {  	_ =	shalt  }
0x74: {  	_ =	shalt  }
0x75: {  	_ =	shalt  }
0x76: {  	_ =	shalt  }
0x77: {  	_ =	shalt  }
0x78: {  	_ =	shalt  }
0x79: {  	_ =	shalt  }
0x7a: {  	_ =	shalt  }
0x7b: {  	_ =	shalt  }
0x7c: {  	_ =	shalt  }
0x7d: {  	_ =	shalt  }
0x7e: {  	_ =	shalt  }
0x7f: {  	_ =	shalt  }
0x80: {  	_ =	shalt  }
0x81: {  	_ =	shalt  }
0x82: {  	_ =	shalt  }
0x83: {  	_ =	shalt  }
0x84: {  	_ =	shalt  }
0x85: {  	_ =	shalt  }
0x86: {  	_ =	shalt  }
0x87: {  	_ =	shalt  }
.Lfunc_end0:
.L_simem_size_0:
called_computation.1_lowered:
.L_overlay_start_0:
0x88: {  	s2 =	sld [smem:$0x3FD9]  }
0x89: {  	s3 =	sld [smem:$0x3FFE];
	_ =	sdelay $0x1  }
0x8a: {  	s1 =	srdreg.scid  }
0x8b: {  	s0 =	sand.u32 $0x1, s1  }
0x8c: {  	s17 =	sshll.u32 s0, $0xA;
	s2 =	sadd.s32 s3, s2  }
0x8d: {  	s2 =	sadd.s32 s2, s17  }
0x8e: {  	[smem:$0x3FC6] =	sst s2  }
0x8f: {  	_ = 	snop  }
0x90: {  	s2 =	sld [smem:$0x3FD0];
	(tm) =	ssettm $0x1  }
0x91: {  	s18 =	sld [smem:$0x3FFB];
	_ =	sdelay $0x3  }
0x92: {  	_ =	strace s18  }
0x93: {  	s3 =	sld [smem:$0x3FFC];
	_ =	sdelay $0x3  }
0x94: {  	_ =	strace s3  }
0x95: {  	s3 =	sld [smem:$0x3FFD];
	_ =	sdelay $0x3  }
0x96: {  	_ =	strace s3  }
0x97: {  	_ =	strace $0x8FFFFFFF  }
0x98: {  	s19 =	sld [smem:$0x3FDB];
	_ =	sdelay $0x1  }
0x99: {  	s4 =	simm.s32 $_scs_section_size  }
0x9a: {  	s5 =	simm.s32 $_size__tile_overlayer_lowered;
	s6 =	simm.s32 $_tile_overlayer_lowered  }
0x9b: {  	s22 =	simm.s32 $0x1BFF;
	s21 =	sshll.u32 s6, $0x1;
	s3 =	sadd.s32 s4, s19  }
0x9c: {  	s7 =	simm.s32 $0x0;
	s20 =	sshll.u32 s5, $0x1;
	s5 =	sadd.s32 s21, s3  }
0x9d: {  	[timem:s7], [sflag:s22] =	dma.local [hbm:s5], s20  }
0x9e: {  	_ =	swait.ge [sflag:s22], s20  }
0x9f: {  	s4 =	ssub.s32 $0x0, s20;
	[sflag:s22] =	ssyncset.done $0x0  }
0xa0: {  	[sflag:s22] =	ssyncadd.s32 s4;
	_ =	sdelay $0x1  }
0xa1: {  	s23 =	simm.s32 $0x1B8B  }
0xa2: {  	_ =	swait.ge [sflag:s23], $0x1  }
0xa3: {  	[sflag:s23] =	ssyncset.done $0x0  }
0xa4: {  	s25 =	simm.s32 $0x1B8E;
	s24 =	sld [smem:$0x3FFE];
	[sflag:s23] =	ssyncadd.s32 $0xFFFFFFFF  }
0xa5: {  	s26 =	simm.s32 $execute0_lowered;
	[smem:$0x3FD2] =	sst s25  }
0xa6: {  	s5 =	sshll.u32 s26, $0x1;
	_ =	strace $0x80000046;
	[dreg:$0x1] =	wrdreg $0xFFFFFFFF  }
0xa7: {  	s28 =	simm.s32 $_size_execute0_lowered;
	s3 =	sadd.s32 s3, s5;
	[dreg:$0x0] =	wrdreg $0x0  }
0xa8: {  	s5 =	sshll.u32 s28, $0x1;
	[dreg:$0x2] =	wrdreg s3  }
0xa9: {  	[dreg:$0x3] =	wrdreg s5  }
0xaa: {  	[dreg:$0x4] =	wrdreg $0xC0  }
0xab: {  	_ =	task [dreg:s7], $0x5FFFF  }
0xac: {  	[dreg:$0x1] =	wrdreg $0xFFFFFFFF  }
0xad: {  	[dreg:$0x0] =	wrdreg $0x60  }
0xae: {  	[dreg:$0x2] =	wrdreg s24  }
0xaf: {  	[dreg:$0x3] =	wrdreg s2  }
0xb0: {  	[dreg:$0x4] =	wrdreg $0x9  }
0xb1: {  	_ =	task.clear_ibuf [dreg:s7], $0x5FFFF;
	_ =	strace $0x90000046  }
0xb2: {  	s29 =	simm.s32 $0x9;
	_ =	strace $0x80000048  }
0xb3: {  	_ =	swait.ge [sflag:s29], $0x1  }
0xb4: {  	[sflag:s29] =	ssyncadd.s32 $0xFFFFFFFF  }
0xb5: {  	_ =	strace $0x90000048  }
0xb6: {  	_ =	sfence  }
0xb7: {  	s30 =	sld [smem:$0x0];
	_ =	sdelay $0x2  }
0xb8: {  	s31 =	sshll.u32 s1, $0xD;
	s1 =	sshrl.u32 s1, $0x2  }
0xb9: {  	s3 =	sand.u32 $0x4000, s31;
	s1 =	sadd.s32 s1, s30  }
0xba: {  	s0 =	sor.u32 s3, s0;
	s1 =	sshll.u32 s1, $0x11  }
0xbb: {  	s0 =	sor.u32 s1, s0  }
0xbc: {  	s0 =	sadd.s32 $0x8F2B, s0  }
0xbd: {  	[sflag:s0] =	ssyncadd.remote.s32 $0x1  }
0xbe: {  	_ =	sfence.sel $0xFFFF  }
0xbf: {  	[dreg:$0x0] =	wrdreg $0xFFFFFFFF;
	(pc) =	sbr.abs _section_cstart, $3  }
0xc0: {  	[dreg:$0x1] =	wrdreg $0xFFFFFFFF  }
0xc1: {  	_ =	task.clear_ibuf [dreg:s7], $0x2FFFF;
	_ =	strace $0x9FFFFFFF  }
0xc2: {  	(tm) =	ssettm $0x7FFFFFFF  }
0xc3: {  	_ =	shalt  }
tec
execute0_lowered:
.L_overlay_start_1:
0x0: {  	(tag) =	ssettag $0x1  }
0x1: {  	s0 =	srdreg.scid  }
0x2: {  	s1 =	rddreg [dreg:$0x0];
	s3 =	stileid.u32  }
0x3: {  	s2 =	rddreg [dreg:$0x1];
	s10 =	simm.s32 $0x9;
	s11 =	simm.s32 $0x80  }
0x4: {  	s12 =	simm.s32 $0x6400;
	s13 =	simm.s32 $0x48;
	s16 =	simm.s32 $0x9600  }
0x5: {  	s20 =	simm.s32 $0xC800;
	s24 =	simm.s32 $0xFA00;
	s28 =	simm.s32 $0x1  }
0x6: {  	s29 =	simm.s32 $0x2;
	s30 =	simm.s32 $0x3;
	s31 =	simm.s32 $0x4  }
0x7: {  	s9 =	simm.s32 $0x7;
	s14 =	simm.s32 $0x8;
	s0 =	sand.u32 $0x1, s0  }
0x8: {  	s15 =	simm.s32 $0x0;
	s4 =	sshll.u32 s3, $0x8;
	s5 =	sshll.u32 s0, $0x7  }
0x9: {  	s3 =	simm.s32 $0x0;
	s0 =	ssub.s32 $0x2, s0;
	s4 =	sor.u32 s5, s4  }
0xa: {  	[smem:$0x7FF] =	sst s3;
	s6 =	sshrl.u32 s0, $0x1;
	s5 =	smul.u32 $0x19, s4  }
0xb: {  	_ =	strace $0x80000047;
	s0 =	ssub.s32 s0, s6;
	s6 =	sadd.s32 $0x400, s1  }
0xc: {  	s8 =	smax.u32 s0, $0x1;
	s0 =	simm.s32 $0x6;
	s7 =	sadd.s32 s5, s1  }
0xd: {  	s5 =	sadd.s32 $0xF43000, s1;
	s1 =	simm.s32 $0x5;
	s7 =	sadd.s32 $0xC00, s7  }
.LBB2_1:
0xe: {  	s17 =	simm.s32 $0x12C00  }
0xf: {  	[tilespmem:s17], [sflag:$0x9] =	stream.linear.gather [hbm4b:s6+s3], $0x3200, $0x38;
	[tilespmem:$0x15E00] =	vst v63  }
0x10: {  	_ =	swait.ge [sflag:s10], $0x3200  }
0x11: {  	[sflag:s10] =	ssyncset.done $0x0  }
0x12: {  	[sflag:s10] =	ssyncadd.s32 $0xFFFFCE00  }
0x13: {  	[tilespmem:s3], [sflag:$0x9] =	stream.linear.gather [hbm4b:s7+s3], $0x6400, $0x38;
	[tilespmem:$0x15E00] =	vst v63  }
0x14: {  	_ =	swait.ge [sflag:s10], $0x6400  }
0x15: {  	[sflag:s10] =	ssyncset.done $0x0  }
0x16: {  	[sflag:s10] =	ssyncadd.s32 $0xFFFF9C00  }
0x17: {  	[tilespmem:s12], [sflag:$0x1] =	stream.indirect.gather [hbm4b:s5+s11], $0x40, s3, s11, $0xb8;
	[tilespmem:$0x15E00] =	vst v63  }
0x18: {  	s23 =	simm.s32 $0x8400  }
0x19: {  	[tilespmem:s23], [sflag:$0x1] =	stream.indirect.gather [hbm4b:s5+s13], $0x40, s11, s13, $0xb8;
	[tilespmem:$0x15E00] =	vst v63  }
0x1a: {  	s25 =	simm.s32 $0xC8  }
0x1b: {  	[tilespmem:s16], [sflag:$0x2] =	stream.indirect.gather [hbm4b:s5+s11], $0x40, s25, s11, $0xb8;
	[tilespmem:$0x15E00] =	vst v63  }
0x1c: {  	s26 =	simm.s32 $0x148;
	s18 =	simm.s32 $0xB600  }
0x1d: {  	[tilespmem:s18], [sflag:$0x2] =	stream.indirect.gather [hbm4b:s5+s13], $0x40, s26, s13, $0xb8;
	[tilespmem:$0x15E00] =	vst v63  }
0x1e: {  	s19 =	simm.s32 $0x190  }
0x1f: {  	[tilespmem:s20], [sflag:$0x3] =	stream.indirect.gather [hbm4b:s5+s11], $0x40, s19, s11, $0xb8;
	[tilespmem:$0x15E00] =	vst v63  }
0x20: {  	s21 =	simm.s32 $0x210;
	s22 =	simm.s32 $0xE800  }
0x21: {  	[tilespmem:s22], [sflag:$0x3] =	stream.indirect.gather [hbm4b:s5+s13], $0x40, s21, s13, $0xb8;
	[tilespmem:$0x15E00] =	vst v63  }
0x22: {  	s23 =	simm.s32 $0x258  }
0x23: {  	[tilespmem:s24], [sflag:$0x4] =	stream.indirect.gather [hbm4b:s5+s11], $0x40, s23, s11, $0xb8;
	[tilespmem:$0x15E00] =	vst v63  }
0x24: {  	s17 =	simm.s32 $0x0;
	s25 =	simm.s32 $0x2D8;
	s26 =	simm.s32 $0x11A00  }
0x25: {  	[tilespmem:s26], [sflag:$0x4] =	stream.indirect.gather [hbm4b:s5+s13], $0x40, s25, s13, $0xb8;
	[tilespmem:$0x15E00] =	vst v63  }
.LBB2_2:
0x26: {  	_ =	swait.ge [sflag:s28], $0x3200  }
0x27: {  	[sflag:s28] =	ssyncset.done $0x0  }
0x28: {  	s18 =	simm.s32 $0x0;
	[sflag:s28] =	ssyncadd.s32 $0xFFFFCE00  }
0x29: {  	v6 =	vld [tilespmem:s18+$0x12C00]  }
0x2a: {  	v7 =	vld [tilespmem:s18+$0x12C10]  }
0x2b: {  	v8 =	vld [tilespmem:s18+$0x12C20]  }
0x2c: {  	v9 =	vld [tilespmem:s18+$0x12C30]  }
0x2d: {  	v10 =	vld [tilespmem:s18+$0x12C40]  }
0x2e: {  	v11 =	vld [tilespmem:s18+$0x12C50]  }
0x2f: {  	v12 =	vld [tilespmem:s18+$0x12C60]  }
0x30: {  	v13 =	vld [tilespmem:s18+$0x12C70]  }
0x31: {  	v14 =	vld [tilespmem:s18+$0x12C80]  }
0x32: {  	v15 =	vld [tilespmem:s18+$0x12C90]  }
0x33: {  	v5 =	vld [tilespmem:s18+$0x12CA0]  }
0x34: {  	v4 =	vld [tilespmem:s18+$0x12CB0]  }
0x35: {  	v3 =	vld [tilespmem:s18+$0x12CC0]  }
0x36: {  	v2 =	vld [tilespmem:s18+$0x12CD0]  }
0x37: {  	v1 =	vld [tilespmem:s18+$0x12CE0]  }
0x38: {  	v0 =	vld [tilespmem:s18+$0x12CF0]  }
0x39: {  	v16 =	vld [tilespmem:s18+$0x6400]  }
0x3a: {  	v17 =	vld [tilespmem:s18+$0x6410]  }
0x3b: {  	v18 =	vld [tilespmem:s18+$0x6420]  }
0x3c: {  	v19 =	vld [tilespmem:s18+$0x6430]  }
0x3d: {  	v20 =	vld [tilespmem:s18+$0x6440]  }
0x3e: {  	v60 =	vld [tilespmem:s18+$0x6450];
	v6 =	vadd.f32 v6, v16  }
0x3f: {  	v21 =	vld [tilespmem:s18+$0x6460];
	v7 =	vadd.f32 v7, v17  }
0x40: {  	v61 =	vld [tilespmem:s18+$0x6470];
	[tilespmem:s18+$0x6400] =	vst v6;
	v6 =	vadd.f32 v8, v18  }
0x41: {  	v62 =	vld [tilespmem:s18+$0x6480];
	[tilespmem:s18+$0x6410] =	vst v7;
	v7 =	vadd.f32 v9, v19  }
0x42: {  	v63 =	vld [tilespmem:s18+$0x6490];
	[tilespmem:s18+$0x6420] =	vst v6;
	v6 =	vadd.f32 v10, v20  }
0x43: {  	v8 =	vadd.f32 v11, v60;
	[tilespmem:s18+$0x6430] =	vst v7;
	v7 =	vld [tilespmem:s18+$0x64A0]  }
0x44: {  	v9 =	vadd.f32 v12, v21;
	[tilespmem:s18+$0x6440] =	vst v6;
	v6 =	vld [tilespmem:s18+$0x64B0]  }
0x45: {  	[tilespmem:s18+$0x6450] =	vst v8;
	v8 =	vld [tilespmem:s18+$0x64C0];
	v10 =	vadd.f32 v13, v61  }
0x46: {  	v12 =	vadd.f32 v14, v62;
	[tilespmem:s18+$0x6460] =	vst v9;
	v9 =	vld [tilespmem:s18+$0x64D0]  }
0x47: {  	s19 =	simm.s32 $0x400;
	v11 =	vadd.f32 v15, v63;
	[tilespmem:s18+$0x6470] =	vst v10;
	v10 =	vld [tilespmem:s18+$0x64E0]  }
.LBB2_3:
0x48: {  	s21 =	sshra.s32 s19, $0x2;
	p0 =	sne.s32 s19, $0xC400;
	[tilespmem:s18+$0x6480] =	vst v12;
	v5 =	vadd.f32 v5, v7;
	v7 =	vld [tilespmem:s18+$0x64F0]  }
0x49: {  	v12 =	vld [tilespmem:s21+$0x12C00];
	[tilespmem:s18+$0x6490] =	vst v11;
	v4 =	vadd.f32 v4, v6  }
0x4a: {  	v6 =	vld [tilespmem:s21+$0x12C10];
	[tilespmem:s18+$0x64A0] =	vst v5;
	v3 =	vadd.f32 v3, v8  }
0x4b: {  	v8 =	vld [tilespmem:s21+$0x12C20];
	[tilespmem:s18+$0x64B0] =	vst v4;
	v2 =	vadd.f32 v2, v9  }
0x4c: {  	v9 =	vld [tilespmem:s21+$0x12C30];
	[tilespmem:s18+$0x64C0] =	vst v3;
	v1 =	vadd.f32 v1, v10  }
0x4d: {  	v10 =	vld [tilespmem:s21+$0x12C40];
	[tilespmem:s18+$0x64D0] =	vst v2;
	v0 =	vadd.f32 v0, v7  }
0x4e: {  	v7 =	vld [tilespmem:s21+$0x12C50];
	[tilespmem:s18+$0x64E0] =	vst v1  }
0x4f: {  	v11 =	vld [tilespmem:s21+$0x12C60];
	[tilespmem:s18+$0x64F0] =	vst v0;
	s18 =	smov.u32 s21  }
0x50: {  	v13 =	vld [tilespmem:s18+$0x12C70]  }
0x51: {  	v14 =	vld [tilespmem:s18+$0x12C80]  }
0x52: {  	v15 =	vld [tilespmem:s18+$0x12C90]  }
0x53: {  	v5 =	vld [tilespmem:s18+$0x12CA0]  }
0x54: {  	v4 =	vld [tilespmem:s18+$0x12CB0]  }
0x55: {  	v3 =	vld [tilespmem:s18+$0x12CC0]  }
0x56: {  	v2 =	vld [tilespmem:s18+$0x12CD0]  }
0x57: {  	v1 =	vld [tilespmem:s18+$0x12CE0]  }
0x58: {  	v0 =	vld [tilespmem:s18+$0x12CF0]  }
0x59: {  	v16 =	vld [tilespmem:s18+$0x6400]  }
0x5a: {  	v17 =	vld [tilespmem:s18+$0x6410]  }
0x5b: {  	v18 =	vld [tilespmem:s18+$0x6420]  }
0x5c: {  	v19 =	vld [tilespmem:s18+$0x6430]  }
0x5d: {  	v20 =	vld [tilespmem:s18+$0x6440]  }
0x5e: {  	v12 =	vadd.f32 v12, v16;
	v16 =	vld [tilespmem:s18+$0x6450]  }
0x5f: {  	v6 =	vadd.f32 v6, v17;
	v17 =	vld [tilespmem:s18+$0x6460]  }
0x60: {  	[tilespmem:s18+$0x6400] =	vst v12;
	v8 =	vadd.f32 v8, v18;
	v12 =	vld [tilespmem:s18+$0x6470]  }
0x61: {  	[tilespmem:s18+$0x6410] =	vst v6;
	v6 =	vadd.f32 v9, v19;
	v9 =	vld [tilespmem:s18+$0x6480]  }
0x62: {  	[tilespmem:s18+$0x6420] =	vst v8;
	v8 =	vadd.f32 v10, v20;
	v10 =	vld [tilespmem:s18+$0x6490]  }
.Ltmp0:
0x63: {  	[tilespmem:s18+$0x6430] =	vst v6;
	v16 =	vadd.f32 v7, v16;
	v7 =	vld [tilespmem:s18+$0x64A0];
	(pc) =	sbr.rel @p0 .LBB2_3-.Ltmp0, $4  }
0x64: {  	[tilespmem:s18+$0x6440] =	vst v8;
	v11 =	vadd.f32 v11, v17;
	v6 =	vld [tilespmem:s18+$0x64B0]  }
0x65: {  	[tilespmem:s18+$0x6450] =	vst v16;
	v13 =	vadd.f32 v13, v12;
	v8 =	vld [tilespmem:s18+$0x64C0]  }
0x66: {  	[tilespmem:s18+$0x6460] =	vst v11;
	v12 =	vadd.f32 v14, v9;
	v9 =	vld [tilespmem:s18+$0x64D0]  }
0x67: {  	s19 =	sadd.s32 $0x400, s19;
	[tilespmem:s18+$0x6470] =	vst v13;
	v11 =	vadd.f32 v15, v10;
	v10 =	vld [tilespmem:s18+$0x64E0]  }
0x68: {  	[tilespmem:s18+$0x6480] =	vst v12;
	v5 =	vadd.f32 v5, v7;
	v7 =	vld [tilespmem:s18+$0x64F0]  }
0x69: {  	[tilespmem:s18+$0x6490] =	vst v11;
	v4 =	vadd.f32 v4, v6  }
0x6a: {  	[tilespmem:s18+$0x64A0] =	vst v5;
	v3 =	vadd.f32 v3, v8  }
0x6b: {  	[tilespmem:s18+$0x64B0] =	vst v4;
	v2 =	vadd.f32 v2, v9  }
0x6c: {  	[tilespmem:s18+$0x64C0] =	vst v3;
	v1 =	vadd.f32 v1, v10  }
0x6d: {  	[tilespmem:s18+$0x64D0] =	vst v2;
	v0 =	vadd.f32 v0, v7  }
0x6e: {  	p0 =	seq.s32 s17, $0x0;
	[tilespmem:s18+$0x64E0] =	vst v1  }
0x6f: {  	s21 =	sshll.u32 s17, $0x2;
	s19 =	simm.s32 @!p0 $0x8;
	[tilespmem:s18+$0x64F0] =	vst v0;
	s18 =	sshllo.u32 s17, $0x2  }
0x70: {  	s23 =	simm.s32 @!p0 $0xFA00;
	_ =	swait.ge @!p0 [sflag:s19], $0x3200;
	s22 =	smul.u32 @!p0 $0x320, s18  }
0x71: {  	s26 =	sadd.s32 s4, s21;
	s25 =	simm.s32 @!p0 $0x11A00;
	[sflag:s19] =	ssyncset.done @!p0 $0x0  }
0x72: {  	[sflag:s19] =	ssyncadd.s32 @!p0 $0xFFFFCE00;
	s19 =	sshra.s32 @!p0 s22, $0x2;
	s22 =	simm.s32 @!p0 $0x80  }
0x73: {  	[tilespmem:s23], [sflag:$0x4] =	stream.indirect.gather @!p0 [hbm4b:s5+s22], $0x40, s19, s22, $0xb8;
	[tilespmem:$0x15E00] =	vst v63  }
0x74: {  	s19 =	sadd.s32 @!p0 $0x80, s19;
	s23 =	simm.s32 @!p0 $0x48;
	s22 =	smul.u32 $0x640, s26  }
0x75: {  	[tilespmem:s25], [sflag:$0x4] =	stream.indirect.gather @!p0 [hbm4b:s5+s23], $0x40, s19, s23, $0xb8;
	[tilespmem:$0x15E00] =	vst v63  }
0x76: {  	s26 =	simm.s32 $0x0;
	s25 =	sadd.s32 s2, s22  }
0x77: {  	[hbm4b:s25+s26] =	stream.linear.scatter [tilespmem:s12], [sflag:$0x5], $0x3200, $0x38;
	[tilespmem:$0x15E00] =	vst v63  }
0x78: {  	_ =	swait.ge [sflag:s29], $0x3200  }
0x79: {  	[sflag:s29] =	ssyncset.done $0x0  }
0x7a: {  	s19 =	simm.s32 $0x0;
	[sflag:s29] =	ssyncadd.s32 $0xFFFFCE00  }
0x7b: {  	v6 =	vld [tilespmem:s19+$0x12C00]  }
0x7c: {  	v7 =	vld [tilespmem:s19+$0x12C10]  }
0x7d: {  	v8 =	vld [tilespmem:s19+$0x12C20]  }
0x7e: {  	v9 =	vld [tilespmem:s19+$0x12C30]  }
0x7f: {  	v10 =	vld [tilespmem:s19+$0x12C40]  }
0x80: {  	v11 =	vld [tilespmem:s19+$0x12C50]  }
0x81: {  	v12 =	vld [tilespmem:s19+$0x12C60]  }
0x82: {  	v13 =	vld [tilespmem:s19+$0x12C70]  }
0x83: {  	v14 =	vld [tilespmem:s19+$0x12C80]  }
0x84: {  	v15 =	vld [tilespmem:s19+$0x12C90]  }
0x85: {  	v5 =	vld [tilespmem:s19+$0x12CA0]  }
0x86: {  	v4 =	vld [tilespmem:s19+$0x12CB0]  }
0x87: {  	v3 =	vld [tilespmem:s19+$0x12CC0]  }
0x88: {  	v2 =	vld [tilespmem:s19+$0x12CD0]  }
0x89: {  	v1 =	vld [tilespmem:s19+$0x12CE0]  }
0x8a: {  	v0 =	vld [tilespmem:s19+$0x12CF0]  }
0x8b: {  	v16 =	vld [tilespmem:s19+$0x9600]  }
0x8c: {  	v17 =	vld [tilespmem:s19+$0x9610]  }
0x8d: {  	v18 =	vld [tilespmem:s19+$0x9620]  }
0x8e: {  	v19 =	vld [tilespmem:s19+$0x9630]  }
0x8f: {  	v20 =	vld [tilespmem:s19+$0x9640]  }
0x90: {  	v60 =	vld [tilespmem:s19+$0x9650];
	v6 =	vadd.f32 v6, v16  }
0x91: {  	v21 =	vld [tilespmem:s19+$0x9660];
	v7 =	vadd.f32 v7, v17  }
0x92: {  	v61 =	vld [tilespmem:s19+$0x9670];
	[tilespmem:s19+$0x9600] =	vst v6;
	v6 =	vadd.f32 v8, v18  }
0x93: {  	v62 =	vld [tilespmem:s19+$0x9680];
	[tilespmem:s19+$0x9610] =	vst v7;
	v7 =	vadd.f32 v9, v19  }
0x94: {  	v63 =	vld [tilespmem:s19+$0x9690];
	[tilespmem:s19+$0x9620] =	vst v6;
	v6 =	vadd.f32 v10, v20  }
0x95: {  	v8 =	vadd.f32 v11, v60;
	[tilespmem:s19+$0x9630] =	vst v7;
	v7 =	vld [tilespmem:s19+$0x96A0]  }
0x96: {  	v9 =	vadd.f32 v12, v21;
	[tilespmem:s19+$0x9640] =	vst v6;
	v6 =	vld [tilespmem:s19+$0x96B0]  }
0x97: {  	[tilespmem:s19+$0x9650] =	vst v8;
	v8 =	vld [tilespmem:s19+$0x96C0];
	v10 =	vadd.f32 v13, v61  }
0x98: {  	v12 =	vadd.f32 v14, v62;
	[tilespmem:s19+$0x9660] =	vst v9;
	v9 =	vld [tilespmem:s19+$0x96D0]  }
0x99: {  	s22 =	simm.s32 $0x400;
	v11 =	vadd.f32 v15, v63;
	[tilespmem:s19+$0x9670] =	vst v10;
	v10 =	vld [tilespmem:s19+$0x96E0]  }
.LBB2_5:
0x9a: {  	s23 =	sshra.s32 s22, $0x2;
	p0 =	sne.s32 s22, $0xC400;
	[tilespmem:s19+$0x9680] =	vst v12;
	v5 =	vadd.f32 v5, v7;
	v7 =	vld [tilespmem:s19+$0x96F0]  }
0x9b: {  	v12 =	vld [tilespmem:s23+$0x12C00];
	[tilespmem:s19+$0x9690] =	vst v11;
	v4 =	vadd.f32 v4, v6  }
0x9c: {  	v6 =	vld [tilespmem:s23+$0x12C10];
	[tilespmem:s19+$0x96A0] =	vst v5;
	v3 =	vadd.f32 v3, v8  }
0x9d: {  	v8 =	vld [tilespmem:s23+$0x12C20];
	[tilespmem:s19+$0x96B0] =	vst v4;
	v2 =	vadd.f32 v2, v9  }
0x9e: {  	v9 =	vld [tilespmem:s23+$0x12C30];
	[tilespmem:s19+$0x96C0] =	vst v3;
	v1 =	vadd.f32 v1, v10  }
0x9f: {  	v10 =	vld [tilespmem:s23+$0x12C40];
	[tilespmem:s19+$0x96D0] =	vst v2;
	v0 =	vadd.f32 v0, v7  }
0xa0: {  	v7 =	vld [tilespmem:s23+$0x12C50];
	[tilespmem:s19+$0x96E0] =	vst v1  }
0xa1: {  	v11 =	vld [tilespmem:s23+$0x12C60];
	[tilespmem:s19+$0x96F0] =	vst v0;
	s19 =	smov.u32 s23  }
0xa2: {  	v13 =	vld [tilespmem:s19+$0x12C70]  }
0xa3: {  	v14 =	vld [tilespmem:s19+$0x12C80]  }
0xa4: {  	v15 =	vld [tilespmem:s19+$0x12C90]  }
0xa5: {  	v5 =	vld [tilespmem:s19+$0x12CA0]  }
0xa6: {  	v4 =	vld [tilespmem:s19+$0x12CB0]  }
0xa7: {  	v3 =	vld [tilespmem:s19+$0x12CC0]  }
0xa8: {  	v2 =	vld [tilespmem:s19+$0x12CD0]  }
0xa9: {  	v1 =	vld [tilespmem:s19+$0x12CE0]  }
0xaa: {  	v0 =	vld [tilespmem:s19+$0x12CF0]  }
0xab: {  	v16 =	vld [tilespmem:s19+$0x9600]  }
0xac: {  	v17 =	vld [tilespmem:s19+$0x9610]  }
0xad: {  	v18 =	vld [tilespmem:s19+$0x9620]  }
0xae: {  	v19 =	vld [tilespmem:s19+$0x9630]  }
0xaf: {  	v20 =	vld [tilespmem:s19+$0x9640]  }
0xb0: {  	v12 =	vadd.f32 v12, v16;
	v16 =	vld [tilespmem:s19+$0x9650]  }
0xb1: {  	v6 =	vadd.f32 v6, v17;
	v17 =	vld [tilespmem:s19+$0x9660]  }
0xb2: {  	[tilespmem:s19+$0x9600] =	vst v12;
	v8 =	vadd.f32 v8, v18;
	v12 =	vld [tilespmem:s19+$0x9670]  }
0xb3: {  	[tilespmem:s19+$0x9610] =	vst v6;
	v6 =	vadd.f32 v9, v19;
	v9 =	vld [tilespmem:s19+$0x9680]  }
0xb4: {  	[tilespmem:s19+$0x9620] =	vst v8;
	v8 =	vadd.f32 v10, v20;
	v10 =	vld [tilespmem:s19+$0x9690]  }
.Ltmp1:
0xb5: {  	[tilespmem:s19+$0x9630] =	vst v6;
	v16 =	vadd.f32 v7, v16;
	v7 =	vld [tilespmem:s19+$0x96A0];
	(pc) =	sbr.rel @p0 .LBB2_5-.Ltmp1, $4  }
0xb6: {  	[tilespmem:s19+$0x9640] =	vst v8;
	v11 =	vadd.f32 v11, v17;
	v6 =	vld [tilespmem:s19+$0x96B0]  }
0xb7: {  	[tilespmem:s19+$0x9650] =	vst v16;
	v13 =	vadd.f32 v13, v12;
	v8 =	vld [tilespmem:s19+$0x96C0]  }
0xb8: {  	[tilespmem:s19+$0x9660] =	vst v11;
	v12 =	vadd.f32 v14, v9;
	v9 =	vld [tilespmem:s19+$0x96D0]  }
0xb9: {  	s22 =	sadd.s32 $0x400, s22;
	[tilespmem:s19+$0x9670] =	vst v13;
	v11 =	vadd.f32 v15, v10;
	v10 =	vld [tilespmem:s19+$0x96E0]  }
0xba: {  	[tilespmem:s19+$0x9680] =	vst v12;
	v5 =	vadd.f32 v5, v7;
	v7 =	vld [tilespmem:s19+$0x96F0]  }
0xbb: {  	[tilespmem:s19+$0x9690] =	vst v11;
	v4 =	vadd.f32 v4, v6  }
0xbc: {  	[tilespmem:s19+$0x96A0] =	vst v5;
	v3 =	vadd.f32 v3, v8  }
0xbd: {  	[tilespmem:s19+$0x96B0] =	vst v4;
	v2 =	vadd.f32 v2, v9  }
0xbe: {  	[tilespmem:s19+$0x96C0] =	vst v3;
	v1 =	vadd.f32 v1, v10  }
0xbf: {  	[tilespmem:s19+$0x96D0] =	vst v2;
	v0 =	vadd.f32 v0, v7  }
0xc0: {  	p0 =	seq.s32 s17, $0x1F;
	[tilespmem:s19+$0x96E0] =	vst v1  }
0xc1: {  	[tilespmem:s19+$0x96F0] =	vst v0;
	s19 =	simm.s32 @!p0 $0x5  }
0xc2: {  	s22 =	smul.u32 @!p0 $0xC80, s17;
	_ =	swait.ge @!p0 [sflag:s19], $0x3200  }
0xc3: {  	s23 =	sor.u32 $0x1, s21;
	s25 =	simm.s32 @!p0 $0x80;
	[sflag:s19] =	ssyncset.done @!p0 $0x0  }
0xc4: {  	s23 =	sadd.s32 s4, s23;
	[sflag:s19] =	ssyncadd.s32 @!p0 $0xFFFFCE00;
	s19 =	sshra.s32 @!p0 s22, $0x2  }
0xc5: {  	s26 =	simm.s32 @!p0 $0x6400;
	s23 =	smul.u32 $0x640, s23;
	s22 =	sadd.s32 @!p0 $0x320, s19  }
0xc6: {  	[tilespmem:s26], [sflag:$0x1] =	stream.indirect.gather @!p0 [hbm4b:s5+s25], $0x40, s22, s25, $0xb8;
	[tilespmem:$0x15E00] =	vst v63  }
0xc7: {  	s22 =	sadd.s32 @!p0 $0x3A0, s19;
	s25 =	simm.s32 @!p0 $0x48;
	s26 =	simm.s32 @!p0 $0x8400  }
0xc8: {  	[tilespmem:s26], [sflag:$0x1] =	stream.indirect.gather @!p0 [hbm4b:s5+s25], $0x40, s22, s25, $0xb8;
	[tilespmem:$0x15E00] =	vst v63  }
0xc9: {  	s25 =	sadd.s32 s2, s23;
	s26 =	simm.s32 $0x0  }
0xca: {  	[hbm4b:s25+s26] =	stream.linear.scatter [tilespmem:s16], [sflag:$0x6], $0x3200, $0x38;
	[tilespmem:$0x15E00] =	vst v63  }
0xcb: {  	_ =	swait.ge [sflag:s30], $0x3200  }
0xcc: {  	[sflag:s30] =	ssyncset.done $0x0  }
0xcd: {  	s22 =	simm.s32 $0x0;
	[sflag:s30] =	ssyncadd.s32 $0xFFFFCE00  }
0xce: {  	v6 =	vld [tilespmem:s22+$0x12C00]  }
0xcf: {  	v7 =	vld [tilespmem:s22+$0x12C10]  }
0xd0: {  	v8 =	vld [tilespmem:s22+$0x12C20]  }
0xd1: {  	v9 =	vld [tilespmem:s22+$0x12C30]  }
0xd2: {  	v10 =	vld [tilespmem:s22+$0x12C40]  }
0xd3: {  	v11 =	vld [tilespmem:s22+$0x12C50]  }
0xd4: {  	v12 =	vld [tilespmem:s22+$0x12C60]  }
0xd5: {  	v13 =	vld [tilespmem:s22+$0x12C70]  }
0xd6: {  	v14 =	vld [tilespmem:s22+$0x12C80]  }
0xd7: {  	v15 =	vld [tilespmem:s22+$0x12C90]  }
0xd8: {  	v5 =	vld [tilespmem:s22+$0x12CA0]  }
0xd9: {  	v4 =	vld [tilespmem:s22+$0x12CB0]  }
0xda: {  	v3 =	vld [tilespmem:s22+$0x12CC0]  }
0xdb: {  	v2 =	vld [tilespmem:s22+$0x12CD0]  }
0xdc: {  	v1 =	vld [tilespmem:s22+$0x12CE0]  }
0xdd: {  	v0 =	vld [tilespmem:s22+$0x12CF0]  }
0xde: {  	v16 =	vld [tilespmem:s22+$0xC800]  }
0xdf: {  	v17 =	vld [tilespmem:s22+$0xC810]  }
0xe0: {  	v18 =	vld [tilespmem:s22+$0xC820]  }
0xe1: {  	v19 =	vld [tilespmem:s22+$0xC830]  }
0xe2: {  	v20 =	vld [tilespmem:s22+$0xC840]  }
0xe3: {  	v60 =	vld [tilespmem:s22+$0xC850];
	v6 =	vadd.f32 v6, v16  }
0xe4: {  	v21 =	vld [tilespmem:s22+$0xC860];
	v7 =	vadd.f32 v7, v17  }
0xe5: {  	v61 =	vld [tilespmem:s22+$0xC870];
	[tilespmem:s22+$0xC800] =	vst v6;
	v6 =	vadd.f32 v8, v18  }
0xe6: {  	v62 =	vld [tilespmem:s22+$0xC880];
	[tilespmem:s22+$0xC810] =	vst v7;
	v7 =	vadd.f32 v9, v19  }
0xe7: {  	v63 =	vld [tilespmem:s22+$0xC890];
	[tilespmem:s22+$0xC820] =	vst v6;
	v6 =	vadd.f32 v10, v20  }
0xe8: {  	v8 =	vadd.f32 v11, v60;
	[tilespmem:s22+$0xC830] =	vst v7;
	v7 =	vld [tilespmem:s22+$0xC8A0]  }
0xe9: {  	v9 =	vadd.f32 v12, v21;
	[tilespmem:s22+$0xC840] =	vst v6;
	v6 =	vld [tilespmem:s22+$0xC8B0]  }
0xea: {  	[tilespmem:s22+$0xC850] =	vst v8;
	v8 =	vld [tilespmem:s22+$0xC8C0];
	v10 =	vadd.f32 v13, v61  }
0xeb: {  	v12 =	vadd.f32 v14, v62;
	[tilespmem:s22+$0xC860] =	vst v9;
	v9 =	vld [tilespmem:s22+$0xC8D0]  }
0xec: {  	s23 =	simm.s32 $0x400;
	v11 =	vadd.f32 v15, v63;
	[tilespmem:s22+$0xC870] =	vst v10;
	v10 =	vld [tilespmem:s22+$0xC8E0]  }
.LBB2_7:
0xed: {  	s25 =	sshra.s32 s23, $0x2;
	p1 =	sne.s32 s23, $0xC400;
	[tilespmem:s22+$0xC880] =	vst v12;
	v5 =	vadd.f32 v5, v7;
	v7 =	vld [tilespmem:s22+$0xC8F0]  }
0xee: {  	v12 =	vld [tilespmem:s25+$0x12C00];
	[tilespmem:s22+$0xC890] =	vst v11;
	v4 =	vadd.f32 v4, v6  }
0xef: {  	v6 =	vld [tilespmem:s25+$0x12C10];
	[tilespmem:s22+$0xC8A0] =	vst v5;
	v3 =	vadd.f32 v3, v8  }
0xf0: {  	v8 =	vld [tilespmem:s25+$0x12C20];
	[tilespmem:s22+$0xC8B0] =	vst v4;
	v2 =	vadd.f32 v2, v9  }
0xf1: {  	v9 =	vld [tilespmem:s25+$0x12C30];
	[tilespmem:s22+$0xC8C0] =	vst v3;
	v1 =	vadd.f32 v1, v10  }
0xf2: {  	v10 =	vld [tilespmem:s25+$0x12C40];
	[tilespmem:s22+$0xC8D0] =	vst v2;
	v0 =	vadd.f32 v0, v7  }
0xf3: {  	v7 =	vld [tilespmem:s25+$0x12C50];
	[tilespmem:s22+$0xC8E0] =	vst v1  }
0xf4: {  	v11 =	vld [tilespmem:s25+$0x12C60];
	[tilespmem:s22+$0xC8F0] =	vst v0;
	s22 =	smov.u32 s25  }
0xf5: {  	v13 =	vld [tilespmem:s22+$0x12C70]  }
0xf6: {  	v14 =	vld [tilespmem:s22+$0x12C80]  }
0xf7: {  	v15 =	vld [tilespmem:s22+$0x12C90]  }
0xf8: {  	v5 =	vld [tilespmem:s22+$0x12CA0]  }
0xf9: {  	v4 =	vld [tilespmem:s22+$0x12CB0]  }
0xfa: {  	v3 =	vld [tilespmem:s22+$0x12CC0]  }
0xfb: {  	v2 =	vld [tilespmem:s22+$0x12CD0]  }
0xfc: {  	v1 =	vld [tilespmem:s22+$0x12CE0]  }
0xfd: {  	v0 =	vld [tilespmem:s22+$0x12CF0]  }
0xfe: {  	v16 =	vld [tilespmem:s22+$0xC800]  }
0xff: {  	v17 =	vld [tilespmem:s22+$0xC810]  }
0x100: {  	v18 =	vld [tilespmem:s22+$0xC820]  }
0x101: {  	v19 =	vld [tilespmem:s22+$0xC830]  }
0x102: {  	v20 =	vld [tilespmem:s22+$0xC840]  }
0x103: {  	v12 =	vadd.f32 v12, v16;
	v16 =	vld [tilespmem:s22+$0xC850]  }
0x104: {  	v6 =	vadd.f32 v6, v17;
	v17 =	vld [tilespmem:s22+$0xC860]  }
0x105: {  	[tilespmem:s22+$0xC800] =	vst v12;
	v8 =	vadd.f32 v8, v18;
	v12 =	vld [tilespmem:s22+$0xC870]  }
0x106: {  	[tilespmem:s22+$0xC810] =	vst v6;
	v6 =	vadd.f32 v9, v19;
	v9 =	vld [tilespmem:s22+$0xC880]  }
0x107: {  	[tilespmem:s22+$0xC820] =	vst v8;
	v8 =	vadd.f32 v10, v20;
	v10 =	vld [tilespmem:s22+$0xC890]  }
.Ltmp2:
0x108: {  	[tilespmem:s22+$0xC830] =	vst v6;
	v16 =	vadd.f32 v7, v16;
	v7 =	vld [tilespmem:s22+$0xC8A0];
	(pc) =	sbr.rel @p1 .LBB2_7-.Ltmp2, $4  }
0x109: {  	[tilespmem:s22+$0xC840] =	vst v8;
	v11 =	vadd.f32 v11, v17;
	v6 =	vld [tilespmem:s22+$0xC8B0]  }
0x10a: {  	[tilespmem:s22+$0xC850] =	vst v16;
	v13 =	vadd.f32 v13, v12;
	v8 =	vld [tilespmem:s22+$0xC8C0]  }
0x10b: {  	[tilespmem:s22+$0xC860] =	vst v11;
	v12 =	vadd.f32 v14, v9;
	v9 =	vld [tilespmem:s22+$0xC8D0]  }
0x10c: {  	s23 =	sadd.s32 $0x400, s23;
	[tilespmem:s22+$0xC870] =	vst v13;
	v11 =	vadd.f32 v15, v10;
	v10 =	vld [tilespmem:s22+$0xC8E0]  }
0x10d: {  	[tilespmem:s22+$0xC880] =	vst v12;
	v5 =	vadd.f32 v5, v7;
	v7 =	vld [tilespmem:s22+$0xC8F0]  }
0x10e: {  	[tilespmem:s22+$0xC890] =	vst v11;
	v4 =	vadd.f32 v4, v6  }
0x10f: {  	[tilespmem:s22+$0xC8A0] =	vst v5;
	v3 =	vadd.f32 v3, v8  }
0x110: {  	[tilespmem:s22+$0xC8B0] =	vst v4;
	v2 =	vadd.f32 v2, v9  }
0x111: {  	[tilespmem:s22+$0xC8C0] =	vst v3;
	v1 =	vadd.f32 v1, v10  }
0x112: {  	[tilespmem:s22+$0xC8D0] =	vst v2;
	v0 =	vadd.f32 v0, v7  }
0x113: {  	[tilespmem:s22+$0xC8E0] =	vst v1  }
0x114: {  	[tilespmem:s22+$0xC8F0] =	vst v0;
	s22 =	simm.s32 @!p0 $0x6  }
0x115: {  	s21 =	sor.u32 $0x2, s21;
	s23 =	simm.s32 @!p0 $0x80;
	_ =	swait.ge @!p0 [sflag:s22], $0x3200  }
0x116: {  	s25 =	simm.s32 @!p0 $0x9600;
	s21 =	sadd.s32 s4, s21;
	[sflag:s22] =	ssyncset.done @!p0 $0x0  }
0x117: {  	s21 =	smul.u32 $0x640, s21;
	[sflag:s22] =	ssyncadd.s32 @!p0 $0xFFFFCE00;
	s22 =	sadd.s32 @!p0 $0x3E8, s19  }
0x118: {  	[tilespmem:s25], [sflag:$0x2] =	stream.indirect.gather @!p0 [hbm4b:s5+s23], $0x40, s22, s23, $0xb8;
	[tilespmem:$0x15E00] =	vst v63  }
0x119: {  	s22 =	sadd.s32 @!p0 $0x468, s19;
	s23 =	simm.s32 @!p0 $0x48;
	s25 =	simm.s32 @!p0 $0xB600  }
0x11a: {  	[tilespmem:s25], [sflag:$0x2] =	stream.indirect.gather @!p0 [hbm4b:s5+s23], $0x40, s22, s23, $0xb8;
	[tilespmem:$0x15E00] =	vst v63  }
0x11b: {  	s26 =	simm.s32 $0x0;
	s21 =	sadd.s32 s2, s21  }
0x11c: {  	[hbm4b:s21+s26] =	stream.linear.scatter [tilespmem:s20], [sflag:$0x7], $0x3200, $0x38;
	[tilespmem:$0x15E00] =	vst v63  }
0x11d: {  	_ =	swait.ge [sflag:s31], $0x3200  }
0x11e: {  	[sflag:s31] =	ssyncset.done $0x0  }
0x11f: {  	s21 =	simm.s32 $0x0;
	[sflag:s31] =	ssyncadd.s32 $0xFFFFCE00  }
0x120: {  	v6 =	vld [tilespmem:s21+$0x12C00]  }
0x121: {  	v7 =	vld [tilespmem:s21+$0x12C10]  }
0x122: {  	v8 =	vld [tilespmem:s21+$0x12C20]  }
0x123: {  	v9 =	vld [tilespmem:s21+$0x12C30]  }
0x124: {  	v10 =	vld [tilespmem:s21+$0x12C40]  }
0x125: {  	v11 =	vld [tilespmem:s21+$0x12C50]  }
0x126: {  	v12 =	vld [tilespmem:s21+$0x12C60]  }
0x127: {  	v13 =	vld [tilespmem:s21+$0x12C70]  }
0x128: {  	v14 =	vld [tilespmem:s21+$0x12C80]  }
0x129: {  	v15 =	vld [tilespmem:s21+$0x12C90]  }
0x12a: {  	v5 =	vld [tilespmem:s21+$0x12CA0]  }
0x12b: {  	v4 =	vld [tilespmem:s21+$0x12CB0]  }
0x12c: {  	v3 =	vld [tilespmem:s21+$0x12CC0]  }
0x12d: {  	v2 =	vld [tilespmem:s21+$0x12CD0]  }
0x12e: {  	v1 =	vld [tilespmem:s21+$0x12CE0]  }
0x12f: {  	v0 =	vld [tilespmem:s21+$0x12CF0]  }
0x130: {  	v16 =	vld [tilespmem:s21+$0xFA00]  }
0x131: {  	v17 =	vld [tilespmem:s21+$0xFA10]  }
0x132: {  	v18 =	vld [tilespmem:s21+$0xFA20]  }
0x133: {  	v19 =	vld [tilespmem:s21+$0xFA30]  }
0x134: {  	v20 =	vld [tilespmem:s21+$0xFA40]  }
0x135: {  	v60 =	vld [tilespmem:s21+$0xFA50];
	v6 =	vadd.f32 v6, v16  }
0x136: {  	v21 =	vld [tilespmem:s21+$0xFA60];
	v7 =	vadd.f32 v7, v17  }
0x137: {  	v61 =	vld [tilespmem:s21+$0xFA70];
	[tilespmem:s21+$0xFA00] =	vst v6;
	v6 =	vadd.f32 v8, v18  }
0x138: {  	v62 =	vld [tilespmem:s21+$0xFA80];
	[tilespmem:s21+$0xFA10] =	vst v7;
	v7 =	vadd.f32 v9, v19  }
0x139: {  	v63 =	vld [tilespmem:s21+$0xFA90];
	[tilespmem:s21+$0xFA20] =	vst v6;
	v6 =	vadd.f32 v10, v20  }
0x13a: {  	v8 =	vadd.f32 v11, v60;
	[tilespmem:s21+$0xFA30] =	vst v7;
	v7 =	vld [tilespmem:s21+$0xFAA0]  }
0x13b: {  	v9 =	vadd.f32 v12, v21;
	[tilespmem:s21+$0xFA40] =	vst v6;
	v6 =	vld [tilespmem:s21+$0xFAB0]  }
0x13c: {  	[tilespmem:s21+$0xFA50] =	vst v8;
	v8 =	vld [tilespmem:s21+$0xFAC0];
	v10 =	vadd.f32 v13, v61  }
0x13d: {  	v12 =	vadd.f32 v14, v62;
	[tilespmem:s21+$0xFA60] =	vst v9;
	v9 =	vld [tilespmem:s21+$0xFAD0]  }
0x13e: {  	s22 =	simm.s32 $0x400;
	v11 =	vadd.f32 v15, v63;
	[tilespmem:s21+$0xFA70] =	vst v10;
	v10 =	vld [tilespmem:s21+$0xFAE0]  }
.LBB2_9:
0x13f: {  	s23 =	sshra.s32 s22, $0x2;
	p1 =	sne.s32 s22, $0xC400;
	[tilespmem:s21+$0xFA80] =	vst v12;
	v5 =	vadd.f32 v5, v7;
	v7 =	vld [tilespmem:s21+$0xFAF0]  }
0x140: {  	v12 =	vld [tilespmem:s23+$0x12C00];
	[tilespmem:s21+$0xFA90] =	vst v11;
	v4 =	vadd.f32 v4, v6  }
0x141: {  	v6 =	vld [tilespmem:s23+$0x12C10];
	[tilespmem:s21+$0xFAA0] =	vst v5;
	v3 =	vadd.f32 v3, v8  }
0x142: {  	v8 =	vld [tilespmem:s23+$0x12C20];
	[tilespmem:s21+$0xFAB0] =	vst v4;
	v2 =	vadd.f32 v2, v9  }
0x143: {  	v9 =	vld [tilespmem:s23+$0x12C30];
	[tilespmem:s21+$0xFAC0] =	vst v3;
	v1 =	vadd.f32 v1, v10  }
0x144: {  	v10 =	vld [tilespmem:s23+$0x12C40];
	[tilespmem:s21+$0xFAD0] =	vst v2;
	v0 =	vadd.f32 v0, v7  }
0x145: {  	v7 =	vld [tilespmem:s23+$0x12C50];
	[tilespmem:s21+$0xFAE0] =	vst v1  }
0x146: {  	v11 =	vld [tilespmem:s23+$0x12C60];
	[tilespmem:s21+$0xFAF0] =	vst v0;
	s21 =	smov.u32 s23  }
0x147: {  	v13 =	vld [tilespmem:s21+$0x12C70]  }
0x148: {  	v14 =	vld [tilespmem:s21+$0x12C80]  }
0x149: {  	v15 =	vld [tilespmem:s21+$0x12C90]  }
0x14a: {  	v5 =	vld [tilespmem:s21+$0x12CA0]  }
0x14b: {  	v4 =	vld [tilespmem:s21+$0x12CB0]  }
0x14c: {  	v3 =	vld [tilespmem:s21+$0x12CC0]  }
0x14d: {  	v2 =	vld [tilespmem:s21+$0x12CD0]  }
0x14e: {  	v1 =	vld [tilespmem:s21+$0x12CE0]  }
0x14f: {  	v0 =	vld [tilespmem:s21+$0x12CF0]  }
0x150: {  	v16 =	vld [tilespmem:s21+$0xFA00]  }
0x151: {  	v17 =	vld [tilespmem:s21+$0xFA10]  }
0x152: {  	v18 =	vld [tilespmem:s21+$0xFA20]  }
0x153: {  	v19 =	vld [tilespmem:s21+$0xFA30]  }
0x154: {  	v20 =	vld [tilespmem:s21+$0xFA40]  }
0x155: {  	v12 =	vadd.f32 v12, v16;
	v16 =	vld [tilespmem:s21+$0xFA50]  }
0x156: {  	v6 =	vadd.f32 v6, v17;
	v17 =	vld [tilespmem:s21+$0xFA60]  }
0x157: {  	[tilespmem:s21+$0xFA00] =	vst v12;
	v8 =	vadd.f32 v8, v18;
	v12 =	vld [tilespmem:s21+$0xFA70]  }
0x158: {  	[tilespmem:s21+$0xFA10] =	vst v6;
	v6 =	vadd.f32 v9, v19;
	v9 =	vld [tilespmem:s21+$0xFA80]  }
0x159: {  	[tilespmem:s21+$0xFA20] =	vst v8;
	v8 =	vadd.f32 v10, v20;
	v10 =	vld [tilespmem:s21+$0xFA90]  }
.Ltmp3:
0x15a: {  	[tilespmem:s21+$0xFA30] =	vst v6;
	v16 =	vadd.f32 v7, v16;
	v7 =	vld [tilespmem:s21+$0xFAA0];
	(pc) =	sbr.rel @p1 .LBB2_9-.Ltmp3, $4  }
0x15b: {  	[tilespmem:s21+$0xFA40] =	vst v8;
	v11 =	vadd.f32 v11, v17;
	v6 =	vld [tilespmem:s21+$0xFAB0]  }
0x15c: {  	[tilespmem:s21+$0xFA50] =	vst v16;
	v13 =	vadd.f32 v13, v12;
	v8 =	vld [tilespmem:s21+$0xFAC0]  }
0x15d: {  	[tilespmem:s21+$0xFA60] =	vst v11;
	v12 =	vadd.f32 v14, v9;
	v9 =	vld [tilespmem:s21+$0xFAD0]  }
0x15e: {  	s22 =	sadd.s32 $0x400, s22;
	[tilespmem:s21+$0xFA70] =	vst v13;
	v11 =	vadd.f32 v15, v10;
	v10 =	vld [tilespmem:s21+$0xFAE0]  }
0x15f: {  	[tilespmem:s21+$0xFA80] =	vst v12;
	v5 =	vadd.f32 v5, v7;
	v63 =	vld [tilespmem:s21+$0xFAF0]  }
0x160: {  	[tilespmem:s21+$0xFA90] =	vst v11;
	v4 =	vadd.f32 v4, v6  }
0x161: {  	[tilespmem:s21+$0xFAA0] =	vst v5;
	v3 =	vadd.f32 v3, v8  }
0x162: {  	[tilespmem:s21+$0xFAB0] =	vst v4;
	v2 =	vadd.f32 v2, v9  }
0x163: {  	[tilespmem:s21+$0xFAC0] =	vst v3;
	v1 =	vadd.f32 v1, v10  }
0x164: {  	[tilespmem:s21+$0xFAD0] =	vst v2;
	v0 =	vadd.f32 v0, v63  }
0x165: {  	[tilespmem:s21+$0xFAE0] =	vst v1  }
0x166: {  	[tilespmem:s21+$0xFAF0] =	vst v0;
	s21 =	simm.s32 @!p0 $0x7  }
0x167: {  	_ =	swait.ge @!p0 [sflag:s21], $0x3200  }
0x168: {  	s22 =	simm.s32 @!p0 $0x80;
	s23 =	simm.s32 @!p0 $0xC800;
	[sflag:s21] =	ssyncset.done @!p0 $0x0  }
0x169: {  	s17 =	sadd.s32 $0x1, s17;
	[sflag:s21] =	ssyncadd.s32 @!p0 $0xFFFFCE00;
	s21 =	sadd.s32 @!p0 $0x4B0, s19  }
0x16a: {  	[tilespmem:s23], [sflag:$0x3] =	stream.indirect.gather @!p0 [hbm4b:s5+s22], $0x40, s21, s22, $0xb8;
	[tilespmem:$0x15E00] =	vst v63  }
0x16b: {  	s19 =	sadd.s32 @!p0 $0x530, s19;
	s21 =	simm.s32 @!p0 $0x48;
	s22 =	simm.s32 @!p0 $0xE800  }
0x16c: {  	[tilespmem:s22], [sflag:$0x3] =	stream.indirect.gather @!p0 [hbm4b:s5+s21], $0x40, s19, s21, $0xb8;
	[tilespmem:$0x15E00] =	vst v63  }
0x16d: {  	p0 =	sne.s32 s17, $0x20  }
.Ltmp4:
0x16e: {  	s18 =	sadd.s32 s4, s18;
	(pc) =	sbr.rel @p0 .LBB2_2-.Ltmp4, $3  }
0x16f: {  	s18 =	smul.u32 $0x640, s18;
	_ =	sdelay $0x1  }
0x170: {  	s18 =	sadd.s32 s2, s18  }
0x171: {  	[hbm4b:s18+s3] =	stream.linear.scatter [tilespmem:s24], [sflag:$0x8], $0x3200, $0x38;
	[tilespmem:$0x15E00] =	vst v63  }
0x172: {  	_ =	swait.ge [sflag:s1], $0x3200  }
0x173: {  	[sflag:s1] =	ssyncset.done $0x0  }
0x174: {  	[sflag:s1] =	ssyncadd.s32 $0xFFFFCE00  }
0x175: {  	_ =	swait.ge [sflag:s0], $0x3200  }
0x176: {  	[sflag:s0] =	ssyncset.done $0x0  }
0x177: {  	s15 =	sadd.s32 $0x1, s15;
	[sflag:s0] =	ssyncadd.s32 $0xFFFFCE00  }
0x178: {  	p0 =	sne.s32 s15, s8;
	_ =	swait.ge [sflag:s9], $0x3200  }
.Ltmp5:
0x179: {  	[sflag:s9] =	ssyncset.done $0x0;
	(pc) =	sbr.rel @p0 .LBB2_1-.Ltmp5, $4  }
0x17a: {  	[sflag:s9] =	ssyncadd.s32 $0xFFFFCE00  }
0x17b: {  	_ =	swait.ge [sflag:s14], $0x3200  }
0x17c: {  	[sflag:s14] =	ssyncset.done $0x0  }
0x17d: {  	[sflag:s14] =	ssyncadd.s32 $0xFFFFCE00  }
0x17e: {  	_ =	sfence.sel $0x180000  }
0x17f: {  	[bflag:$0x0] =	sbarrier.arrive $0xFFFF  }
0x180: {  	_ =	strace $0x90000047  }
0x181: {  	s0 =	stileid.u32;
	[bflag:$0x2] =	sbarrier.arrive $0xFFFF  }
0x182: {  	p0 =	sne.s32 s0, $0x0;
	s0 =	rddreg [dreg:$0x2]  }
0x183: {  	s0 =	sadd.s32 @!p0 $0x100000, s0  }
0x184: {  	[sflag:s0] =	ssyncadd.tile.s32 @!p0 $0x1;
	_ =	shalt  }
.Lfunc_end2:
_tile_overlayer_lowered:
.L_overlay_start_2:
0x185: {  	(tag) =	ssettag $0x2  }
0x186: {  	s0 =	rddreg [dreg:$0x0];
	s2 =	stileid.u32  }
0x187: {  	s1 =	rddreg [dreg:$0x1];
	p0 =	sne.s32 s2, $0x0  }
0x188: {  	s3 =	rddreg [dreg:$0x2];
	[bflag:$0x3] =	sbarrier.arrive $0xFFFF;
	s2 =	simm.s32 @!p0 $0x1C09  }
0x189: {  	[timem:s3], [sflag:s2] =	dma.local @!p0 [hbm:s0], s1  }
0x18a: {  	s0 =	simm.s32 @!p0 $0x9  }
0x18b: {  	_ =	swait.ge @!p0 [sflag:s0], s1  }
0x18c: {  	s1 =	ssub.s32 @!p0 $0x0, s1;
	[sflag:s0] =	ssyncset.done @!p0 $0x0  }
0x18d: {  	[sflag:s0] =	ssyncadd.s32 @!p0 s1  }
0x18e: {  	[bflag:$0x3] =	sbarrier.arrive $0xFFFF  }
0x18f: {  	_ =	shalt  }

// kernel: sparse-core-data-format-call.cloned.1.call-start
scs
called_computation_lowered:
.L_overlay_start_0:
0x0: {  	s2 =	sld [smem:$0x3FD9]  }
0x1: {  	s3 =	sld [smem:$0x3FFE];
	_ =	sdelay $0x1  }
0x2: {  	s1 =	srdreg.scid  }
0x3: {  	s0 =	sand.u32 $0x1, s1  }
0x4: {  	s18 =	sshll.u32 s0, $0xA;
	s2 =	sadd.s32 s3, s2  }
0x5: {  	s2 =	sadd.s32 s2, s18  }
0x6: {  	[smem:$0x3FC6] =	sst s2  }
0x7: {  	_ = 	snop  }
0x8: {  	s2 =	sld [smem:$0x3FD0];
	(tm) =	ssettm $0x1  }
0x9: {  	s19 =	sld [smem:$0x3FFB];
	_ =	sdelay $0x3  }
0xa: {  	_ =	strace s19  }
0xb: {  	s3 =	sld [smem:$0x3FFC];
	_ =	sdelay $0x3  }
0xc: {  	_ =	strace s3  }
0xd: {  	s3 =	sld [smem:$0x3FFD];
	_ =	sdelay $0x3  }
0xe: {  	_ =	strace s3  }
0xf: {  	_ =	strace $0x8FFFFFFF  }
0x10: {  	s20 =	sld [smem:$0x3FDB];
	_ =	sdelay $0x1  }
0x11: {  	s4 =	simm.s32 $_scs_section_size  }
0x12: {  	s5 =	simm.s32 $_size__tile_overlayer_lowered;
	s6 =	simm.s32 $_tile_overlayer_lowered  }
0x13: {  	s23 =	simm.s32 $0x1BFF;
	s22 =	sshll.u32 s6, $0x1;
	s3 =	sadd.s32 s4, s20  }
0x14: {  	s7 =	simm.s32 $0x0;
	s21 =	sshll.u32 s5, $0x1;
	s5 =	sadd.s32 s22, s3  }
0x15: {  	[timem:s7], [sflag:s23] =	dma.local [hbm:s5], s21  }
0x16: {  	_ =	swait.ge [sflag:s23], s21  }
0x17: {  	s4 =	ssub.s32 $0x0, s21;
	[sflag:s23] =	ssyncset.done $0x0  }
0x18: {  	[sflag:s23] =	ssyncadd.s32 s4;
	_ =	sdelay $0x1  }
0x19: {  	s24 =	simm.s32 $0x1B8B  }
0x1a: {  	_ =	swait.ge [sflag:s24], $0x1  }
0x1b: {  	[sflag:s24] =	ssyncset.done $0x0  }
0x1c: {  	s26 =	simm.s32 $0x1B8E;
	s25 =	sld [smem:$0x3FFE];
	[sflag:s24] =	ssyncadd.s32 $0xFFFFFFFF  }
0x1d: {  	s27 =	simm.s32 $execute0_lowered;
	[smem:$0x3FD2] =	sst s26  }
0x1e: {  	s5 =	sshll.u32 s27, $0x1;
	_ =	strace $0x80000049;
	[dreg:$0x1] =	wrdreg $0xFFFFFFFF  }
0x1f: {  	s28 =	simm.s32 $_size_execute0_lowered;
	s3 =	sadd.s32 s3, s5;
	[dreg:$0x0] =	wrdreg $0x0  }
0x20: {  	s5 =	sshll.u32 s28, $0x1;
	[dreg:$0x2] =	wrdreg s3  }
0x21: {  	[dreg:$0x3] =	wrdreg s5  }
0x22: {  	[dreg:$0x4] =	wrdreg $0xC0  }
0x23: {  	_ =	task [dreg:s7], $0x5FFFF  }
0x24: {  	[dreg:$0x1] =	wrdreg $0xFFFFFFFF  }
0x25: {  	[dreg:$0x0] =	wrdreg $0x60  }
0x26: {  	[dreg:$0x2] =	wrdreg s25  }
0x27: {  	[dreg:$0x3] =	wrdreg s2  }
0x28: {  	[dreg:$0x4] =	wrdreg $0x9  }
0x29: {  	_ =	task.clear_ibuf [dreg:s7], $0x5FFFF;
	_ =	strace $0x90000049  }
0x2a: {  	s29 =	simm.s32 $0x9;
	_ =	strace $0x8000004B  }
0x2b: {  	_ =	swait.ge [sflag:s29], $0x1  }
0x2c: {  	[sflag:s29] =	ssyncadd.s32 $0xFFFFFFFF  }
0x2d: {  	_ =	strace $0x9000004B  }
0x2e: {  	_ =	sfence  }
0x2f: {  	s30 =	sld [smem:$0x0];
	_ =	sdelay $0x2  }
0x30: {  	s31 =	sshll.u32 s1, $0xD;
	s1 =	sshrl.u32 s1, $0x2  }
0x31: {  	s3 =	sand.u32 $0x4000, s31;
	s1 =	sadd.s32 s1, s30  }
0x32: {  	s0 =	sor.u32 s3, s0;
	s1 =	sshll.u32 s1, $0x11  }
0x33: {  	s0 =	sor.u32 s1, s0  }
0x34: {  	s0 =	sadd.s32 $0x8F2B, s0  }
0x35: {  	[sflag:s0] =	ssyncadd.remote.s32 $0x1  }
0x36: {  	_ =	sfence.sel $0xFFFF  }
0x37: {  	[dreg:$0x0] =	wrdreg $0xFFFFFFFF;
	(pc) =	sbr.abs _section_cstart, $3  }
0x38: {  	[dreg:$0x1] =	wrdreg $0xFFFFFFFF  }
0x39: {  	_ =	task.clear_ibuf [dreg:s7], $0x2FFFF;
	_ =	strace $0x9FFFFFFF  }
0x3a: {  	(tm) =	ssettm $0x7FFFFFFF  }
0x3b: {  	_ =	shalt  }
tec
execute0_lowered:
.L_overlay_start_1:
0x0: {  	(tag) =	ssettag $0x1  }
0x1: {  	s0 =	srdreg.scid  }
0x2: {  	s1 =	sshll.u32 s0, $0x4  }
0x3: {  	s0 =	stileid.u32;
	s1 =	sand.u32 $0x10, s1  }
0x4: {  	s1 =	sor.u32 s0, s1  }
0x5: {  	s6 =	rddreg [dreg:$0x0];
	s4 =	simm.s32 $0x1;
	s2 =	sshll.u32 s1, $0x7  }
0x6: {  	s7 =	simm.s32 $0x2;
	s12 =	simm.s32 $0x0;
	s1 =	ssub.s32 $0x1000, s2  }
0x7: {  	s8 =	simm.s32 $0x8000;
	s13 =	simm.s32 $0x0;
	s3 =	sand.u32 $0xF80, s1  }
0x8: {  	s9 =	simm.s32 $0x0;
	s5 =	sshrl.u32 s1, $0xC;
	p0 =	sne.s32 s3, $0x0  }
.Ltmp0:
0x9: {  	s1 =	rddreg [dreg:$0x2];
	s4 =	simm.s32 @!p0 $0x0;
	(pc) =	sbr.rel .LBB1_1-.Ltmp0, $4  }
0xa: {  	s11 =	simm.s32 $0x0;
	s3 =	rddreg [dreg:$0x1];
	s5 =	sadd.s32 s4, s5  }
0xb: {  	_ =	strace $0x8000004A;
	s4 =	simm.s32 $0x1;
	s5 =	smul.u32 $0xC8, s5  }
0xc: {  	s6 =	sadd.s32 $0x400, s6;
	s10 =	smov.u32 s2;
	[sflag:s4] =	ssyncpa.u1 $0x0  }
0xd: {  	p0 =	por $0x0, $0x0;
	[sflag:s7] =	ssyncpa.u1 $0x0;
	s7 =	sor.u32 $0x1, s5  }
.LBB1_4:
0xe: {  	s16 =	sshll.u32 s13, $0x3;
	s17 =	sand.u32 $0x78, s13  }
0xf: {  	s30 =	sand.u32 $0x7E00, s13;
	s12 =	sshll.u32 s12, $0xF;
	s16 =	sand.u32 $0xC00, s16  }
0x10: {  	[tilespmem:s15+$0x810 ss:$0x81] =	vst.msk $0xffff, v2;
	s31 =	sand.u32 $0x7, s13;
	s16 =	sor.u32 s17, s16;
	s17 =	sadd.s32 s3, s30  }
0x11: {  	[tilespmem:s15+$0x1020 ss:$0x81] =	vst.msk $0xffff, v0;
	s13 =	sshll.u32 s31, $0x12;
	s12 =	sadd.s32 s12, s17;
	s16 =	sshrl.u32 s16, $0x3  }
0x12: {  	[tilespmem:s15+$0x0 ss:$0x81] =	vst.msk $0xffff, v1;
	s13 =	sor.u32 $0x400, s13;
	s12 =	sadd.s32 s16, s12  }
0x13: {  	[hbm4b:s12+s13] =	stream.strided.scatter [tilespmem:s14], [sflag:$0x2], $0x2000, s8, s13, $0x20;
	[tilespmem:$0x8080] =	vst v63  }
.LBB1_5:
0x14: {  	s14 =	sadd.s32 $0x1, s9  }
0x15: {  	s12 =	sadd.s32 $0x1000, s10;
	s16 =	smov.u32 s10;
	p2 =	sgt.s32 s14, $0xC7  }
0x16: {  	s16 =	smov.u32 @p2 s12  }
0x17: {  	s14 =	simm.s32 @p2 $0x0;
	p2 =	sgt.s32 s16, $0xFFF  }
0x18: {  	s16 =	smov.u32 @p2 s2;
	p2 =	sne.s32 s11, s7  }
.Ltmp1:
0x19: {  	p1 =	slt.u32 s11, $0x2;
	(pc) =	sbr.rel @!p2 .LBB1_6-.Ltmp1, $4  }
0x1a: {  	s15 =	simm.s32 @!p1 $0x2  }
0x1b: {  	s13 =	smov.u32 s10;
	p0 =	por !p0, !p0;
	_ =	swait.ge @!p1 [sflag:s15], $0x2000  }
0x1c: {  	s12 =	smov.u32 s9;
	[sflag:s15] =	ssyncset.done @!p1 $0x0;
	s9 =	smov.u32 s14  }
0x1d: {  	s11 =	sadd.s32 $0x1, s11;
	[sflag:s15] =	ssyncadd.s32 @!p1 $0xFFFFE000;
	s10 =	smov.u32 s16  }
.LBB1_1:
0x1e: {  	p1 =	sge.u32 s11, s5  }
0x1f: {  	s14 =	sand.u32 @!p1 $0x1FFFFFF, s9  }
0x20: {  	s15 =	smulhi.u32 @!p1 $0x147AE15, s14;
	_ =	sdelay $0x1  }
0x21: {  	s15 =	smul.u32 @!p1 $0xC8, s15  }
0x22: {  	s16 =	sxor.u32 @!p1 $0xFFFFFFFF, s11;
	s17 =	smul.u32 @!p1 $0xC80, s10  }
0x23: {  	s31 =	sadd.s32 $0xFFFFFFFF, s11;
	s16 =	sshll.u32 @!p1 s16, $0xD;
	s14 =	ssub.s32 @!p1 s14, s15  }
0x24: {  	s15 =	sand.u32 @!p1 $0x2000, s16;
	s16 =	sadd.s32 @!p1 s6, s17;
	s14 =	sshll.u32 @!p1 s14, $0x4  }
0x25: {  	s17 =	simm.s32 @!p1 $0x6400;
	s14 =	sadd.s32 @!p1 s14, s16;
	s16 =	simm.s32 @!p1 $0x40  }
0x26: {  	[tilespmem:s15], [sflag:$0x1] =	stream.strided.gather @!p1 [hbm4b:s14+s16], $0x2000, s17, s16, $0x38;
	[tilespmem:$0x8080] =	vst v63  }
0x27: {  	p1 =	sge.u32 s31, s5  }
.Ltmp2:
0x28: {  	_ = 	snop;
	(pc) =	sbr.rel @p1 .LBB1_5-.Ltmp2, $1  }
0x29: {  	_ =	sdelay $0x3  }
0x2a: {  	s14 =	simm.s32 $0x1  }
0x2b: {  	_ =	swait.ge [sflag:s4], $0x2000;
	s14 =	simm.s32 @!p0 $0x0  }
0x2c: {  	[sflag:s4] =	ssyncset.done $0x0;
	s15 =	sshll.u32 s14, $0xD  }
0x2d: {  	[sflag:s4] =	ssyncadd.s32 $0xFFFFE000;
	s18 =	sor.u32 $0x20, s15  }
0x2e: {  	s14 =	smul.u32 $0x8100, s14;
	v3 =	vld [tilespmem:s18+$0x10]  }
0x2f: {  	s30 =	sand.u32 $0x1, s11;
	v2 =	vld [tilespmem:s18+$0xFFFFFFF0]  }
0x30: {  	s15 =	smul.u32 $0x8100, s30;
	s14 =	sshrl.u32 s14, $0x2;
	v0 =	vld [tilespmem:s18+$0x0]  }
0x31: {  	v1 =	vld [tilespmem:s18+$0xFFFFFFE0];
	s16 =	sor.u32 $0x4000, s14  }
0x32: {  	s31 =	sshrl.u32 s15, $0x2;
	s15 =	sadd.s32 $0x0, s16  }
0x33: {  	s17 =	simm.s32 $0x4;
	s18 =	sadd.s32 $0x40, s18;
	s14 =	sor.u32 $0x4000, s31;
	[tilespmem:s15+$0x1830 ss:$0x81] =	vst.msk $0xffff, v3  }
.LBB1_3:
0x34: {  	v3 =	vld [tilespmem:s18+$0x10];
	p1 =	sne.s32 s17, $0x1FC;
	[tilespmem:s15+$0x810 ss:$0x81] =	vst.msk $0xffff, v2;
	s19 =	smov.u32 s17;
	s17 =	sadd.s32 $0x4, s17  }
.Ltmp3:
0x35: {  	v2 =	vld [tilespmem:s18+$0xFFFFFFF0];
	[tilespmem:s15+$0x1020 ss:$0x81] =	vst.msk $0xffff, v0;
	(pc) =	sbr.rel @p1 .LBB1_3-.Ltmp3, $4  }
0x36: {  	v0 =	vld [tilespmem:s18+$0x0];
	[tilespmem:s15+$0x0 ss:$0x81] =	vst.msk $0xffff, v1  }
0x37: {  	s15 =	sshra.s32 s19, $0x2;
	v1 =	vld [tilespmem:s18+$0xFFFFFFE0]  }
0x38: {  	s15 =	sadd.s32 s15, s16  }
0x39: {  	s18 =	sadd.s32 $0x40, s18;
	[tilespmem:s15+$0x1830 ss:$0x81] =	vst.msk $0xffff, v3  }
.Ltmp4:
0x3a: {  	_ = 	snop;
	(pc) =	sbr.rel .LBB1_4-.Ltmp4, $1  }
0x3b: {  	_ =	sdelay $0x3  }
.LBB1_6:
0x3c: {  	_ =	sfence.sel $0x180000  }
0x3d: {  	s2 =	simm.s32 $0x1;
	[bflag:$0x0] =	sbarrier.arrive $0xFFFF  }
0x3e: {  	s31 =	simm.s32 $0x2;
	[sflag:s2] =	ssyncpa.u1 $0x1  }
0x3f: {  	[sflag:s31] =	ssyncpa.u1 $0x1  }
0x40: {  	p0 =	sne.s32 s0, $0x0;
	_ =	strace $0x9000004A  }
0x41: {  	s0 =	sadd.s32 @!p0 $0x100000, s1;
	[bflag:$0x2] =	sbarrier.arrive $0xFFFF  }
0x42: {  	[sflag:s0] =	ssyncadd.tile.s32 @!p0 $0x1;
	_ =	shalt  }
.Lfunc_end1:
_tile_overlayer_lowered:
.L_overlay_start_2:
0x43: {  	(tag) =	ssettag $0x2  }
0x44: {  	s0 =	rddreg [dreg:$0x0];
	s2 =	stileid.u32  }
0x45: {  	s1 =	rddreg [dreg:$0x1];
	p0 =	sne.s32 s2, $0x0  }
0x46: {  	s3 =	rddreg [dreg:$0x2];
	[bflag:$0x3] =	sbarrier.arrive $0xFFFF;
	s2 =	simm.s32 @!p0 $0x1C01  }
0x47: {  	[timem:s3], [sflag:s2] =	dma.local @!p0 [hbm:s0], s1  }
0x48: {  	s0 =	simm.s32 @!p0 $0x1  }
0x49: {  	_ =	swait.ge @!p0 [sflag:s0], s1  }
0x4a: {  	s1 =	ssub.s32 @!p0 $0x0, s1;
	[sflag:s0] =	ssyncset.done @!p0 $0x0  }
0x4b: {  	[sflag:s0] =	ssyncadd.s32 @!p0 s1  }
0x4c: {  	[bflag:$0x3] =	sbarrier.arrive $0xFFFF  }
0x4d: {  	_ =	shalt  }

</sc_bundles>
